<compile_context>
chip_gen: v7x
topology: tpu7x:2x2x1
jax: 0.10.2.dev20260603
libtpu: 0.0.44.dev20260713+nightly
codegen_flags: <defaults>
</compile_context>

<pallas_src>
import functools

import jax
import jax.numpy as jnp
from jax import lax
from jax.experimental import pallas as pl
from jax.experimental.pallas import tpu as pltpu
from jax.experimental.pallas import tpu_sc as plsc

BN_EPS = 1e-5
B = 4
N = 8192
NP = 2048
KNN = 16
CIN = 64
COUT = 64
RK, LC = 64, 128



def _fps_body(coords_ref, xyz_smem_ref, newx_ref):
    gidx = (lax.broadcasted_iota(jnp.int32, (RK, LC), 0) * LC
            + lax.broadcasted_iota(jnp.int32, (RK, LC), 1))

    def step(i, state):
        far, dists = state
        cents = []
        for b in range(B):
            f = far[b]
            cents.append((xyz_smem_ref[3 * b, f],
                          xyz_smem_ref[3 * b + 1, f],
                          xyz_smem_ref[3 * b + 2, f]))
        newfar = []
        newdists = []
        for b in range(B):
            cx, cy, cz = cents[b]
            newx_ref[3 * b, i] = cx
            newx_ref[3 * b + 1, i] = cy
            newx_ref[3 * b + 2, i] = cz
            dx = coords_ref[b, 0] - cx
            dy = coords_ref[b, 1] - cy
            dz = coords_ref[b, 2] - cz
            nd = jnp.minimum(dists[b], (dx * dx + dy * dy) + dz * dz)
            mx = jnp.max(nd, keepdims=True).reshape(1, 1)
            nf = jnp.min(jnp.where(nd == mx, gidx, jnp.int32(2**30)))
            newfar.append(nf)
            newdists.append(nd)
        return tuple(newfar), tuple(newdists)

    init = (tuple(jnp.int32(0) for _ in range(B)),
            tuple(jnp.full((RK, LC), 1e10, jnp.float32) for _ in range(B)))
    lax.fori_loop(0, NP, step, init, unroll=4)


def _fps(coords, xyz_smem):
    return pl.pallas_call(
        _fps_body,
        in_specs=[
            pl.BlockSpec(memory_space=pltpu.VMEM),
            pl.BlockSpec(memory_space=pltpu.SMEM),
        ],
        out_specs=pl.BlockSpec(memory_space=pltpu.SMEM),
        out_shape=jax.ShapeDtypeStruct((B * 3, NP), jnp.float32),
    )(coords, xyz_smem)


TS = 256


def _knn_body(xyzT_ref, new_ref, w3_ref, idx_ref, q_ref, D_ref):
    X1 = xyzT_ref[0, 0:1, :]
    Y1 = xyzT_ref[0, 1:2, :]
    Z1 = xyzT_ref[0, 2:3, :]
    nx = new_ref[0, :, 0:1]
    ny = new_ref[0, :, 1:2]
    nz = new_ref[0, :, 2:3]
    sx = (X1 * X1 + Y1 * Y1) + Z1 * Z1
    sn = (nx * nx + ny * ny) + nz * nz
    dot = jnp.dot(new_ref[0], xyzT_ref[0], preferred_element_type=jnp.float32)
    D_ref[...] = (sn - 2.0 * dot) + sx
    lane = lax.broadcasted_iota(jnp.int32, (TS, N), 1)
    BIGI = jnp.int32(2**30)
    am = jnp.full((TS, 1), -1, jnp.int32)
    for k in range(KNN):
        Dcur = jnp.where(lane == am, 1e30, D_ref[...])
        D_ref[...] = Dcur
        mval = jnp.min(Dcur, axis=1, keepdims=True)
        am = jnp.min(jnp.where(Dcur == mval, lane, BIGI), axis=1,
                     keepdims=True)
        idx_ref[0, :, k:k + 1] = am
    q_ref[0] = (nx * w3_ref[0:1, :] + ny * w3_ref[1:2, :]) + nz * w3_ref[2:3, :]


def _knn(xyzT, new_xyz, w3):
    grid = (B, NP // TS)
    return pl.pallas_call(
        _knn_body,
        grid=grid,
        in_specs=[
            pl.BlockSpec((1, 3, N), lambda b, s: (b, 0, 0)),
            pl.BlockSpec((1, TS, 3), lambda b, s: (b, s, 0)),
            pl.BlockSpec((3, COUT), lambda b, s: (0, 0)),
        ],
        out_specs=[
            pl.BlockSpec((1, TS, KNN), lambda b, s: (b, s, 0)),
            pl.BlockSpec((1, TS, COUT), lambda b, s: (b, s, 0)),
        ],
        out_shape=[
            jax.ShapeDtypeStruct((B, NP, KNN), jnp.int32),
            jax.ShapeDtypeStruct((B, NP, COUT), jnp.float32),
        ],
        scratch_shapes=[pltpu.VMEM((TS, N), jnp.float32)],
    )(xyzT, new_xyz, w3)


TG = 2048


def _gmat_body(feat_ref, xyz_ref, w64_ref, w3_ref, g_ref):
    f = feat_ref[0]
    g = jnp.dot(f, w64_ref[...], preferred_element_type=jnp.float32,
                precision=lax.Precision.HIGHEST)
    x0 = xyz_ref[0][:, 0:1]
    x1 = xyz_ref[0][:, 1:2]
    x2 = xyz_ref[0][:, 2:3]
    g = g + ((x0 * w3_ref[0:1, :] + x1 * w3_ref[1:2, :])
             + x2 * w3_ref[2:3, :])
    g_ref[0] = jnp.concatenate(
        [g, xyz_ref[0], jnp.zeros((TG, COUT - 3), jnp.float32)], axis=1)


def _gmat(features, xyz, w64, w3):
    grid = (B, N // TG)
    return pl.pallas_call(
        _gmat_body,
        grid=grid,
        in_specs=[
            pl.BlockSpec((1, TG, CIN), lambda b, s: (b, s, 0)),
            pl.BlockSpec((1, TG, 3), lambda b, s: (b, s, 0)),
            pl.BlockSpec((CIN, COUT), lambda b, s: (0, 0)),
            pl.BlockSpec((3, COUT), lambda b, s: (0, 0)),
        ],
        out_specs=pl.BlockSpec((1, TG, 2 * COUT), lambda b, s: (b, s, 0)),
        out_shape=jax.ShapeDtypeStruct((B, N, 2 * COUT), jnp.float32),
    )(features, xyz, w64, w3)


_NC = 2
_NS = 16
_NW = _NC * _NS
_GTOT = B * NP * KNN
_NTOT = B * NP


@functools.cache
def _sc_gather_fn(n_rows, chunk):
    per_w = n_rows // _NW
    n_ch = per_w // chunk

    def body(table_hbm, idx_hbm, out_hbm, idx_v, rows_v, sem):
        wid = lax.axis_index("s") * _NC + lax.axis_index("c")
        base = wid * per_w
        for c in range(n_ch):
            off = base + c * chunk
            pltpu.sync_copy(idx_hbm.at[pl.ds(off, chunk)], idx_v)
            pltpu.async_copy(table_hbm.at[idx_v], rows_v, sem).wait()
            pltpu.sync_copy(rows_v, out_hbm.at[pl.ds(off, chunk)])

    return pl.kernel(
        body,
        out_type=jax.ShapeDtypeStruct((n_rows, 2 * COUT), jnp.float32),
        mesh=plsc.VectorSubcoreMesh(core_axis_name="c", subcore_axis_name="s",
                                    num_cores=_NC, num_subcores=_NS),
        scratch_types=[
            pltpu.VMEM((chunk,), jnp.int32),
            pltpu.VMEM((chunk, 2 * COUT), jnp.float32),
            pltpu.SemaphoreType.DMA,
        ],
    )


def _sc_gather(table, idx, n_rows, chunk):
    return _sc_gather_fn(n_rows, chunk)(table, idx)


TR = 256


def _pool_body(ggrp_ref, q_ref, mmax_ref, mmin_ref, sums_ref):
    first = (pl.program_id(0) == 0) & (pl.program_id(1) == 0)
    g = ggrp_ref[0].reshape(TR, KNN, 2 * COUT)[:, :, :COUT]
    h = g - q_ref[0][:, None, :]
    mmax_ref[0] = jnp.max(h, axis=1)
    mmin_ref[0] = jnp.min(h, axis=1)
    s1 = jnp.sum(h, axis=(0, 1))
    s2 = jnp.sum(h * h, axis=(0, 1))
    s = jnp.concatenate([s1[None, :], s2[None, :]], axis=0)
    sums_ref[...] = jnp.where(first, s, sums_ref[...] + s)


def _pool(ggrp, q):
    grid = (B, NP // TR)
    return pl.pallas_call(
        _pool_body,
        grid=grid,
        in_specs=[
            pl.BlockSpec((1, TR * KNN, 2 * COUT), lambda b, s: (b, s, 0)),
            pl.BlockSpec((1, TR, COUT), lambda b, s: (b, s, 0)),
        ],
        out_specs=[
            pl.BlockSpec((1, TR, COUT), lambda b, s: (b, s, 0)),
            pl.BlockSpec((1, TR, COUT), lambda b, s: (b, s, 0)),
            pl.BlockSpec((2, COUT), lambda b, s: (0, 0)),
        ],
        out_shape=[
            jax.ShapeDtypeStruct((B, NP, COUT), jnp.float32),
            jax.ShapeDtypeStruct((B, NP, COUT), jnp.float32),
            jax.ShapeDtypeStruct((2, COUT), jnp.float32),
        ],
    )(ggrp, q)




def _bn_body(sums_ref, gamma_ref, beta_ref, mmax_ref, mmin_ref, out_ref):
    cnt = float(B * NP * KNN)
    mean = sums_ref[0:1, :] / cnt
    var = sums_ref[1:2, :] / cnt - mean * mean
    std = jnp.sqrt(var + BN_EPS)
    gam = gamma_ref[...]
    sel = jnp.where(gam >= 0, mmax_ref[0], mmin_ref[0])
    out_ref[0] = jnp.maximum((sel - mean) / std * gam + beta_ref[...], 0.0)


def _bn(sums, gamma, beta, mmax, mmin):
    grid = (B, NP // TR)
    return pl.pallas_call(
        _bn_body,
        grid=grid,
        in_specs=[
            pl.BlockSpec((2, COUT), lambda b, s: (0, 0)),
            pl.BlockSpec((1, COUT), lambda b, s: (0, 0)),
            pl.BlockSpec((1, COUT), lambda b, s: (0, 0)),
            pl.BlockSpec((1, TR, COUT), lambda b, s: (b, s, 0)),
            pl.BlockSpec((1, TR, COUT), lambda b, s: (b, s, 0)),
        ],
        out_specs=pl.BlockSpec((1, TR, COUT), lambda b, s: (b, s, 0)),
        out_shape=jax.ShapeDtypeStruct((B, NP, COUT), jnp.float32),
    )(sums, gamma, beta, mmax, mmin)




def kernel(xyz, features, W, gamma, beta):
    xyzT = xyz.transpose(0, 2, 1)
    coords = xyzT.reshape(B, 3, RK, LC)
    w3 = W[:3]
    w64 = W[3:]

    newx = _fps(coords, xyzT.reshape(B * 3, N))
    new_xyz = newx.reshape(B, 3, NP).transpose(0, 2, 1)
    g = _gmat(features, xyz, w64, w3)
    table = g.reshape(B * N, 2 * COUT)
    offs = (jnp.arange(B, dtype=jnp.int32) * N)[:, None]
    knn_idx, q = _knn(xyzT, new_xyz, w3)
    flat_idx = (knn_idx.reshape(B, NP * KNN) + offs).reshape(_GTOT)
    ggrp = _sc_gather(table, flat_idx, _GTOT, 512)
    mmax, mmin, sums = _pool(ggrp.reshape(B, NP * KNN, 2 * COUT), q)
    out = _bn(sums, gamma.reshape(1, COUT), beta.reshape(1, COUT), mmax, mmin)
    return (new_xyz, out)

# --- scband reference (transcript-rebuilt; emitter-appended) ---
"""Pipeline reference for scband-transition-down-54786602828254 (READ-ONLY COPY).

The authoritative reference and input builder live on the scoring server;
editing this copy changes nothing except your own understanding.
"""

import jax, jax.numpy as jnp
import numpy as np

IN_PLANES = 64
OUT_PLANES = 64
STRIDE = 4
K = 16
EPS = 1e-5


def index_points(points, idx):
    raw = idx.shape
    idx2 = idx.reshape(raw[0], -1).astype(jnp.int32)
    res = jnp.take_along_axis(points, idx2[..., None], axis=1)
    return res.reshape(raw + (points.shape[-1],))


def fps(xyz, npoint):
    B, N, _ = xyz.shape
    bidx = jnp.arange(B)

    def body(i, state):
        dists, idxs, farthest = state
        idxs = idxs.at[:, i].set(farthest)
        centroid = xyz[bidx, farthest][:, None, :]
        d = jnp.sum((xyz - centroid) ** 2, axis=-1)
        dists = jnp.minimum(dists, d)
        farthest = jnp.argmax(dists, axis=-1).astype(jnp.int32)
        return dists, idxs, farthest

    state = (jnp.full((B, N), 1e10, jnp.float32),
             jnp.zeros((B, npoint), jnp.int32),
             jnp.zeros((B,), jnp.int32))
    _, idxs, _ = jax.lax.fori_loop(0, npoint, body, state)
    return idxs


def knnquery(k, xyz, new_xyz):
    d = (jnp.sum(new_xyz ** 2, axis=-1)[:, :, None]
         - 2.0 * jnp.einsum('bsd,bnd->bsn', new_xyz, xyz)
         + jnp.sum(xyz ** 2, axis=-1)[:, None, :])
    _, idx = jax.lax.top_k(-d, k)
    return idx.astype(jnp.int32)


def setup_inputs(seed: int = 0) -> dict:
    key = jax.random.key(seed)
    k1, k2, k3 = jax.random.split(key, 3)
    xyz = jax.random.uniform(k1, (4, 8192, 3), dtype=jnp.float32)
    features = jax.random.normal(k2, (4, 8192, IN_PLANES), dtype=jnp.float32)
    W = jax.random.normal(k3, (3 + IN_PLANES, OUT_PLANES), dtype=jnp.float32) * 0.05
    gamma = jnp.ones((OUT_PLANES,), dtype=jnp.float32)
    beta = jnp.zeros((OUT_PLANES,), dtype=jnp.float32)
    return {"xyz": xyz, "features": features, "W": W, "gamma": gamma, "beta": beta}


def reference(xyz, features, W, gamma, beta):
    npoint = xyz.shape[1] // STRIDE
    fps_idx = fps(xyz, npoint)
    new_xyz = index_points(xyz, fps_idx)
    knn_idx = knnquery(K, xyz, new_xyz)
    grouped_xyz = index_points(xyz, knn_idx)
    grouped_xyz_norm = grouped_xyz - new_xyz[:, :, None, :]
    grouped_features = jnp.concatenate(
        [grouped_xyz_norm, index_points(features, knn_idx)], axis=-1)
    h = grouped_features @ W  # (B, npoint, K, out_planes)
    mean = jnp.mean(h, axis=(0, 1, 2))
    var = jnp.var(h, axis=(0, 1, 2))
    h = (h - mean) / jnp.sqrt(var + EPS) * gamma + beta
    h = jnp.maximum(h, 0.0)
    new_features = jnp.max(h, axis=2)
    return (new_xyz, new_features)

if __name__ == "__main__":
    import jax
    _d = setup_inputs()
    print(jax.jit(kernel)(*tuple(_d.values())))

</pallas_src>

<mosaic_0001>
#map = affine_map<(d0, d1) -> (0, 0)>
#map1 = affine_map<(d0, d1) -> (0)>
module attributes {stable_mosaic.version = 14 : i64} {
  func.func @body(%arg0: i32, %arg1: i32, %arg2: memref<32768x128xf32, #tpu.memory_space<hbm>>, %arg3: memref<131072xi32, #tpu.memory_space<hbm>>, %arg4: memref<131072x128xf32, #tpu.memory_space<hbm>>, %arg5: memref<512xi32, #tpu.memory_space<vmem>>, %arg6: memref<512x128xf32, #tpu.memory_space<vmem>>, %arg7: memref<!tpu.dma_semaphore, #tpu.memory_space<semaphore_mem>>) attributes {dimension_semantics = [#tpu.dimension_semantics<core_parallel>, #tpu.dimension_semantics<subcore_parallel>], iteration_bounds = array<i64: 2, 16>, scalar_prefetch = 0 : i64, scratch_operands = 3 : i64, tpu.core_type = #tpu.core_type<sc_vector_subcore>, window_params = [{transform_indices = #map}, {transform_indices = #map1}, {transform_indices = #map}]} {
    %mul3A = arith.constant 2 : i32
    %mul3A_0 = arith.muli %arg1, %mul3A : i32
    %add3A = arith.addi %mul3A_0, %arg0 : i32
    %mul3A_1 = arith.constant 4096 : i32
    %mul3A_2 = arith.muli %add3A, %mul3A_1 : i32
    %add3A_3 = arith.constant 0 : i32
    %add3A_4 = arith.addi %mul3A_2, %add3A_3 : i32
    "tpu.region"() ({
      %run_scoped3A = tpu.sem_alloc : memref<!tpu.dma_semaphore, #tpu.memory_space<semaphore_mem>>
      %dma_start3A_65 = tpu.memref_slice %arg3[%add3A_4] : memref<131072xi32, #tpu.memory_space<hbm>> -> memref<512xi32, #tpu.memory_space<hbm>>
      %dma_start3A_66 = tpu.memref_slice %arg3[%add3A_4] : memref<131072xi32, #tpu.memory_space<hbm>> -> memref<512xi32, #tpu.memory_space<hbm>>
      tpu.enqueue_dma source(%dma_start3A_66 : memref<512xi32, #tpu.memory_space<hbm>>) target(%arg5 : memref<512xi32, #tpu.memory_space<vmem>>) target_semaphore(%run_scoped3A : memref<!tpu.dma_semaphore, #tpu.memory_space<semaphore_mem>>)
      %dma_wait3A_67 = tpu.memref_slice %arg3[%add3A_4] : memref<131072xi32, #tpu.memory_space<hbm>> -> memref<512xi32, #tpu.memory_space<hbm>>
      %dma_wait3A_68 = tpu.memref_slice %arg3[%add3A_4] : memref<131072xi32, #tpu.memory_space<hbm>> -> memref<512xi32, #tpu.memory_space<hbm>>
      tpu.wait_dma2 semaphore(%run_scoped3A : memref<!tpu.dma_semaphore, #tpu.memory_space<semaphore_mem>>) src(%dma_wait3A_68 : memref<512xi32, #tpu.memory_space<hbm>>) dst(%arg5 : memref<512xi32, #tpu.memory_space<vmem>>)
      tpu.yield
    }) : () -> ()
    %dma_start3A = arith.constant 0 : i32
    %dma_start3A_5 = arith.constant 0 : i32
    %dma_start3A_6 = tpu.memref_slice %arg2[%dma_start3A, %dma_start3A_5] : memref<32768x128xf32, #tpu.memory_space<hbm>> -> memref<32768x128xf32, #tpu.memory_space<hbm>>
    tpu.enqueue_indirect_dma source(%dma_start3A_6 : memref<32768x128xf32, #tpu.memory_space<hbm>>) target(%arg6 : memref<512x128xf32, #tpu.memory_space<vmem>>) offsets(%arg5 : memref<512xi32, #tpu.memory_space<vmem>>) semaphore(%arg7 : memref<!tpu.dma_semaphore, #tpu.memory_space<semaphore_mem>>)
    %dma_wait3A = arith.constant 0 : i32
    %dma_wait3A_7 = arith.constant 0 : i32
    %dma_wait3A_8 = tpu.memref_slice %arg2[%dma_wait3A, %dma_wait3A_7] : memref<32768x128xf32, #tpu.memory_space<hbm>> -> memref<32768x128xf32, #tpu.memory_space<hbm>>
    tpu.wait_indirect_dma semaphore(%arg7 : memref<!tpu.dma_semaphore, #tpu.memory_space<semaphore_mem>>) src(%dma_wait3A_8 : memref<32768x128xf32, #tpu.memory_space<hbm>>) dst(%arg6 : memref<512x128xf32, #tpu.memory_space<vmem>>)
    "tpu.region"() ({
      %run_scoped3A = tpu.sem_alloc : memref<!tpu.dma_semaphore, #tpu.memory_space<semaphore_mem>>
      %dma_start3A_65 = arith.constant 0 : i32
      %dma_start3A_66 = tpu.memref_slice %arg4[%add3A_4, %dma_start3A_65] : memref<131072x128xf32, #tpu.memory_space<hbm>> -> memref<512x128xf32, #tpu.memory_space<hbm>>
      %dma_start3A_67 = arith.constant 0 : i32
      %dma_start3A_68 = tpu.memref_slice %arg4[%add3A_4, %dma_start3A_67] : memref<131072x128xf32, #tpu.memory_space<hbm>> -> memref<512x128xf32, #tpu.memory_space<hbm>>
      tpu.enqueue_dma source(%arg6 : memref<512x128xf32, #tpu.memory_space<vmem>>) target(%dma_start3A_68 : memref<512x128xf32, #tpu.memory_space<hbm>>) target_semaphore(%run_scoped3A : memref<!tpu.dma_semaphore, #tpu.memory_space<semaphore_mem>>)
      %dma_wait3A_69 = arith.constant 0 : i32
      %dma_wait3A_70 = tpu.memref_slice %arg4[%add3A_4, %dma_wait3A_69] : memref<131072x128xf32, #tpu.memory_space<hbm>> -> memref<512x128xf32, #tpu.memory_space<hbm>>
      %dma_wait3A_71 = arith.constant 0 : i32
      %dma_wait3A_72 = tpu.memref_slice %arg4[%add3A_4, %dma_wait3A_71] : memref<131072x128xf32, #tpu.memory_space<hbm>> -> memref<512x128xf32, #tpu.memory_space<hbm>>
      tpu.wait_dma2 semaphore(%run_scoped3A : memref<!tpu.dma_semaphore, #tpu.memory_space<semaphore_mem>>) src(%arg6 : memref<512x128xf32, #tpu.memory_space<vmem>>) dst(%dma_wait3A_72 : memref<512x128xf32, #tpu.memory_space<hbm>>)
      tpu.yield
    }) : () -> ()
    %add3A_9 = arith.constant 512 : i32
    %add3A_10 = arith.addi %mul3A_2, %add3A_9 : i32
    "tpu.region"() ({
      %run_scoped3A = tpu.sem_alloc : memref<!tpu.dma_semaphore, #tpu.memory_space<semaphore_mem>>
      %dma_start3A_65 = tpu.memref_slice %arg3[%add3A_10] : memref<131072xi32, #tpu.memory_space<hbm>> -> memref<512xi32, #tpu.memory_space<hbm>>
      %dma_start3A_66 = tpu.memref_slice %arg3[%add3A_10] : memref<131072xi32, #tpu.memory_space<hbm>> -> memref<512xi32, #tpu.memory_space<hbm>>
      tpu.enqueue_dma source(%dma_start3A_66 : memref<512xi32, #tpu.memory_space<hbm>>) target(%arg5 : memref<512xi32, #tpu.memory_space<vmem>>) target_semaphore(%run_scoped3A : memref<!tpu.dma_semaphore, #tpu.memory_space<semaphore_mem>>)
      %dma_wait3A_67 = tpu.memref_slice %arg3[%add3A_10] : memref<131072xi32, #tpu.memory_space<hbm>> -> memref<512xi32, #tpu.memory_space<hbm>>
      %dma_wait3A_68 = tpu.memref_slice %arg3[%add3A_10] : memref<131072xi32, #tpu.memory_space<hbm>> -> memref<512xi32, #tpu.memory_space<hbm>>
      tpu.wait_dma2 semaphore(%run_scoped3A : memref<!tpu.dma_semaphore, #tpu.memory_space<semaphore_mem>>) src(%dma_wait3A_68 : memref<512xi32, #tpu.memory_space<hbm>>) dst(%arg5 : memref<512xi32, #tpu.memory_space<vmem>>)
      tpu.yield
    }) : () -> ()
    %dma_start3A_11 = arith.constant 0 : i32
    %dma_start3A_12 = arith.constant 0 : i32
    %dma_start3A_13 = tpu.memref_slice %arg2[%dma_start3A_11, %dma_start3A_12] : memref<32768x128xf32, #tpu.memory_space<hbm>> -> memref<32768x128xf32, #tpu.memory_space<hbm>>
    tpu.enqueue_indirect_dma source(%dma_start3A_13 : memref<32768x128xf32, #tpu.memory_space<hbm>>) target(%arg6 : memref<512x128xf32, #tpu.memory_space<vmem>>) offsets(%arg5 : memref<512xi32, #tpu.memory_space<vmem>>) semaphore(%arg7 : memref<!tpu.dma_semaphore, #tpu.memory_space<semaphore_mem>>)
    %dma_wait3A_14 = arith.constant 0 : i32
    %dma_wait3A_15 = arith.constant 0 : i32
    %dma_wait3A_16 = tpu.memref_slice %arg2[%dma_wait3A_14, %dma_wait3A_15] : memref<32768x128xf32, #tpu.memory_space<hbm>> -> memref<32768x128xf32, #tpu.memory_space<hbm>>
    tpu.wait_indirect_dma semaphore(%arg7 : memref<!tpu.dma_semaphore, #tpu.memory_space<semaphore_mem>>) src(%dma_wait3A_16 : memref<32768x128xf32, #tpu.memory_space<hbm>>) dst(%arg6 : memref<512x128xf32, #tpu.memory_space<vmem>>)
    "tpu.region"() ({
      %run_scoped3A = tpu.sem_alloc : memref<!tpu.dma_semaphore, #tpu.memory_space<semaphore_mem>>
      %dma_start3A_65 = arith.constant 0 : i32
      %dma_start3A_66 = tpu.memref_slice %arg4[%add3A_10, %dma_start3A_65] : memref<131072x128xf32, #tpu.memory_space<hbm>> -> memref<512x128xf32, #tpu.memory_space<hbm>>
      %dma_start3A_67 = arith.constant 0 : i32
      %dma_start3A_68 = tpu.memref_slice %arg4[%add3A_10, %dma_start3A_67] : memref<131072x128xf32, #tpu.memory_space<hbm>> -> memref<512x128xf32, #tpu.memory_space<hbm>>
      tpu.enqueue_dma source(%arg6 : memref<512x128xf32, #tpu.memory_space<vmem>>) target(%dma_start3A_68 : memref<512x128xf32, #tpu.memory_space<hbm>>) target_semaphore(%run_scoped3A : memref<!tpu.dma_semaphore, #tpu.memory_space<semaphore_mem>>)
      %dma_wait3A_69 = arith.constant 0 : i32
      %dma_wait3A_70 = tpu.memref_slice %arg4[%add3A_10, %dma_wait3A_69] : memref<131072x128xf32, #tpu.memory_space<hbm>> -> memref<512x128xf32, #tpu.memory_space<hbm>>
      %dma_wait3A_71 = arith.constant 0 : i32
      %dma_wait3A_72 = tpu.memref_slice %arg4[%add3A_10, %dma_wait3A_71] : memref<131072x128xf32, #tpu.memory_space<hbm>> -> memref<512x128xf32, #tpu.memory_space<hbm>>
      tpu.wait_dma2 semaphore(%run_scoped3A : memref<!tpu.dma_semaphore, #tpu.memory_space<semaphore_mem>>) src(%arg6 : memref<512x128xf32, #tpu.memory_space<vmem>>) dst(%dma_wait3A_72 : memref<512x128xf32, #tpu.memory_space<hbm>>)
      tpu.yield
    }) : () -> ()
    %add3A_17 = arith.constant 1024 : i32
    %add3A_18 = arith.addi %mul3A_2, %add3A_17 : i32
    "tpu.region"() ({
      %run_scoped3A = tpu.sem_alloc : memref<!tpu.dma_semaphore, #tpu.memory_space<semaphore_mem>>
      %dma_start3A_65 = tpu.memref_slice %arg3[%add3A_18] : memref<131072xi32, #tpu.memory_space<hbm>> -> memref<512xi32, #tpu.memory_space<hbm>>
      %dma_start3A_66 = tpu.memref_slice %arg3[%add3A_18] : memref<131072xi32, #tpu.memory_space<hbm>> -> memref<512xi32, #tpu.memory_space<hbm>>
      tpu.enqueue_dma source(%dma_start3A_66 : memref<512xi32, #tpu.memory_space<hbm>>) target(%arg5 : memref<512xi32, #tpu.memory_space<vmem>>) target_semaphore(%run_scoped3A : memref<!tpu.dma_semaphore, #tpu.memory_space<semaphore_mem>>)
      %dma_wait3A_67 = tpu.memref_slice %arg3[%add3A_18] : memref<131072xi32, #tpu.memory_space<hbm>> -> memref<512xi32, #tpu.memory_space<hbm>>
      %dma_wait3A_68 = tpu.memref_slice %arg3[%add3A_18] : memref<131072xi32, #tpu.memory_space<hbm>> -> memref<512xi32, #tpu.memory_space<hbm>>
      tpu.wait_dma2 semaphore(%run_scoped3A : memref<!tpu.dma_semaphore, #tpu.memory_space<semaphore_mem>>) src(%dma_wait3A_68 : memref<512xi32, #tpu.memory_space<hbm>>) dst(%arg5 : memref<512xi32, #tpu.memory_space<vmem>>)
      tpu.yield
    }) : () -> ()
    %dma_start3A_19 = arith.constant 0 : i32
    %dma_start3A_20 = arith.constant 0 : i32
    %dma_start3A_21 = tpu.memref_slice %arg2[%dma_start3A_19, %dma_start3A_20] : memref<32768x128xf32, #tpu.memory_space<hbm>> -> memref<32768x128xf32, #tpu.memory_space<hbm>>
    tpu.enqueue_indirect_dma source(%dma_start3A_21 : memref<32768x128xf32, #tpu.memory_space<hbm>>) target(%arg6 : memref<512x128xf32, #tpu.memory_space<vmem>>) offsets(%arg5 : memref<512xi32, #tpu.memory_space<vmem>>) semaphore(%arg7 : memref<!tpu.dma_semaphore, #tpu.memory_space<semaphore_mem>>)
    %dma_wait3A_22 = arith.constant 0 : i32
    %dma_wait3A_23 = arith.constant 0 : i32
    %dma_wait3A_24 = tpu.memref_slice %arg2[%dma_wait3A_22, %dma_wait3A_23] : memref<32768x128xf32, #tpu.memory_space<hbm>> -> memref<32768x128xf32, #tpu.memory_space<hbm>>
    tpu.wait_indirect_dma semaphore(%arg7 : memref<!tpu.dma_semaphore, #tpu.memory_space<semaphore_mem>>) src(%dma_wait3A_24 : memref<32768x128xf32, #tpu.memory_space<hbm>>) dst(%arg6 : memref<512x128xf32, #tpu.memory_space<vmem>>)
    "tpu.region"() ({
      %run_scoped3A = tpu.sem_alloc : memref<!tpu.dma_semaphore, #tpu.memory_space<semaphore_mem>>
      %dma_start3A_65 = arith.constant 0 : i32
      %dma_start3A_66 = tpu.memref_slice %arg4[%add3A_18, %dma_start3A_65] : memref<131072x128xf32, #tpu.memory_space<hbm>> -> memref<512x128xf32, #tpu.memory_space<hbm>>
      %dma_start3A_67 = arith.constant 0 : i32
      %dma_start3A_68 = tpu.memref_slice %arg4[%add3A_18, %dma_start3A_67] : memref<131072x128xf32, #tpu.memory_space<hbm>> -> memref<512x128xf32, #tpu.memory_space<hbm>>
      tpu.enqueue_dma source(%arg6 : memref<512x128xf32, #tpu.memory_space<vmem>>) target(%dma_start3A_68 : memref<512x128xf32, #tpu.memory_space<hbm>>) target_semaphore(%run_scoped3A : memref<!tpu.dma_semaphore, #tpu.memory_space<semaphore_mem>>)
      %dma_wait3A_69 = arith.constant 0 : i32
      %dma_wait3A_70 = tpu.memref_slice %arg4[%add3A_18, %dma_wait3A_69] : memref<131072x128xf32, #tpu.memory_space<hbm>> -> memref<512x128xf32, #tpu.memory_space<hbm>>
      %dma_wait3A_71 = arith.constant 0 : i32
      %dma_wait3A_72 = tpu.memref_slice %arg4[%add3A_18, %dma_wait3A_71] : memref<131072x128xf32, #tpu.memory_space<hbm>> -> memref<512x128xf32, #tpu.memory_space<hbm>>
      tpu.wait_dma2 semaphore(%run_scoped3A : memref<!tpu.dma_semaphore, #tpu.memory_space<semaphore_mem>>) src(%arg6 : memref<512x128xf32, #tpu.memory_space<vmem>>) dst(%dma_wait3A_72 : memref<512x128xf32, #tpu.memory_space<hbm>>)
      tpu.yield
    }) : () -> ()
    %add3A_25 = arith.constant 1536 : i32
    %add3A_26 = arith.addi %mul3A_2, %add3A_25 : i32
    "tpu.region"() ({
      %run_scoped3A = tpu.sem_alloc : memref<!tpu.dma_semaphore, #tpu.memory_space<semaphore_mem>>
      %dma_start3A_65 = tpu.memref_slice %arg3[%add3A_26] : memref<131072xi32, #tpu.memory_space<hbm>> -> memref<512xi32, #tpu.memory_space<hbm>>
      %dma_start3A_66 = tpu.memref_slice %arg3[%add3A_26] : memref<131072xi32, #tpu.memory_space<hbm>> -> memref<512xi32, #tpu.memory_space<hbm>>
      tpu.enqueue_dma source(%dma_start3A_66 : memref<512xi32, #tpu.memory_space<hbm>>) target(%arg5 : memref<512xi32, #tpu.memory_space<vmem>>) target_semaphore(%run_scoped3A : memref<!tpu.dma_semaphore, #tpu.memory_space<semaphore_mem>>)
      %dma_wait3A_67 = tpu.memref_slice %arg3[%add3A_26] : memref<131072xi32, #tpu.memory_space<hbm>> -> memref<512xi32, #tpu.memory_space<hbm>>
      %dma_wait3A_68 = tpu.memref_slice %arg3[%add3A_26] : memref<131072xi32, #tpu.memory_space<hbm>> -> memref<512xi32, #tpu.memory_space<hbm>>
      tpu.wait_dma2 semaphore(%run_scoped3A : memref<!tpu.dma_semaphore, #tpu.memory_space<semaphore_mem>>) src(%dma_wait3A_68 : memref<512xi32, #tpu.memory_space<hbm>>) dst(%arg5 : memref<512xi32, #tpu.memory_space<vmem>>)
      tpu.yield
    }) : () -> ()
    %dma_start3A_27 = arith.constant 0 : i32
    %dma_start3A_28 = arith.constant 0 : i32
    %dma_start3A_29 = tpu.memref_slice %arg2[%dma_start3A_27, %dma_start3A_28] : memref<32768x128xf32, #tpu.memory_space<hbm>> -> memref<32768x128xf32, #tpu.memory_space<hbm>>
    tpu.enqueue_indirect_dma source(%dma_start3A_29 : memref<32768x128xf32, #tpu.memory_space<hbm>>) target(%arg6 : memref<512x128xf32, #tpu.memory_space<vmem>>) offsets(%arg5 : memref<512xi32, #tpu.memory_space<vmem>>) semaphore(%arg7 : memref<!tpu.dma_semaphore, #tpu.memory_space<semaphore_mem>>)
    %dma_wait3A_30 = arith.constant 0 : i32
    %dma_wait3A_31 = arith.constant 0 : i32
    %dma_wait3A_32 = tpu.memref_slice %arg2[%dma_wait3A_30, %dma_wait3A_31] : memref<32768x128xf32, #tpu.memory_space<hbm>> -> memref<32768x128xf32, #tpu.memory_space<hbm>>
    tpu.wait_indirect_dma semaphore(%arg7 : memref<!tpu.dma_semaphore, #tpu.memory_space<semaphore_mem>>) src(%dma_wait3A_32 : memref<32768x128xf32, #tpu.memory_space<hbm>>) dst(%arg6 : memref<512x128xf32, #tpu.memory_space<vmem>>)
    "tpu.region"() ({
      %run_scoped3A = tpu.sem_alloc : memref<!tpu.dma_semaphore, #tpu.memory_space<semaphore_mem>>
      %dma_start3A_65 = arith.constant 0 : i32
      %dma_start3A_66 = tpu.memref_slice %arg4[%add3A_26, %dma_start3A_65] : memref<131072x128xf32, #tpu.memory_space<hbm>> -> memref<512x128xf32, #tpu.memory_space<hbm>>
      %dma_start3A_67 = arith.constant 0 : i32
      %dma_start3A_68 = tpu.memref_slice %arg4[%add3A_26, %dma_start3A_67] : memref<131072x128xf32, #tpu.memory_space<hbm>> -> memref<512x128xf32, #tpu.memory_space<hbm>>
      tpu.enqueue_dma source(%arg6 : memref<512x128xf32, #tpu.memory_space<vmem>>) target(%dma_start3A_68 : memref<512x128xf32, #tpu.memory_space<hbm>>) target_semaphore(%run_scoped3A : memref<!tpu.dma_semaphore, #tpu.memory_space<semaphore_mem>>)
      %dma_wait3A_69 = arith.constant 0 : i32
      %dma_wait3A_70 = tpu.memref_slice %arg4[%add3A_26, %dma_wait3A_69] : memref<131072x128xf32, #tpu.memory_space<hbm>> -> memref<512x128xf32, #tpu.memory_space<hbm>>
      %dma_wait3A_71 = arith.constant 0 : i32
      %dma_wait3A_72 = tpu.memref_slice %arg4[%add3A_26, %dma_wait3A_71] : memref<131072x128xf32, #tpu.memory_space<hbm>> -> memref<512x128xf32, #tpu.memory_space<hbm>>
      tpu.wait_dma2 semaphore(%run_scoped3A : memref<!tpu.dma_semaphore, #tpu.memory_space<semaphore_mem>>) src(%arg6 : memref<512x128xf32, #tpu.memory_space<vmem>>) dst(%dma_wait3A_72 : memref<512x128xf32, #tpu.memory_space<hbm>>)
      tpu.yield
    }) : () -> ()
    %add3A_33 = arith.constant 2048 : i32
    %add3A_34 = arith.addi %mul3A_2, %add3A_33 : i32
    "tpu.region"() ({
      %run_scoped3A = tpu.sem_alloc : memref<!tpu.dma_semaphore, #tpu.memory_space<semaphore_mem>>
      %dma_start3A_65 = tpu.memref_slice %arg3[%add3A_34] : memref<131072xi32, #tpu.memory_space<hbm>> -> memref<512xi32, #tpu.memory_space<hbm>>
      %dma_start3A_66 = tpu.memref_slice %arg3[%add3A_34] : memref<131072xi32, #tpu.memory_space<hbm>> -> memref<512xi32, #tpu.memory_space<hbm>>
      tpu.enqueue_dma source(%dma_start3A_66 : memref<512xi32, #tpu.memory_space<hbm>>) target(%arg5 : memref<512xi32, #tpu.memory_space<vmem>>) target_semaphore(%run_scoped3A : memref<!tpu.dma_semaphore, #tpu.memory_space<semaphore_mem>>)
      %dma_wait3A_67 = tpu.memref_slice %arg3[%add3A_34] : memref<131072xi32, #tpu.memory_space<hbm>> -> memref<512xi32, #tpu.memory_space<hbm>>
      %dma_wait3A_68 = tpu.memref_slice %arg3[%add3A_34] : memref<131072xi32, #tpu.memory_space<hbm>> -> memref<512xi32, #tpu.memory_space<hbm>>
      tpu.wait_dma2 semaphore(%run_scoped3A : memref<!tpu.dma_semaphore, #tpu.memory_space<semaphore_mem>>) src(%dma_wait3A_68 : memref<512xi32, #tpu.memory_space<hbm>>) dst(%arg5 : memref<512xi32, #tpu.memory_space<vmem>>)
      tpu.yield
    }) : () -> ()
    %dma_start3A_35 = arith.constant 0 : i32
    %dma_start3A_36 = arith.constant 0 : i32
    %dma_start3A_37 = tpu.memref_slice %arg2[%dma_start3A_35, %dma_start3A_36] : memref<32768x128xf32, #tpu.memory_space<hbm>> -> memref<32768x128xf32, #tpu.memory_space<hbm>>
    tpu.enqueue_indirect_dma source(%dma_start3A_37 : memref<32768x128xf32, #tpu.memory_space<hbm>>) target(%arg6 : memref<512x128xf32, #tpu.memory_space<vmem>>) offsets(%arg5 : memref<512xi32, #tpu.memory_space<vmem>>) semaphore(%arg7 : memref<!tpu.dma_semaphore, #tpu.memory_space<semaphore_mem>>)
    %dma_wait3A_38 = arith.constant 0 : i32
    %dma_wait3A_39 = arith.constant 0 : i32
    %dma_wait3A_40 = tpu.memref_slice %arg2[%dma_wait3A_38, %dma_wait3A_39] : memref<32768x128xf32, #tpu.memory_space<hbm>> -> memref<32768x128xf32, #tpu.memory_space<hbm>>
    tpu.wait_indirect_dma semaphore(%arg7 : memref<!tpu.dma_semaphore, #tpu.memory_space<semaphore_mem>>) src(%dma_wait3A_40 : memref<32768x128xf32, #tpu.memory_space<hbm>>) dst(%arg6 : memref<512x128xf32, #tpu.memory_space<vmem>>)
    "tpu.region"() ({
      %run_scoped3A = tpu.sem_alloc : memref<!tpu.dma_semaphore, #tpu.memory_space<semaphore_mem>>
      %dma_start3A_65 = arith.constant 0 : i32
      %dma_start3A_66 = tpu.memref_slice %arg4[%add3A_34, %dma_start3A_65] : memref<131072x128xf32, #tpu.memory_space<hbm>> -> memref<512x128xf32, #tpu.memory_space<hbm>>
      %dma_start3A_67 = arith.constant 0 : i32
      %dma_start3A_68 = tpu.memref_slice %arg4[%add3A_34, %dma_start3A_67] : memref<131072x128xf32, #tpu.memory_space<hbm>> -> memref<512x128xf32, #tpu.memory_space<hbm>>
      tpu.enqueue_dma source(%arg6 : memref<512x128xf32, #tpu.memory_space<vmem>>) target(%dma_start3A_68 : memref<512x128xf32, #tpu.memory_space<hbm>>) target_semaphore(%run_scoped3A : memref<!tpu.dma_semaphore, #tpu.memory_space<semaphore_mem>>)
      %dma_wait3A_69 = arith.constant 0 : i32
      %dma_wait3A_70 = tpu.memref_slice %arg4[%add3A_34, %dma_wait3A_69] : memref<131072x128xf32, #tpu.memory_space<hbm>> -> memref<512x128xf32, #tpu.memory_space<hbm>>
      %dma_wait3A_71 = arith.constant 0 : i32
      %dma_wait3A_72 = tpu.memref_slice %arg4[%add3A_34, %dma_wait3A_71] : memref<131072x128xf32, #tpu.memory_space<hbm>> -> memref<512x128xf32, #tpu.memory_space<hbm>>
      tpu.wait_dma2 semaphore(%run_scoped3A : memref<!tpu.dma_semaphore, #tpu.memory_space<semaphore_mem>>) src(%arg6 : memref<512x128xf32, #tpu.memory_space<vmem>>) dst(%dma_wait3A_72 : memref<512x128xf32, #tpu.memory_space<hbm>>)
      tpu.yield
    }) : () -> ()
    %add3A_41 = arith.constant 2560 : i32
    %add3A_42 = arith.addi %mul3A_2, %add3A_41 : i32
    "tpu.region"() ({
      %run_scoped3A = tpu.sem_alloc : memref<!tpu.dma_semaphore, #tpu.memory_space<semaphore_mem>>
      %dma_start3A_65 = tpu.memref_slice %arg3[%add3A_42] : memref<131072xi32, #tpu.memory_space<hbm>> -> memref<512xi32, #tpu.memory_space<hbm>>
      %dma_start3A_66 = tpu.memref_slice %arg3[%add3A_42] : memref<131072xi32, #tpu.memory_space<hbm>> -> memref<512xi32, #tpu.memory_space<hbm>>
      tpu.enqueue_dma source(%dma_start3A_66 : memref<512xi32, #tpu.memory_space<hbm>>) target(%arg5 : memref<512xi32, #tpu.memory_space<vmem>>) target_semaphore(%run_scoped3A : memref<!tpu.dma_semaphore, #tpu.memory_space<semaphore_mem>>)
      %dma_wait3A_67 = tpu.memref_slice %arg3[%add3A_42] : memref<131072xi32, #tpu.memory_space<hbm>> -> memref<512xi32, #tpu.memory_space<hbm>>
      %dma_wait3A_68 = tpu.memref_slice %arg3[%add3A_42] : memref<131072xi32, #tpu.memory_space<hbm>> -> memref<512xi32, #tpu.memory_space<hbm>>
      tpu.wait_dma2 semaphore(%run_scoped3A : memref<!tpu.dma_semaphore, #tpu.memory_space<semaphore_mem>>) src(%dma_wait3A_68 : memref<512xi32, #tpu.memory_space<hbm>>) dst(%arg5 : memref<512xi32, #tpu.memory_space<vmem>>)
      tpu.yield
    }) : () -> ()
    %dma_start3A_43 = arith.constant 0 : i32
    %dma_start3A_44 = arith.constant 0 : i32
    %dma_start3A_45 = tpu.memref_slice %arg2[%dma_start3A_43, %dma_start3A_44] : memref<32768x128xf32, #tpu.memory_space<hbm>> -> memref<32768x128xf32, #tpu.memory_space<hbm>>
    tpu.enqueue_indirect_dma source(%dma_start3A_45 : memref<32768x128xf32, #tpu.memory_space<hbm>>) target(%arg6 : memref<512x128xf32, #tpu.memory_space<vmem>>) offsets(%arg5 : memref<512xi32, #tpu.memory_space<vmem>>) semaphore(%arg7 : memref<!tpu.dma_semaphore, #tpu.memory_space<semaphore_mem>>)
    %dma_wait3A_46 = arith.constant 0 : i32
    %dma_wait3A_47 = arith.constant 0 : i32
    %dma_wait3A_48 = tpu.memref_slice %arg2[%dma_wait3A_46, %dma_wait3A_47] : memref<32768x128xf32, #tpu.memory_space<hbm>> -> memref<32768x128xf32, #tpu.memory_space<hbm>>
    tpu.wait_indirect_dma semaphore(%arg7 : memref<!tpu.dma_semaphore, #tpu.memory_space<semaphore_mem>>) src(%dma_wait3A_48 : memref<32768x128xf32, #tpu.memory_space<hbm>>) dst(%arg6 : memref<512x128xf32, #tpu.memory_space<vmem>>)
    "tpu.region"() ({
      %run_scoped3A = tpu.sem_alloc : memref<!tpu.dma_semaphore, #tpu.memory_space<semaphore_mem>>
      %dma_start3A_65 = arith.constant 0 : i32
      %dma_start3A_66 = tpu.memref_slice %arg4[%add3A_42, %dma_start3A_65] : memref<131072x128xf32, #tpu.memory_space<hbm>> -> memref<512x128xf32, #tpu.memory_space<hbm>>
      %dma_start3A_67 = arith.constant 0 : i32
      %dma_start3A_68 = tpu.memref_slice %arg4[%add3A_42, %dma_start3A_67] : memref<131072x128xf32, #tpu.memory_space<hbm>> -> memref<512x128xf32, #tpu.memory_space<hbm>>
      tpu.enqueue_dma source(%arg6 : memref<512x128xf32, #tpu.memory_space<vmem>>) target(%dma_start3A_68 : memref<512x128xf32, #tpu.memory_space<hbm>>) target_semaphore(%run_scoped3A : memref<!tpu.dma_semaphore, #tpu.memory_space<semaphore_mem>>)
      %dma_wait3A_69 = arith.constant 0 : i32
      %dma_wait3A_70 = tpu.memref_slice %arg4[%add3A_42, %dma_wait3A_69] : memref<131072x128xf32, #tpu.memory_space<hbm>> -> memref<512x128xf32, #tpu.memory_space<hbm>>
      %dma_wait3A_71 = arith.constant 0 : i32
      %dma_wait3A_72 = tpu.memref_slice %arg4[%add3A_42, %dma_wait3A_71] : memref<131072x128xf32, #tpu.memory_space<hbm>> -> memref<512x128xf32, #tpu.memory_space<hbm>>
      tpu.wait_dma2 semaphore(%run_scoped3A : memref<!tpu.dma_semaphore, #tpu.memory_space<semaphore_mem>>) src(%arg6 : memref<512x128xf32, #tpu.memory_space<vmem>>) dst(%dma_wait3A_72 : memref<512x128xf32, #tpu.memory_space<hbm>>)
      tpu.yield
    }) : () -> ()
    %add3A_49 = arith.constant 3072 : i32
    %add3A_50 = arith.addi %mul3A_2, %add3A_49 : i32
    "tpu.region"() ({
      %run_scoped3A = tpu.sem_alloc : memref<!tpu.dma_semaphore, #tpu.memory_space<semaphore_mem>>
      %dma_start3A_65 = tpu.memref_slice %arg3[%add3A_50] : memref<131072xi32, #tpu.memory_space<hbm>> -> memref<512xi32, #tpu.memory_space<hbm>>
      %dma_start3A_66 = tpu.memref_slice %arg3[%add3A_50] : memref<131072xi32, #tpu.memory_space<hbm>> -> memref<512xi32, #tpu.memory_space<hbm>>
      tpu.enqueue_dma source(%dma_start3A_66 : memref<512xi32, #tpu.memory_space<hbm>>) target(%arg5 : memref<512xi32, #tpu.memory_space<vmem>>) target_semaphore(%run_scoped3A : memref<!tpu.dma_semaphore, #tpu.memory_space<semaphore_mem>>)
      %dma_wait3A_67 = tpu.memref_slice %arg3[%add3A_50] : memref<131072xi32, #tpu.memory_space<hbm>> -> memref<512xi32, #tpu.memory_space<hbm>>
      %dma_wait3A_68 = tpu.memref_slice %arg3[%add3A_50] : memref<131072xi32, #tpu.memory_space<hbm>> -> memref<512xi32, #tpu.memory_space<hbm>>
      tpu.wait_dma2 semaphore(%run_scoped3A : memref<!tpu.dma_semaphore, #tpu.memory_space<semaphore_mem>>) src(%dma_wait3A_68 : memref<512xi32, #tpu.memory_space<hbm>>) dst(%arg5 : memref<512xi32, #tpu.memory_space<vmem>>)
      tpu.yield
    }) : () -> ()
    %dma_start3A_51 = arith.constant 0 : i32
    %dma_start3A_52 = arith.constant 0 : i32
    %dma_start3A_53 = tpu.memref_slice %arg2[%dma_start3A_51, %dma_start3A_52] : memref<32768x128xf32, #tpu.memory_space<hbm>> -> memref<32768x128xf32, #tpu.memory_space<hbm>>
    tpu.enqueue_indirect_dma source(%dma_start3A_53 : memref<32768x128xf32, #tpu.memory_space<hbm>>) target(%arg6 : memref<512x128xf32, #tpu.memory_space<vmem>>) offsets(%arg5 : memref<512xi32, #tpu.memory_space<vmem>>) semaphore(%arg7 : memref<!tpu.dma_semaphore, #tpu.memory_space<semaphore_mem>>)
    %dma_wait3A_54 = arith.constant 0 : i32
    %dma_wait3A_55 = arith.constant 0 : i32
    %dma_wait3A_56 = tpu.memref_slice %arg2[%dma_wait3A_54, %dma_wait3A_55] : memref<32768x128xf32, #tpu.memory_space<hbm>> -> memref<32768x128xf32, #tpu.memory_space<hbm>>
    tpu.wait_indirect_dma semaphore(%arg7 : memref<!tpu.dma_semaphore, #tpu.memory_space<semaphore_mem>>) src(%dma_wait3A_56 : memref<32768x128xf32, #tpu.memory_space<hbm>>) dst(%arg6 : memref<512x128xf32, #tpu.memory_space<vmem>>)
    "tpu.region"() ({
      %run_scoped3A = tpu.sem_alloc : memref<!tpu.dma_semaphore, #tpu.memory_space<semaphore_mem>>
      %dma_start3A_65 = arith.constant 0 : i32
      %dma_start3A_66 = tpu.memref_slice %arg4[%add3A_50, %dma_start3A_65] : memref<131072x128xf32, #tpu.memory_space<hbm>> -> memref<512x128xf32, #tpu.memory_space<hbm>>
      %dma_start3A_67 = arith.constant 0 : i32
      %dma_start3A_68 = tpu.memref_slice %arg4[%add3A_50, %dma_start3A_67] : memref<131072x128xf32, #tpu.memory_space<hbm>> -> memref<512x128xf32, #tpu.memory_space<hbm>>
      tpu.enqueue_dma source(%arg6 : memref<512x128xf32, #tpu.memory_space<vmem>>) target(%dma_start3A_68 : memref<512x128xf32, #tpu.memory_space<hbm>>) target_semaphore(%run_scoped3A : memref<!tpu.dma_semaphore, #tpu.memory_space<semaphore_mem>>)
      %dma_wait3A_69 = arith.constant 0 : i32
      %dma_wait3A_70 = tpu.memref_slice %arg4[%add3A_50, %dma_wait3A_69] : memref<131072x128xf32, #tpu.memory_space<hbm>> -> memref<512x128xf32, #tpu.memory_space<hbm>>
      %dma_wait3A_71 = arith.constant 0 : i32
      %dma_wait3A_72 = tpu.memref_slice %arg4[%add3A_50, %dma_wait3A_71] : memref<131072x128xf32, #tpu.memory_space<hbm>> -> memref<512x128xf32, #tpu.memory_space<hbm>>
      tpu.wait_dma2 semaphore(%run_scoped3A : memref<!tpu.dma_semaphore, #tpu.memory_space<semaphore_mem>>) src(%arg6 : memref<512x128xf32, #tpu.memory_space<vmem>>) dst(%dma_wait3A_72 : memref<512x128xf32, #tpu.memory_space<hbm>>)
      tpu.yield
    }) : () -> ()
    %add3A_57 = arith.constant 3584 : i32
    %add3A_58 = arith.addi %mul3A_2, %add3A_57 : i32
    "tpu.region"() ({
      %run_scoped3A = tpu.sem_alloc : memref<!tpu.dma_semaphore, #tpu.memory_space<semaphore_mem>>
      %dma_start3A_65 = tpu.memref_slice %arg3[%add3A_58] : memref<131072xi32, #tpu.memory_space<hbm>> -> memref<512xi32, #tpu.memory_space<hbm>>
      %dma_start3A_66 = tpu.memref_slice %arg3[%add3A_58] : memref<131072xi32, #tpu.memory_space<hbm>> -> memref<512xi32, #tpu.memory_space<hbm>>
      tpu.enqueue_dma source(%dma_start3A_66 : memref<512xi32, #tpu.memory_space<hbm>>) target(%arg5 : memref<512xi32, #tpu.memory_space<vmem>>) target_semaphore(%run_scoped3A : memref<!tpu.dma_semaphore, #tpu.memory_space<semaphore_mem>>)
      %dma_wait3A_67 = tpu.memref_slice %arg3[%add3A_58] : memref<131072xi32, #tpu.memory_space<hbm>> -> memref<512xi32, #tpu.memory_space<hbm>>
      %dma_wait3A_68 = tpu.memref_slice %arg3[%add3A_58] : memref<131072xi32, #tpu.memory_space<hbm>> -> memref<512xi32, #tpu.memory_space<hbm>>
      tpu.wait_dma2 semaphore(%run_scoped3A : memref<!tpu.dma_semaphore, #tpu.memory_space<semaphore_mem>>) src(%dma_wait3A_68 : memref<512xi32, #tpu.memory_space<hbm>>) dst(%arg5 : memref<512xi32, #tpu.memory_space<vmem>>)
      tpu.yield
    }) : () -> ()
    %dma_start3A_59 = arith.constant 0 : i32
    %dma_start3A_60 = arith.constant 0 : i32
    %dma_start3A_61 = tpu.memref_slice %arg2[%dma_start3A_59, %dma_start3A_60] : memref<32768x128xf32, #tpu.memory_space<hbm>> -> memref<32768x128xf32, #tpu.memory_space<hbm>>
    tpu.enqueue_indirect_dma source(%dma_start3A_61 : memref<32768x128xf32, #tpu.memory_space<hbm>>) target(%arg6 : memref<512x128xf32, #tpu.memory_space<vmem>>) offsets(%arg5 : memref<512xi32, #tpu.memory_space<vmem>>) semaphore(%arg7 : memref<!tpu.dma_semaphore, #tpu.memory_space<semaphore_mem>>)
    %dma_wait3A_62 = arith.constant 0 : i32
    %dma_wait3A_63 = arith.constant 0 : i32
    %dma_wait3A_64 = tpu.memref_slice %arg2[%dma_wait3A_62, %dma_wait3A_63] : memref<32768x128xf32, #tpu.memory_space<hbm>> -> memref<32768x128xf32, #tpu.memory_space<hbm>>
    tpu.wait_indirect_dma semaphore(%arg7 : memref<!tpu.dma_semaphore, #tpu.memory_space<semaphore_mem>>) src(%dma_wait3A_64 : memref<32768x128xf32, #tpu.memory_space<hbm>>) dst(%arg6 : memref<512x128xf32, #tpu.memory_space<vmem>>)
    "tpu.region"() ({
      %run_scoped3A = tpu.sem_alloc : memref<!tpu.dma_semaphore, #tpu.memory_space<semaphore_mem>>
      %dma_start3A_65 = arith.constant 0 : i32
      %dma_start3A_66 = tpu.memref_slice %arg4[%add3A_58, %dma_start3A_65] : memref<131072x128xf32, #tpu.memory_space<hbm>> -> memref<512x128xf32, #tpu.memory_space<hbm>>
      %dma_start3A_67 = arith.constant 0 : i32
      %dma_start3A_68 = tpu.memref_slice %arg4[%add3A_58, %dma_start3A_67] : memref<131072x128xf32, #tpu.memory_space<hbm>> -> memref<512x128xf32, #tpu.memory_space<hbm>>
      tpu.enqueue_dma source(%arg6 : memref<512x128xf32, #tpu.memory_space<vmem>>) target(%dma_start3A_68 : memref<512x128xf32, #tpu.memory_space<hbm>>) target_semaphore(%run_scoped3A : memref<!tpu.dma_semaphore, #tpu.memory_space<semaphore_mem>>)
      %dma_wait3A_69 = arith.constant 0 : i32
      %dma_wait3A_70 = tpu.memref_slice %arg4[%add3A_58, %dma_wait3A_69] : memref<131072x128xf32, #tpu.memory_space<hbm>> -> memref<512x128xf32, #tpu.memory_space<hbm>>
      %dma_wait3A_71 = arith.constant 0 : i32
      %dma_wait3A_72 = tpu.memref_slice %arg4[%add3A_58, %dma_wait3A_71] : memref<131072x128xf32, #tpu.memory_space<hbm>> -> memref<512x128xf32, #tpu.memory_space<hbm>>
      tpu.wait_dma2 semaphore(%run_scoped3A : memref<!tpu.dma_semaphore, #tpu.memory_space<semaphore_mem>>) src(%arg6 : memref<512x128xf32, #tpu.memory_space<vmem>>) dst(%dma_wait3A_72 : memref<512x128xf32, #tpu.memory_space<hbm>>)
      tpu.yield
    }) : () -> ()
    return
  }
}

module attributes {stable_mosaic.version = 14 : i64} {
  func.func @_fps_body(%arg0: memref<4x3x64x128xf32, #tpu.memory_space<vmem>>, %arg1: memref<12x8192xf32, #tpu.memory_space<smem>>, %arg2: memref<12x2048xf32, #tpu.memory_space<smem>>) attributes {dimension_semantics = [], scalar_prefetch = 0 : i64, scratch_operands = 0 : i64, tpu.core_type = #tpu.core_type<tc>} {
    %iota3A = tpu.iota {dimensions = array<i32: 0>} : vector<64x128xi32>
    %mul3A = arith.constant 128 : i32
    %mul3A_0 = vector.broadcast %mul3A : i32 to vector<64x128xi32>
    %mul3A_1 = arith.muli %iota3A, %mul3A_0 : vector<64x128xi32>
    %iota3A_2 = tpu.iota {dimensions = array<i32: 1>} : vector<64x128xi32>
    %add3A = arith.addi %mul3A_1, %iota3A_2 : vector<64x128xi32>
    %broadcast_in_dim3A = arith.constant 1.000000e+10 : f32
    %broadcast_in_dim3A_3 = vector.broadcast %broadcast_in_dim3A : f32 to vector<64x128xf32>
    %broadcast_in_dim3A_4 = arith.constant 1.000000e+10 : f32
    %broadcast_in_dim3A_5 = vector.broadcast %broadcast_in_dim3A_4 : f32 to vector<64x128xf32>
    %broadcast_in_dim3A_6 = arith.constant 1.000000e+10 : f32
    %broadcast_in_dim3A_7 = vector.broadcast %broadcast_in_dim3A_6 : f32 to vector<64x128xf32>
    %broadcast_in_dim3A_8 = arith.constant 1.000000e+10 : f32
    %broadcast_in_dim3A_9 = vector.broadcast %broadcast_in_dim3A_8 : f32 to vector<64x128xf32>
    %scan3A = arith.constant 0 : i32
    %scan3A_10 = arith.constant 0 : i32
    %scan3A_11 = arith.constant 0 : i32
    %scan3A_12 = arith.constant 0 : i32
    %scan3A_13 = arith.constant 0 : i32
    %scan3A_14 = arith.constant 2048 : i32
    %scan3A_15 = arith.addi %scan3A_13, %scan3A_14 : i32
    %scan3A_16 = arith.constant 4 : i32
    %scan3A_17:8 = scf.for %scan3A_19 = %scan3A_13 to %scan3A_15 step %scan3A_16 iter_args(%scan3A_20 = %scan3A, %scan3A_21 = %scan3A_10, %scan3A_22 = %scan3A_11, %scan3A_23 = %scan3A_12, %scan3A_24 = %broadcast_in_dim3A_3, %scan3A_25 = %broadcast_in_dim3A_5, %scan3A_26 = %broadcast_in_dim3A_7, %scan3A_27 = %broadcast_in_dim3A_9) -> (i32, i32, i32, i32, vector<64x128xf32>, vector<64x128xf32>, vector<64x128xf32>, vector<64x128xf32>)  : i32 {
      %get3A = arith.constant 0 : index
      %get3A_28 = arith.index_cast %scan3A_20 : i32 to index
      %get3A_29 = memref.load %arg1[%get3A, %get3A_28] : memref<12x8192xf32, #tpu.memory_space<smem>>
      %get3A_30 = arith.constant 1 : index
      %get3A_31 = arith.index_cast %scan3A_20 : i32 to index
      %get3A_32 = memref.load %arg1[%get3A_30, %get3A_31] : memref<12x8192xf32, #tpu.memory_space<smem>>
      %get3A_33 = arith.constant 2 : index
      %get3A_34 = arith.index_cast %scan3A_20 : i32 to index
      %get3A_35 = memref.load %arg1[%get3A_33, %get3A_34] : memref<12x8192xf32, #tpu.memory_space<smem>>
      %get3A_36 = arith.constant 3 : index
      %get3A_37 = arith.index_cast %scan3A_21 : i32 to index
      %get3A_38 = memref.load %arg1[%get3A_36, %get3A_37] : memref<12x8192xf32, #tpu.memory_space<smem>>
      %get3A_39 = arith.constant 4 : index
      %get3A_40 = arith.index_cast %scan3A_21 : i32 to index
      %get3A_41 = memref.load %arg1[%get3A_39, %get3A_40] : memref<12x8192xf32, #tpu.memory_space<smem>>
      %get3A_42 = arith.constant 5 : index
      %get3A_43 = arith.index_cast %scan3A_21 : i32 to index
      %get3A_44 = memref.load %arg1[%get3A_42, %get3A_43] : memref<12x8192xf32, #tpu.memory_space<smem>>
      %get3A_45 = arith.constant 6 : index
      %get3A_46 = arith.index_cast %scan3A_22 : i32 to index
      %get3A_47 = memref.load %arg1[%get3A_45, %get3A_46] : memref<12x8192xf32, #tpu.memory_space<smem>>
      %get3A_48 = arith.constant 7 : index
      %get3A_49 = arith.index_cast %scan3A_22 : i32 to index
      %get3A_50 = memref.load %arg1[%get3A_48, %get3A_49] : memref<12x8192xf32, #tpu.memory_space<smem>>
      %get3A_51 = arith.constant 8 : index
      %get3A_52 = arith.index_cast %scan3A_22 : i32 to index
      %get3A_53 = memref.load %arg1[%get3A_51, %get3A_52] : memref<12x8192xf32, #tpu.memory_space<smem>>
      %get3A_54 = arith.constant 9 : index
      %get3A_55 = arith.index_cast %scan3A_23 : i32 to index
      %get3A_56 = memref.load %arg1[%get3A_54, %get3A_55] : memref<12x8192xf32, #tpu.memory_space<smem>>
      %get3A_57 = arith.constant 10 : index
      %get3A_58 = arith.index_cast %scan3A_23 : i32 to index
      %get3A_59 = memref.load %arg1[%get3A_57, %get3A_58] : memref<12x8192xf32, #tpu.memory_space<smem>>
      %get3A_60 = arith.constant 11 : index
      %get3A_61 = arith.index_cast %scan3A_23 : i32 to index
      %get3A_62 = memref.load %arg1[%get3A_60, %get3A_61] : memref<12x8192xf32, #tpu.memory_space<smem>>
      %swap3A = arith.constant 0 : index
      %swap3A_63 = arith.index_cast %scan3A_19 : i32 to index
      %swap3A_64 = memref.load %arg2[%swap3A, %swap3A_63] : memref<12x2048xf32, #tpu.memory_space<smem>>
      memref.store %get3A_29, %arg2[%swap3A, %swap3A_63] : memref<12x2048xf32, #tpu.memory_space<smem>>
      %swap3A_65 = arith.constant 1 : index
      %swap3A_66 = arith.index_cast %scan3A_19 : i32 to index
      %swap3A_67 = memref.load %arg2[%swap3A_65, %swap3A_66] : memref<12x2048xf32, #tpu.memory_space<smem>>
      memref.store %get3A_32, %arg2[%swap3A_65, %swap3A_66] : memref<12x2048xf32, #tpu.memory_space<smem>>
      %swap3A_68 = arith.constant 2 : index
      %swap3A_69 = arith.index_cast %scan3A_19 : i32 to index
      %swap3A_70 = memref.load %arg2[%swap3A_68, %swap3A_69] : memref<12x2048xf32, #tpu.memory_space<smem>>
      memref.store %get3A_35, %arg2[%swap3A_68, %swap3A_69] : memref<12x2048xf32, #tpu.memory_space<smem>>
      %get3A_71 = arith.constant 0 : index
      %get3A_72 = arith.constant 0 : index
      %get3A_73 = arith.constant 0 : index
      %get3A_74 = arith.constant 0 : index
      %get3A_75 = vector.load %arg0[%get3A_71, %get3A_72, %get3A_73, %get3A_74] : memref<4x3x64x128xf32, #tpu.memory_space<vmem>>, vector<1x1x64x128xf32>
      %get3A_76 = vector.shape_cast %get3A_75 : vector<1x1x64x128xf32> to vector<64x128xf32>
      %sub3A = vector.broadcast %get3A_29 : f32 to vector<64x128xf32>
      %sub3A_77 = arith.subf %get3A_76, %sub3A : vector<64x128xf32>
      %get3A_78 = arith.constant 0 : index
      %get3A_79 = arith.constant 1 : index
      %get3A_80 = arith.constant 0 : index
      %get3A_81 = arith.constant 0 : index
      %get3A_82 = vector.load %arg0[%get3A_78, %get3A_79, %get3A_80, %get3A_81] : memref<4x3x64x128xf32, #tpu.memory_space<vmem>>, vector<1x1x64x128xf32>
      %get3A_83 = vector.shape_cast %get3A_82 : vector<1x1x64x128xf32> to vector<64x128xf32>
      %sub3A_84 = vector.broadcast %get3A_32 : f32 to vector<64x128xf32>
      %sub3A_85 = arith.subf %get3A_83, %sub3A_84 : vector<64x128xf32>
      %get3A_86 = arith.constant 0 : index
      %get3A_87 = arith.constant 2 : index
      %get3A_88 = arith.constant 0 : index
      %get3A_89 = arith.constant 0 : index
      %get3A_90 = vector.load %arg0[%get3A_86, %get3A_87, %get3A_88, %get3A_89] : memref<4x3x64x128xf32, #tpu.memory_space<vmem>>, vector<1x1x64x128xf32>
      %get3A_91 = vector.shape_cast %get3A_90 : vector<1x1x64x128xf32> to vector<64x128xf32>
      %sub3A_92 = vector.broadcast %get3A_35 : f32 to vector<64x128xf32>
      %sub3A_93 = arith.subf %get3A_91, %sub3A_92 : vector<64x128xf32>
      %mul3A_94 = arith.mulf %sub3A_77, %sub3A_77 : vector<64x128xf32>
      %mul3A_95 = arith.mulf %sub3A_85, %sub3A_85 : vector<64x128xf32>
      %add3A_96 = arith.addf %mul3A_94, %mul3A_95 : vector<64x128xf32>
      %mul3A_97 = arith.mulf %sub3A_93, %sub3A_93 : vector<64x128xf32>
      %add3A_98 = arith.addf %add3A_96, %mul3A_97 : vector<64x128xf32>
      %min3A = arith.minimumf %scan3A_24, %add3A_98 : vector<64x128xf32>
      %reduce_max3A = vector.shape_cast %min3A : vector<64x128xf32> to vector<1x64x128xf32>
      %reduce_max3A_99 = arith.constant dense<0xFF800000> : vector<1xf32>
      %reduce_max3A_100 = vector.multi_reduction <maximumf>, %reduce_max3A, %reduce_max3A_99 [1, 2] : vector<1x64x128xf32> to vector<1xf32>
      %reduce_max3A_101 = vector.shape_cast %reduce_max3A_100 : vector<1xf32> to vector<1x1x1xf32>
      %reduce_max3A_102 = vector.extract %reduce_max3A_101[0, 0, 0] : f32 from vector<1x1x1xf32>
      %broadcast_in_dim3A_103 = vector.broadcast %reduce_max3A_102 : f32 to vector<1x1xf32>
      %eq3A = vector.broadcast %broadcast_in_dim3A_103 : vector<1x1xf32> to vector<64x128xf32>
      %eq3A_104 = arith.cmpf oeq, %min3A, %eq3A : vector<64x128xf32>
      %jit3A = arith.constant 1073741824 : i32
      %broadcast_in_dim3A_105 = vector.broadcast %jit3A : i32 to vector<64x128xi32>
      %select_n3A = arith.select %eq3A_104, %add3A, %broadcast_in_dim3A_105 : vector<64x128xi1>, vector<64x128xi32>
      %reduce_min3A = vector.shape_cast %select_n3A : vector<64x128xi32> to vector<1x64x128xi32>
      %reduce_min3A_106 = arith.constant dense<2147483647> : vector<1xi32>
      %reduce_min3A_107 = vector.multi_reduction <minsi>, %reduce_min3A, %reduce_min3A_106 [1, 2] : vector<1x64x128xi32> to vector<1xi32>
      %reduce_min3A_108 = vector.shape_cast %reduce_min3A_107 : vector<1xi32> to vector<1x1x1xi32>
      %reduce_min3A_109 = vector.extract %reduce_min3A_108[0, 0, 0] : i32 from vector<1x1x1xi32>
      %swap3A_110 = arith.constant 3 : index
      %swap3A_111 = arith.index_cast %scan3A_19 : i32 to index
      %swap3A_112 = memref.load %arg2[%swap3A_110, %swap3A_111] : memref<12x2048xf32, #tpu.memory_space<smem>>
      memref.store %get3A_38, %arg2[%swap3A_110, %swap3A_111] : memref<12x2048xf32, #tpu.memory_space<smem>>
      %swap3A_113 = arith.constant 4 : index
      %swap3A_114 = arith.index_cast %scan3A_19 : i32 to index
      %swap3A_115 = memref.load %arg2[%swap3A_113, %swap3A_114] : memref<12x2048xf32, #tpu.memory_space<smem>>
      memref.store %get3A_41, %arg2[%swap3A_113, %swap3A_114] : memref<12x2048xf32, #tpu.memory_space<smem>>
      %swap3A_116 = arith.constant 5 : index
      %swap3A_117 = arith.index_cast %scan3A_19 : i32 to index
      %swap3A_118 = memref.load %arg2[%swap3A_116, %swap3A_117] : memref<12x2048xf32, #tpu.memory_space<smem>>
      memref.store %get3A_44, %arg2[%swap3A_116, %swap3A_117] : memref<12x2048xf32, #tpu.memory_space<smem>>
      %get3A_119 = arith.constant 1 : index
      %get3A_120 = arith.constant 0 : index
      %get3A_121 = arith.constant 0 : index
      %get3A_122 = arith.constant 0 : index
      %get3A_123 = vector.load %arg0[%get3A_119, %get3A_120, %get3A_121, %get3A_122] : memref<4x3x64x128xf32, #tpu.memory_space<vmem>>, vector<1x1x64x128xf32>
      %get3A_124 = vector.shape_cast %get3A_123 : vector<1x1x64x128xf32> to vector<64x128xf32>
      %sub3A_125 = vector.broadcast %get3A_38 : f32 to vector<64x128xf32>
      %sub3A_126 = arith.subf %get3A_124, %sub3A_125 : vector<64x128xf32>
      %get3A_127 = arith.constant 1 : index
      %get3A_128 = arith.constant 1 : index
      %get3A_129 = arith.constant 0 : index
      %get3A_130 = arith.constant 0 : index
      %get3A_131 = vector.load %arg0[%get3A_127, %get3A_128, %get3A_129, %get3A_130] : memref<4x3x64x128xf32, #tpu.memory_space<vmem>>, vector<1x1x64x128xf32>
      %get3A_132 = vector.shape_cast %get3A_131 : vector<1x1x64x128xf32> to vector<64x128xf32>
      %sub3A_133 = vector.broadcast %get3A_41 : f32 to vector<64x128xf32>
      %sub3A_134 = arith.subf %get3A_132, %sub3A_133 : vector<64x128xf32>
      %get3A_135 = arith.constant 1 : index
      %get3A_136 = arith.constant 2 : index
      %get3A_137 = arith.constant 0 : index
      %get3A_138 = arith.constant 0 : index
      %get3A_139 = vector.load %arg0[%get3A_135, %get3A_136, %get3A_137, %get3A_138] : memref<4x3x64x128xf32, #tpu.memory_space<vmem>>, vector<1x1x64x128xf32>
      %get3A_140 = vector.shape_cast %get3A_139 : vector<1x1x64x128xf32> to vector<64x128xf32>
      %sub3A_141 = vector.broadcast %get3A_44 : f32 to vector<64x128xf32>
      %sub3A_142 = arith.subf %get3A_140, %sub3A_141 : vector<64x128xf32>
      %mul3A_143 = arith.mulf %sub3A_126, %sub3A_126 : vector<64x128xf32>
      %mul3A_144 = arith.mulf %sub3A_134, %sub3A_134 : vector<64x128xf32>
      %add3A_145 = arith.addf %mul3A_143, %mul3A_144 : vector<64x128xf32>
      %mul3A_146 = arith.mulf %sub3A_142, %sub3A_142 : vector<64x128xf32>
      %add3A_147 = arith.addf %add3A_145, %mul3A_146 : vector<64x128xf32>
      %min3A_148 = arith.minimumf %scan3A_25, %add3A_147 : vector<64x128xf32>
      %reduce_max3A_149 = vector.shape_cast %min3A_148 : vector<64x128xf32> to vector<1x64x128xf32>
      %reduce_max3A_150 = arith.constant dense<0xFF800000> : vector<1xf32>
      %reduce_max3A_151 = vector.multi_reduction <maximumf>, %reduce_max3A_149, %reduce_max3A_150 [1, 2] : vector<1x64x128xf32> to vector<1xf32>
      %reduce_max3A_152 = vector.shape_cast %reduce_max3A_151 : vector<1xf32> to vector<1x1x1xf32>
      %reduce_max3A_153 = vector.extract %reduce_max3A_152[0, 0, 0] : f32 from vector<1x1x1xf32>
      %broadcast_in_dim3A_154 = vector.broadcast %reduce_max3A_153 : f32 to vector<1x1xf32>
      %eq3A_155 = vector.broadcast %broadcast_in_dim3A_154 : vector<1x1xf32> to vector<64x128xf32>
      %eq3A_156 = arith.cmpf oeq, %min3A_148, %eq3A_155 : vector<64x128xf32>
      %jit3A_157 = arith.constant 1073741824 : i32
      %broadcast_in_dim3A_158 = vector.broadcast %jit3A_157 : i32 to vector<64x128xi32>
      %select_n3A_159 = arith.select %eq3A_156, %add3A, %broadcast_in_dim3A_158 : vector<64x128xi1>, vector<64x128xi32>
      %reduce_min3A_160 = vector.shape_cast %select_n3A_159 : vector<64x128xi32> to vector<1x64x128xi32>
      %reduce_min3A_161 = arith.constant dense<2147483647> : vector<1xi32>
      %reduce_min3A_162 = vector.multi_reduction <minsi>, %reduce_min3A_160, %reduce_min3A_161 [1, 2] : vector<1x64x128xi32> to vector<1xi32>
      %reduce_min3A_163 = vector.shape_cast %reduce_min3A_162 : vector<1xi32> to vector<1x1x1xi32>
      %reduce_min3A_164 = vector.extract %reduce_min3A_163[0, 0, 0] : i32 from vector<1x1x1xi32>
      %swap3A_165 = arith.constant 6 : index
      %swap3A_166 = arith.index_cast %scan3A_19 : i32 to index
      %swap3A_167 = memref.load %arg2[%swap3A_165, %swap3A_166] : memref<12x2048xf32, #tpu.memory_space<smem>>
      memref.store %get3A_47, %arg2[%swap3A_165, %swap3A_166] : memref<12x2048xf32, #tpu.memory_space<smem>>
      %swap3A_168 = arith.constant 7 : index
      %swap3A_169 = arith.index_cast %scan3A_19 : i32 to index
      %swap3A_170 = memref.load %arg2[%swap3A_168, %swap3A_169] : memref<12x2048xf32, #tpu.memory_space<smem>>
      memref.store %get3A_50, %arg2[%swap3A_168, %swap3A_169] : memref<12x2048xf32, #tpu.memory_space<smem>>
      %swap3A_171 = arith.constant 8 : index
      %swap3A_172 = arith.index_cast %scan3A_19 : i32 to index
      %swap3A_173 = memref.load %arg2[%swap3A_171, %swap3A_172] : memref<12x2048xf32, #tpu.memory_space<smem>>
      memref.store %get3A_53, %arg2[%swap3A_171, %swap3A_172] : memref<12x2048xf32, #tpu.memory_space<smem>>
      %get3A_174 = arith.constant 2 : index
      %get3A_175 = arith.constant 0 : index
      %get3A_176 = arith.constant 0 : index
      %get3A_177 = arith.constant 0 : index
      %get3A_178 = vector.load %arg0[%get3A_174, %get3A_175, %get3A_176, %get3A_177] : memref<4x3x64x128xf32, #tpu.memory_space<vmem>>, vector<1x1x64x128xf32>
      %get3A_179 = vector.shape_cast %get3A_178 : vector<1x1x64x128xf32> to vector<64x128xf32>
      %sub3A_180 = vector.broadcast %get3A_47 : f32 to vector<64x128xf32>
      %sub3A_181 = arith.subf %get3A_179, %sub3A_180 : vector<64x128xf32>
      %get3A_182 = arith.constant 2 : index
      %get3A_183 = arith.constant 1 : index
      %get3A_184 = arith.constant 0 : index
      %get3A_185 = arith.constant 0 : index
      %get3A_186 = vector.load %arg0[%get3A_182, %get3A_183, %get3A_184, %get3A_185] : memref<4x3x64x128xf32, #tpu.memory_space<vmem>>, vector<1x1x64x128xf32>
      %get3A_187 = vector.shape_cast %get3A_186 : vector<1x1x64x128xf32> to vector<64x128xf32>
      %sub3A_188 = vector.broadcast %get3A_50 : f32 to vector<64x128xf32>
      %sub3A_189 = arith.subf %get3A_187, %sub3A_188 : vector<64x128xf32>
      %get3A_190 = arith.constant 2 : index
      %get3A_191 = arith.constant 2 : index
      %get3A_192 = arith.constant 0 : index
      %get3A_193 = arith.constant 0 : index
      %get3A_194 = vector.load %arg0[%get3A_190, %get3A_191, %get3A_192, %get3A_193] : memref<4x3x64x128xf32, #tpu.memory_space<vmem>>, vector<1x1x64x128xf32>
      %get3A_195 = vector.shape_cast %get3A_194 : vector<1x1x64x128xf32> to vector<64x128xf32>
      %sub3A_196 = vector.broadcast %get3A_53 : f32 to vector<64x128xf32>
      %sub3A_197 = arith.subf %get3A_195, %sub3A_196 : vector<64x128xf32>
      %mul3A_198 = arith.mulf %sub3A_181, %sub3A_181 : vector<64x128xf32>
      %mul3A_199 = arith.mulf %sub3A_189, %sub3A_189 : vector<64x128xf32>
      %add3A_200 = arith.addf %mul3A_198, %mul3A_199 : vector<64x128xf32>
      %mul3A_201 = arith.mulf %sub3A_197, %sub3A_197 : vector<64x128xf32>
      %add3A_202 = arith.addf %add3A_200, %mul3A_201 : vector<64x128xf32>
      %min3A_203 = arith.minimumf %scan3A_26, %add3A_202 : vector<64x128xf32>
      %reduce_max3A_204 = vector.shape_cast %min3A_203 : vector<64x128xf32> to vector<1x64x128xf32>
      %reduce_max3A_205 = arith.constant dense<0xFF800000> : vector<1xf32>
      %reduce_max3A_206 = vector.multi_reduction <maximumf>, %reduce_max3A_204, %reduce_max3A_205 [1, 2] : vector<1x64x128xf32> to vector<1xf32>
      %reduce_max3A_207 = vector.shape_cast %reduce_max3A_206 : vector<1xf32> to vector<1x1x1xf32>
      %reduce_max3A_208 = vector.extract %reduce_max3A_207[0, 0, 0] : f32 from vector<1x1x1xf32>
      %broadcast_in_dim3A_209 = vector.broadcast %reduce_max3A_208 : f32 to vector<1x1xf32>
      %eq3A_210 = vector.broadcast %broadcast_in_dim3A_209 : vector<1x1xf32> to vector<64x128xf32>
      %eq3A_211 = arith.cmpf oeq, %min3A_203, %eq3A_210 : vector<64x128xf32>
      %jit3A_212 = arith.constant 1073741824 : i32
      %broadcast_in_dim3A_213 = vector.broadcast %jit3A_212 : i32 to vector<64x128xi32>
      %select_n3A_214 = arith.select %eq3A_211, %add3A, %broadcast_in_dim3A_213 : vector<64x128xi1>, vector<64x128xi32>
      %reduce_min3A_215 = vector.shape_cast %select_n3A_214 : vector<64x128xi32> to vector<1x64x128xi32>
      %reduce_min3A_216 = arith.constant dense<2147483647> : vector<1xi32>
      %reduce_min3A_217 = vector.multi_reduction <minsi>, %reduce_min3A_215, %reduce_min3A_216 [1, 2] : vector<1x64x128xi32> to vector<1xi32>
      %reduce_min3A_218 = vector.shape_cast %reduce_min3A_217 : vector<1xi32> to vector<1x1x1xi32>
      %reduce_min3A_219 = vector.extract %reduce_min3A_218[0, 0, 0] : i32 from vector<1x1x1xi32>
      %swap3A_220 = arith.constant 9 : index
      %swap3A_221 = arith.index_cast %scan3A_19 : i32 to index
      %swap3A_222 = memref.load %arg2[%swap3A_220, %swap3A_221] : memref<12x2048xf32, #tpu.memory_space<smem>>
      memref.store %get3A_56, %arg2[%swap3A_220, %swap3A_221] : memref<12x2048xf32, #tpu.memory_space<smem>>
      %swap3A_223 = arith.constant 10 : index
      %swap3A_224 = arith.index_cast %scan3A_19 : i32 to index
      %swap3A_225 = memref.load %arg2[%swap3A_223, %swap3A_224] : memref<12x2048xf32, #tpu.memory_space<smem>>
      memref.store %get3A_59, %arg2[%swap3A_223, %swap3A_224] : memref<12x2048xf32, #tpu.memory_space<smem>>
      %swap3A_226 = arith.constant 11 : index
      %swap3A_227 = arith.index_cast %scan3A_19 : i32 to index
      %swap3A_228 = memref.load %arg2[%swap3A_226, %swap3A_227] : memref<12x2048xf32, #tpu.memory_space<smem>>
      memref.store %get3A_62, %arg2[%swap3A_226, %swap3A_227] : memref<12x2048xf32, #tpu.memory_space<smem>>
      %get3A_229 = arith.constant 3 : index
      %get3A_230 = arith.constant 0 : index
      %get3A_231 = arith.constant 0 : index
      %get3A_232 = arith.constant 0 : index
      %get3A_233 = vector.load %arg0[%get3A_229, %get3A_230, %get3A_231, %get3A_232] : memref<4x3x64x128xf32, #tpu.memory_space<vmem>>, vector<1x1x64x128xf32>
      %get3A_234 = vector.shape_cast %get3A_233 : vector<1x1x64x128xf32> to vector<64x128xf32>
      %sub3A_235 = vector.broadcast %get3A_56 : f32 to vector<64x128xf32>
      %sub3A_236 = arith.subf %get3A_234, %sub3A_235 : vector<64x128xf32>
      %get3A_237 = arith.constant 3 : index
      %get3A_238 = arith.constant 1 : index
      %get3A_239 = arith.constant 0 : index
      %get3A_240 = arith.constant 0 : index
      %get3A_241 = vector.load %arg0[%get3A_237, %get3A_238, %get3A_239, %get3A_240] : memref<4x3x64x128xf32, #tpu.memory_space<vmem>>, vector<1x1x64x128xf32>
      %get3A_242 = vector.shape_cast %get3A_241 : vector<1x1x64x128xf32> to vector<64x128xf32>
      %sub3A_243 = vector.broadcast %get3A_59 : f32 to vector<64x128xf32>
      %sub3A_244 = arith.subf %get3A_242, %sub3A_243 : vector<64x128xf32>
      %get3A_245 = arith.constant 3 : index
      %get3A_246 = arith.constant 2 : index
      %get3A_247 = arith.constant 0 : index
      %get3A_248 = arith.constant 0 : index
      %get3A_249 = vector.load %arg0[%get3A_245, %get3A_246, %get3A_247, %get3A_248] : memref<4x3x64x128xf32, #tpu.memory_space<vmem>>, vector<1x1x64x128xf32>
      %get3A_250 = vector.shape_cast %get3A_249 : vector<1x1x64x128xf32> to vector<64x128xf32>
      %sub3A_251 = vector.broadcast %get3A_62 : f32 to vector<64x128xf32>
      %sub3A_252 = arith.subf %get3A_250, %sub3A_251 : vector<64x128xf32>
      %mul3A_253 = arith.mulf %sub3A_236, %sub3A_236 : vector<64x128xf32>
      %mul3A_254 = arith.mulf %sub3A_244, %sub3A_244 : vector<64x128xf32>
      %add3A_255 = arith.addf %mul3A_253, %mul3A_254 : vector<64x128xf32>
      %mul3A_256 = arith.mulf %sub3A_252, %sub3A_252 : vector<64x128xf32>
      %add3A_257 = arith.addf %add3A_255, %mul3A_256 : vector<64x128xf32>
      %min3A_258 = arith.minimumf %scan3A_27, %add3A_257 : vector<64x128xf32>
      %reduce_max3A_259 = vector.shape_cast %min3A_258 : vector<64x128xf32> to vector<1x64x128xf32>
      %reduce_max3A_260 = arith.constant dense<0xFF800000> : vector<1xf32>
      %reduce_max3A_261 = vector.multi_reduction <maximumf>, %reduce_max3A_259, %reduce_max3A_260 [1, 2] : vector<1x64x128xf32> to vector<1xf32>
      %reduce_max3A_262 = vector.shape_cast %reduce_max3A_261 : vector<1xf32> to vector<1x1x1xf32>
      %reduce_max3A_263 = vector.extract %reduce_max3A_262[0, 0, 0] : f32 from vector<1x1x1xf32>
      %broadcast_in_dim3A_264 = vector.broadcast %reduce_max3A_263 : f32 to vector<1x1xf32>
      %eq3A_265 = vector.broadcast %broadcast_in_dim3A_264 : vector<1x1xf32> to vector<64x128xf32>
      %eq3A_266 = arith.cmpf oeq, %min3A_258, %eq3A_265 : vector<64x128xf32>
      %jit3A_267 = arith.constant 1073741824 : i32
      %broadcast_in_dim3A_268 = vector.broadcast %jit3A_267 : i32 to vector<64x128xi32>
      %select_n3A_269 = arith.select %eq3A_266, %add3A, %broadcast_in_dim3A_268 : vector<64x128xi1>, vector<64x128xi32>
      %reduce_min3A_270 = vector.shape_cast %select_n3A_269 : vector<64x128xi32> to vector<1x64x128xi32>
      %reduce_min3A_271 = arith.constant dense<2147483647> : vector<1xi32>
      %reduce_min3A_272 = vector.multi_reduction <minsi>, %reduce_min3A_270, %reduce_min3A_271 [1, 2] : vector<1x64x128xi32> to vector<1xi32>
      %reduce_min3A_273 = vector.shape_cast %reduce_min3A_272 : vector<1xi32> to vector<1x1x1xi32>
      %reduce_min3A_274 = vector.extract %reduce_min3A_273[0, 0, 0] : i32 from vector<1x1x1xi32>
      %scan3A_275 = arith.constant 1 : i32
      %scan3A_276 = arith.addi %scan3A_19, %scan3A_275 : i32
      %get3A_277 = arith.constant 0 : index
      %get3A_278 = arith.index_cast %reduce_min3A_109 : i32 to index
      %get3A_279 = memref.load %arg1[%get3A_277, %get3A_278] : memref<12x8192xf32, #tpu.memory_space<smem>>
      %get3A_280 = arith.constant 1 : index
      %get3A_281 = arith.index_cast %reduce_min3A_109 : i32 to index
      %get3A_282 = memref.load %arg1[%get3A_280, %get3A_281] : memref<12x8192xf32, #tpu.memory_space<smem>>
      %get3A_283 = arith.constant 2 : index
      %get3A_284 = arith.index_cast %reduce_min3A_109 : i32 to index
      %get3A_285 = memref.load %arg1[%get3A_283, %get3A_284] : memref<12x8192xf32, #tpu.memory_space<smem>>
      %get3A_286 = arith.constant 3 : index
      %get3A_287 = arith.index_cast %reduce_min3A_164 : i32 to index
      %get3A_288 = memref.load %arg1[%get3A_286, %get3A_287] : memref<12x8192xf32, #tpu.memory_space<smem>>
      %get3A_289 = arith.constant 4 : index
      %get3A_290 = arith.index_cast %reduce_min3A_164 : i32 to index
      %get3A_291 = memref.load %arg1[%get3A_289, %get3A_290] : memref<12x8192xf32, #tpu.memory_space<smem>>
      %get3A_292 = arith.constant 5 : index
      %get3A_293 = arith.index_cast %reduce_min3A_164 : i32 to index
      %get3A_294 = memref.load %arg1[%get3A_292, %get3A_293] : memref<12x8192xf32, #tpu.memory_space<smem>>
      %get3A_295 = arith.constant 6 : index
      %get3A_296 = arith.index_cast %reduce_min3A_219 : i32 to index
      %get3A_297 = memref.load %arg1[%get3A_295, %get3A_296] : memref<12x8192xf32, #tpu.memory_space<smem>>
      %get3A_298 = arith.constant 7 : index
      %get3A_299 = arith.index_cast %reduce_min3A_219 : i32 to index
      %get3A_300 = memref.load %arg1[%get3A_298, %get3A_299] : memref<12x8192xf32, #tpu.memory_space<smem>>
      %get3A_301 = arith.constant 8 : index
      %get3A_302 = arith.index_cast %reduce_min3A_219 : i32 to index
      %get3A_303 = memref.load %arg1[%get3A_301, %get3A_302] : memref<12x8192xf32, #tpu.memory_space<smem>>
      %get3A_304 = arith.constant 9 : index
      %get3A_305 = arith.index_cast %reduce_min3A_274 : i32 to index
      %get3A_306 = memref.load %arg1[%get3A_304, %get3A_305] : memref<12x8192xf32, #tpu.memory_space<smem>>
      %get3A_307 = arith.constant 10 : index
      %get3A_308 = arith.index_cast %reduce_min3A_274 : i32 to index
      %get3A_309 = memref.load %arg1[%get3A_307, %get3A_308] : memref<12x8192xf32, #tpu.memory_space<smem>>
      %get3A_310 = arith.constant 11 : index
      %get3A_311 = arith.index_cast %reduce_min3A_274 : i32 to index
      %get3A_312 = memref.load %arg1[%get3A_310, %get3A_311] : memref<12x8192xf32, #tpu.memory_space<smem>>
      %swap3A_313 = arith.constant 0 : index
      %swap3A_314 = arith.index_cast %scan3A_276 : i32 to index
      %swap3A_315 = memref.load %arg2[%swap3A_313, %swap3A_314] : memref<12x2048xf32, #tpu.memory_space<smem>>
      memref.store %get3A_279, %arg2[%swap3A_313, %swap3A_314] : memref<12x2048xf32, #tpu.memory_space<smem>>
      %swap3A_316 = arith.constant 1 : index
      %swap3A_317 = arith.index_cast %scan3A_276 : i32 to index
      %swap3A_318 = memref.load %arg2[%swap3A_316, %swap3A_317] : memref<12x2048xf32, #tpu.memory_space<smem>>
      memref.store %get3A_282, %arg2[%swap3A_316, %swap3A_317] : memref<12x2048xf32, #tpu.memory_space<smem>>
      %swap3A_319 = arith.constant 2 : index
      %swap3A_320 = arith.index_cast %scan3A_276 : i32 to index
      %swap3A_321 = memref.load %arg2[%swap3A_319, %swap3A_320] : memref<12x2048xf32, #tpu.memory_space<smem>>
      memref.store %get3A_285, %arg2[%swap3A_319, %swap3A_320] : memref<12x2048xf32, #tpu.memory_space<smem>>
      %get3A_322 = arith.constant 0 : index
      %get3A_323 = arith.constant 0 : index
      %get3A_324 = arith.constant 0 : index
      %get3A_325 = arith.constant 0 : index
      %get3A_326 = vector.load %arg0[%get3A_322, %get3A_323, %get3A_324, %get3A_325] : memref<4x3x64x128xf32, #tpu.memory_space<vmem>>, vector<1x1x64x128xf32>
      %get3A_327 = vector.shape_cast %get3A_326 : vector<1x1x64x128xf32> to vector<64x128xf32>
      %sub3A_328 = vector.broadcast %get3A_279 : f32 to vector<64x128xf32>
      %sub3A_329 = arith.subf %get3A_327, %sub3A_328 : vector<64x128xf32>
      %get3A_330 = arith.constant 0 : index
      %get3A_331 = arith.constant 1 : index
      %get3A_332 = arith.constant 0 : index
      %get3A_333 = arith.constant 0 : index
      %get3A_334 = vector.load %arg0[%get3A_330, %get3A_331, %get3A_332, %get3A_333] : memref<4x3x64x128xf32, #tpu.memory_space<vmem>>, vector<1x1x64x128xf32>
      %get3A_335 = vector.shape_cast %get3A_334 : vector<1x1x64x128xf32> to vector<64x128xf32>
      %sub3A_336 = vector.broadcast %get3A_282 : f32 to vector<64x128xf32>
      %sub3A_337 = arith.subf %get3A_335, %sub3A_336 : vector<64x128xf32>
      %get3A_338 = arith.constant 0 : index
      %get3A_339 = arith.constant 2 : index
      %get3A_340 = arith.constant 0 : index
      %get3A_341 = arith.constant 0 : index
      %get3A_342 = vector.load %arg0[%get3A_338, %get3A_339, %get3A_340, %get3A_341] : memref<4x3x64x128xf32, #tpu.memory_space<vmem>>, vector<1x1x64x128xf32>
      %get3A_343 = vector.shape_cast %get3A_342 : vector<1x1x64x128xf32> to vector<64x128xf32>
      %sub3A_344 = vector.broadcast %get3A_285 : f32 to vector<64x128xf32>
      %sub3A_345 = arith.subf %get3A_343, %sub3A_344 : vector<64x128xf32>
      %mul3A_346 = arith.mulf %sub3A_329, %sub3A_329 : vector<64x128xf32>
      %mul3A_347 = arith.mulf %sub3A_337, %sub3A_337 : vector<64x128xf32>
      %add3A_348 = arith.addf %mul3A_346, %mul3A_347 : vector<64x128xf32>
      %mul3A_349 = arith.mulf %sub3A_345, %sub3A_345 : vector<64x128xf32>
      %add3A_350 = arith.addf %add3A_348, %mul3A_349 : vector<64x128xf32>
      %min3A_351 = arith.minimumf %min3A, %add3A_350 : vector<64x128xf32>
      %reduce_max3A_352 = vector.shape_cast %min3A_351 : vector<64x128xf32> to vector<1x64x128xf32>
      %reduce_max3A_353 = arith.constant dense<0xFF800000> : vector<1xf32>
      %reduce_max3A_354 = vector.multi_reduction <maximumf>, %reduce_max3A_352, %reduce_max3A_353 [1, 2] : vector<1x64x128xf32> to vector<1xf32>
      %reduce_max3A_355 = vector.shape_cast %reduce_max3A_354 : vector<1xf32> to vector<1x1x1xf32>
      %reduce_max3A_356 = vector.extract %reduce_max3A_355[0, 0, 0] : f32 from vector<1x1x1xf32>
      %broadcast_in_dim3A_357 = vector.broadcast %reduce_max3A_356 : f32 to vector<1x1xf32>
      %eq3A_358 = vector.broadcast %broadcast_in_dim3A_357 : vector<1x1xf32> to vector<64x128xf32>
      %eq3A_359 = arith.cmpf oeq, %min3A_351, %eq3A_358 : vector<64x128xf32>
      %jit3A_360 = arith.constant 1073741824 : i32
      %broadcast_in_dim3A_361 = vector.broadcast %jit3A_360 : i32 to vector<64x128xi32>
      %select_n3A_362 = arith.select %eq3A_359, %add3A, %broadcast_in_dim3A_361 : vector<64x128xi1>, vector<64x128xi32>
      %reduce_min3A_363 = vector.shape_cast %select_n3A_362 : vector<64x128xi32> to vector<1x64x128xi32>
      %reduce_min3A_364 = arith.constant dense<2147483647> : vector<1xi32>
      %reduce_min3A_365 = vector.multi_reduction <minsi>, %reduce_min3A_363, %reduce_min3A_364 [1, 2] : vector<1x64x128xi32> to vector<1xi32>
      %reduce_min3A_366 = vector.shape_cast %reduce_min3A_365 : vector<1xi32> to vector<1x1x1xi32>
      %reduce_min3A_367 = vector.extract %reduce_min3A_366[0, 0, 0] : i32 from vector<1x1x1xi32>
      %swap3A_368 = arith.constant 3 : index
      %swap3A_369 = arith.index_cast %scan3A_276 : i32 to index
      %swap3A_370 = memref.load %arg2[%swap3A_368, %swap3A_369] : memref<12x2048xf32, #tpu.memory_space<smem>>
      memref.store %get3A_288, %arg2[%swap3A_368, %swap3A_369] : memref<12x2048xf32, #tpu.memory_space<smem>>
      %swap3A_371 = arith.constant 4 : index
      %swap3A_372 = arith.index_cast %scan3A_276 : i32 to index
      %swap3A_373 = memref.load %arg2[%swap3A_371, %swap3A_372] : memref<12x2048xf32, #tpu.memory_space<smem>>
      memref.store %get3A_291, %arg2[%swap3A_371, %swap3A_372] : memref<12x2048xf32, #tpu.memory_space<smem>>
      %swap3A_374 = arith.constant 5 : index
      %swap3A_375 = arith.index_cast %scan3A_276 : i32 to index
      %swap3A_376 = memref.load %arg2[%swap3A_374, %swap3A_375] : memref<12x2048xf32, #tpu.memory_space<smem>>
      memref.store %get3A_294, %arg2[%swap3A_374, %swap3A_375] : memref<12x2048xf32, #tpu.memory_space<smem>>
      %get3A_377 = arith.constant 1 : index
      %get3A_378 = arith.constant 0 : index
      %get3A_379 = arith.constant 0 : index
      %get3A_380 = arith.constant 0 : index
      %get3A_381 = vector.load %arg0[%get3A_377, %get3A_378, %get3A_379, %get3A_380] : memref<4x3x64x128xf32, #tpu.memory_space<vmem>>, vector<1x1x64x128xf32>
      %get3A_382 = vector.shape_cast %get3A_381 : vector<1x1x64x128xf32> to vector<64x128xf32>
      %sub3A_383 = vector.broadcast %get3A_288 : f32 to vector<64x128xf32>
      %sub3A_384 = arith.subf %get3A_382, %sub3A_383 : vector<64x128xf32>
      %get3A_385 = arith.constant 1 : index
      %get3A_386 = arith.constant 1 : index
      %get3A_387 = arith.constant 0 : index
      %get3A_388 = arith.constant 0 : index
      %get3A_389 = vector.load %arg0[%get3A_385, %get3A_386, %get3A_387, %get3A_388] : memref<4x3x64x128xf32, #tpu.memory_space<vmem>>, vector<1x1x64x128xf32>
      %get3A_390 = vector.shape_cast %get3A_389 : vector<1x1x64x128xf32> to vector<64x128xf32>
      %sub3A_391 = vector.broadcast %get3A_291 : f32 to vector<64x128xf32>
      %sub3A_392 = arith.subf %get3A_390, %sub3A_391 : vector<64x128xf32>
      %get3A_393 = arith.constant 1 : index
      %get3A_394 = arith.constant 2 : index
      %get3A_395 = arith.constant 0 : index
      %get3A_396 = arith.constant 0 : index
      %get3A_397 = vector.load %arg0[%get3A_393, %get3A_394, %get3A_395, %get3A_396] : memref<4x3x64x128xf32, #tpu.memory_space<vmem>>, vector<1x1x64x128xf32>
      %get3A_398 = vector.shape_cast %get3A_397 : vector<1x1x64x128xf32> to vector<64x128xf32>
      %sub3A_399 = vector.broadcast %get3A_294 : f32 to vector<64x128xf32>
      %sub3A_400 = arith.subf %get3A_398, %sub3A_399 : vector<64x128xf32>
      %mul3A_401 = arith.mulf %sub3A_384, %sub3A_384 : vector<64x128xf32>
      %mul3A_402 = arith.mulf %sub3A_392, %sub3A_392 : vector<64x128xf32>
      %add3A_403 = arith.addf %mul3A_401, %mul3A_402 : vector<64x128xf32>
      %mul3A_404 = arith.mulf %sub3A_400, %sub3A_400 : vector<64x128xf32>
      %add3A_405 = arith.addf %add3A_403, %mul3A_404 : vector<64x128xf32>
      %min3A_406 = arith.minimumf %min3A_148, %add3A_405 : vector<64x128xf32>
      %reduce_max3A_407 = vector.shape_cast %min3A_406 : vector<64x128xf32> to vector<1x64x128xf32>
      %reduce_max3A_408 = arith.constant dense<0xFF800000> : vector<1xf32>
      %reduce_max3A_409 = vector.multi_reduction <maximumf>, %reduce_max3A_407, %reduce_max3A_408 [1, 2] : vector<1x64x128xf32> to vector<1xf32>
      %reduce_max3A_410 = vector.shape_cast %reduce_max3A_409 : vector<1xf32> to vector<1x1x1xf32>
      %reduce_max3A_411 = vector.extract %reduce_max3A_410[0, 0, 0] : f32 from vector<1x1x1xf32>
      %broadcast_in_dim3A_412 = vector.broadcast %reduce_max3A_411 : f32 to vector<1x1xf32>
      %eq3A_413 = vector.broadcast %broadcast_in_dim3A_412 : vector<1x1xf32> to vector<64x128xf32>
      %eq3A_414 = arith.cmpf oeq, %min3A_406, %eq3A_413 : vector<64x128xf32>
      %jit3A_415 = arith.constant 1073741824 : i32
      %broadcast_in_dim3A_416 = vector.broadcast %jit3A_415 : i32 to vector<64x128xi32>
      %select_n3A_417 = arith.select %eq3A_414, %add3A, %broadcast_in_dim3A_416 : vector<64x128xi1>, vector<64x128xi32>
      %reduce_min3A_418 = vector.shape_cast %select_n3A_417 : vector<64x128xi32> to vector<1x64x128xi32>
      %reduce_min3A_419 = arith.constant dense<2147483647> : vector<1xi32>
      %reduce_min3A_420 = vector.multi_reduction <minsi>, %reduce_min3A_418, %reduce_min3A_419 [1, 2] : vector<1x64x128xi32> to vector<1xi32>
      %reduce_min3A_421 = vector.shape_cast %reduce_min3A_420 : vector<1xi32> to vector<1x1x1xi32>
      %reduce_min3A_422 = vector.extract %reduce_min3A_421[0, 0, 0] : i32 from vector<1x1x1xi32>
      %swap3A_423 = arith.constant 6 : index
      %swap3A_424 = arith.index_cast %scan3A_276 : i32 to index
      %swap3A_425 = memref.load %arg2[%swap3A_423, %swap3A_424] : memref<12x2048xf32, #tpu.memory_space<smem>>
      memref.store %get3A_297, %arg2[%swap3A_423, %swap3A_424] : memref<12x2048xf32, #tpu.memory_space<smem>>
      %swap3A_426 = arith.constant 7 : index
      %swap3A_427 = arith.index_cast %scan3A_276 : i32 to index
      %swap3A_428 = memref.load %arg2[%swap3A_426, %swap3A_427] : memref<12x2048xf32, #tpu.memory_space<smem>>
      memref.store %get3A_300, %arg2[%swap3A_426, %swap3A_427] : memref<12x2048xf32, #tpu.memory_space<smem>>
      %swap3A_429 = arith.constant 8 : index
      %swap3A_430 = arith.index_cast %scan3A_276 : i32 to index
      %swap3A_431 = memref.load %arg2[%swap3A_429, %swap3A_430] : memref<12x2048xf32, #tpu.memory_space<smem>>
      memref.store %get3A_303, %arg2[%swap3A_429, %swap3A_430] : memref<12x2048xf32, #tpu.memory_space<smem>>
      %get3A_432 = arith.constant 2 : index
      %get3A_433 = arith.constant 0 : index
      %get3A_434 = arith.constant 0 : index
      %get3A_435 = arith.constant 0 : index
      %get3A_436 = vector.load %arg0[%get3A_432, %get3A_433, %get3A_434, %get3A_435] : memref<4x3x64x128xf32, #tpu.memory_space<vmem>>, vector<1x1x64x128xf32>
      %get3A_437 = vector.shape_cast %get3A_436 : vector<1x1x64x128xf32> to vector<64x128xf32>
      %sub3A_438 = vector.broadcast %get3A_297 : f32 to vector<64x128xf32>
      %sub3A_439 = arith.subf %get3A_437, %sub3A_438 : vector<64x128xf32>
      %get3A_440 = arith.constant 2 : index
      %get3A_441 = arith.constant 1 : index
      %get3A_442 = arith.constant 0 : index
      %get3A_443 = arith.constant 0 : index
      %get3A_444 = vector.load %arg0[%get3A_440, %get3A_441, %get3A_442, %get3A_443] : memref<4x3x64x128xf32, #tpu.memory_space<vmem>>, vector<1x1x64x128xf32>
      %get3A_445 = vector.shape_cast %get3A_444 : vector<1x1x64x128xf32> to vector<64x128xf32>
      %sub3A_446 = vector.broadcast %get3A_300 : f32 to vector<64x128xf32>
      %sub3A_447 = arith.subf %get3A_445, %sub3A_446 : vector<64x128xf32>
      %get3A_448 = arith.constant 2 : index
      %get3A_449 = arith.constant 2 : index
      %get3A_450 = arith.constant 0 : index
      %get3A_451 = arith.constant 0 : index
      %get3A_452 = vector.load %arg0[%get3A_448, %get3A_449, %get3A_450, %get3A_451] : memref<4x3x64x128xf32, #tpu.memory_space<vmem>>, vector<1x1x64x128xf32>
      %get3A_453 = vector.shape_cast %get3A_452 : vector<1x1x64x128xf32> to vector<64x128xf32>
      %sub3A_454 = vector.broadcast %get3A_303 : f32 to vector<64x128xf32>
      %sub3A_455 = arith.subf %get3A_453, %sub3A_454 : vector<64x128xf32>
      %mul3A_456 = arith.mulf %sub3A_439, %sub3A_439 : vector<64x128xf32>
      %mul3A_457 = arith.mulf %sub3A_447, %sub3A_447 : vector<64x128xf32>
      %add3A_458 = arith.addf %mul3A_456, %mul3A_457 : vector<64x128xf32>
      %mul3A_459 = arith.mulf %sub3A_455, %sub3A_455 : vector<64x128xf32>
      %add3A_460 = arith.addf %add3A_458, %mul3A_459 : vector<64x128xf32>
      %min3A_461 = arith.minimumf %min3A_203, %add3A_460 : vector<64x128xf32>
      %reduce_max3A_462 = vector.shape_cast %min3A_461 : vector<64x128xf32> to vector<1x64x128xf32>
      %reduce_max3A_463 = arith.constant dense<0xFF800000> : vector<1xf32>
      %reduce_max3A_464 = vector.multi_reduction <maximumf>, %reduce_max3A_462, %reduce_max3A_463 [1, 2] : vector<1x64x128xf32> to vector<1xf32>
      %reduce_max3A_465 = vector.shape_cast %reduce_max3A_464 : vector<1xf32> to vector<1x1x1xf32>
      %reduce_max3A_466 = vector.extract %reduce_max3A_465[0, 0, 0] : f32 from vector<1x1x1xf32>
      %broadcast_in_dim3A_467 = vector.broadcast %reduce_max3A_466 : f32 to vector<1x1xf32>
      %eq3A_468 = vector.broadcast %broadcast_in_dim3A_467 : vector<1x1xf32> to vector<64x128xf32>
      %eq3A_469 = arith.cmpf oeq, %min3A_461, %eq3A_468 : vector<64x128xf32>
      %jit3A_470 = arith.constant 1073741824 : i32
      %broadcast_in_dim3A_471 = vector.broadcast %jit3A_470 : i32 to vector<64x128xi32>
      %select_n3A_472 = arith.select %eq3A_469, %add3A, %broadcast_in_dim3A_471 : vector<64x128xi1>, vector<64x128xi32>
      %reduce_min3A_473 = vector.shape_cast %select_n3A_472 : vector<64x128xi32> to vector<1x64x128xi32>
      %reduce_min3A_474 = arith.constant dense<2147483647> : vector<1xi32>
      %reduce_min3A_475 = vector.multi_reduction <minsi>, %reduce_min3A_473, %reduce_min3A_474 [1, 2] : vector<1x64x128xi32> to vector<1xi32>
      %reduce_min3A_476 = vector.shape_cast %reduce_min3A_475 : vector<1xi32> to vector<1x1x1xi32>
      %reduce_min3A_477 = vector.extract %reduce_min3A_476[0, 0, 0] : i32 from vector<1x1x1xi32>
      %swap3A_478 = arith.constant 9 : index
      %swap3A_479 = arith.index_cast %scan3A_276 : i32 to index
      %swap3A_480 = memref.load %arg2[%swap3A_478, %swap3A_479] : memref<12x2048xf32, #tpu.memory_space<smem>>
      memref.store %get3A_306, %arg2[%swap3A_478, %swap3A_479] : memref<12x2048xf32, #tpu.memory_space<smem>>
      %swap3A_481 = arith.constant 10 : index
      %swap3A_482 = arith.index_cast %scan3A_276 : i32 to index
      %swap3A_483 = memref.load %arg2[%swap3A_481, %swap3A_482] : memref<12x2048xf32, #tpu.memory_space<smem>>
      memref.store %get3A_309, %arg2[%swap3A_481, %swap3A_482] : memref<12x2048xf32, #tpu.memory_space<smem>>
      %swap3A_484 = arith.constant 11 : index
      %swap3A_485 = arith.index_cast %scan3A_276 : i32 to index
      %swap3A_486 = memref.load %arg2[%swap3A_484, %swap3A_485] : memref<12x2048xf32, #tpu.memory_space<smem>>
      memref.store %get3A_312, %arg2[%swap3A_484, %swap3A_485] : memref<12x2048xf32, #tpu.memory_space<smem>>
      %get3A_487 = arith.constant 3 : index
      %get3A_488 = arith.constant 0 : index
      %get3A_489 = arith.constant 0 : index
      %get3A_490 = arith.constant 0 : index
      %get3A_491 = vector.load %arg0[%get3A_487, %get3A_488, %get3A_489, %get3A_490] : memref<4x3x64x128xf32, #tpu.memory_space<vmem>>, vector<1x1x64x128xf32>
      %get3A_492 = vector.shape_cast %get3A_491 : vector<1x1x64x128xf32> to vector<64x128xf32>
      %sub3A_493 = vector.broadcast %get3A_306 : f32 to vector<64x128xf32>
      %sub3A_494 = arith.subf %get3A_492, %sub3A_493 : vector<64x128xf32>
      %get3A_495 = arith.constant 3 : index
      %get3A_496 = arith.constant 1 : index
      %get3A_497 = arith.constant 0 : index
      %get3A_498 = arith.constant 0 : index
      %get3A_499 = vector.load %arg0[%get3A_495, %get3A_496, %get3A_497, %get3A_498] : memref<4x3x64x128xf32, #tpu.memory_space<vmem>>, vector<1x1x64x128xf32>
      %get3A_500 = vector.shape_cast %get3A_499 : vector<1x1x64x128xf32> to vector<64x128xf32>
      %sub3A_501 = vector.broadcast %get3A_309 : f32 to vector<64x128xf32>
      %sub3A_502 = arith.subf %get3A_500, %sub3A_501 : vector<64x128xf32>
      %get3A_503 = arith.constant 3 : index
      %get3A_504 = arith.constant 2 : index
      %get3A_505 = arith.constant 0 : index
      %get3A_506 = arith.constant 0 : index
      %get3A_507 = vector.load %arg0[%get3A_503, %get3A_504, %get3A_505, %get3A_506] : memref<4x3x64x128xf32, #tpu.memory_space<vmem>>, vector<1x1x64x128xf32>
      %get3A_508 = vector.shape_cast %get3A_507 : vector<1x1x64x128xf32> to vector<64x128xf32>
      %sub3A_509 = vector.broadcast %get3A_312 : f32 to vector<64x128xf32>
      %sub3A_510 = arith.subf %get3A_508, %sub3A_509 : vector<64x128xf32>
      %mul3A_511 = arith.mulf %sub3A_494, %sub3A_494 : vector<64x128xf32>
      %mul3A_512 = arith.mulf %sub3A_502, %sub3A_502 : vector<64x128xf32>
      %add3A_513 = arith.addf %mul3A_511, %mul3A_512 : vector<64x128xf32>
      %mul3A_514 = arith.mulf %sub3A_510, %sub3A_510 : vector<64x128xf32>
      %add3A_515 = arith.addf %add3A_513, %mul3A_514 : vector<64x128xf32>
      %min3A_516 = arith.minimumf %min3A_258, %add3A_515 : vector<64x128xf32>
      %reduce_max3A_517 = vector.shape_cast %min3A_516 : vector<64x128xf32> to vector<1x64x128xf32>
      %reduce_max3A_518 = arith.constant dense<0xFF800000> : vector<1xf32>
      %reduce_max3A_519 = vector.multi_reduction <maximumf>, %reduce_max3A_517, %reduce_max3A_518 [1, 2] : vector<1x64x128xf32> to vector<1xf32>
      %reduce_max3A_520 = vector.shape_cast %reduce_max3A_519 : vector<1xf32> to vector<1x1x1xf32>
      %reduce_max3A_521 = vector.extract %reduce_max3A_520[0, 0, 0] : f32 from vector<1x1x1xf32>
      %broadcast_in_dim3A_522 = vector.broadcast %reduce_max3A_521 : f32 to vector<1x1xf32>
      %eq3A_523 = vector.broadcast %broadcast_in_dim3A_522 : vector<1x1xf32> to vector<64x128xf32>
      %eq3A_524 = arith.cmpf oeq, %min3A_516, %eq3A_523 : vector<64x128xf32>
      %jit3A_525 = arith.constant 1073741824 : i32
      %broadcast_in_dim3A_526 = vector.broadcast %jit3A_525 : i32 to vector<64x128xi32>
      %select_n3A_527 = arith.select %eq3A_524, %add3A, %broadcast_in_dim3A_526 : vector<64x128xi1>, vector<64x128xi32>
      %reduce_min3A_528 = vector.shape_cast %select_n3A_527 : vector<64x128xi32> to vector<1x64x128xi32>
      %reduce_min3A_529 = arith.constant dense<2147483647> : vector<1xi32>
      %reduce_min3A_530 = vector.multi_reduction <minsi>, %reduce_min3A_528, %reduce_min3A_529 [1, 2] : vector<1x64x128xi32> to vector<1xi32>
      %reduce_min3A_531 = vector.shape_cast %reduce_min3A_530 : vector<1xi32> to vector<1x1x1xi32>
      %reduce_min3A_532 = vector.extract %reduce_min3A_531[0, 0, 0] : i32 from vector<1x1x1xi32>
      %scan3A_533 = arith.constant 2 : i32
      %scan3A_534 = arith.addi %scan3A_19, %scan3A_533 : i32
      %get3A_535 = arith.constant 0 : index
      %get3A_536 = arith.index_cast %reduce_min3A_367 : i32 to index
      %get3A_537 = memref.load %arg1[%get3A_535, %get3A_536] : memref<12x8192xf32, #tpu.memory_space<smem>>
      %get3A_538 = arith.constant 1 : index
      %get3A_539 = arith.index_cast %reduce_min3A_367 : i32 to index
      %get3A_540 = memref.load %arg1[%get3A_538, %get3A_539] : memref<12x8192xf32, #tpu.memory_space<smem>>
      %get3A_541 = arith.constant 2 : index
      %get3A_542 = arith.index_cast %reduce_min3A_367 : i32 to index
      %get3A_543 = memref.load %arg1[%get3A_541, %get3A_542] : memref<12x8192xf32, #tpu.memory_space<smem>>
      %get3A_544 = arith.constant 3 : index
      %get3A_545 = arith.index_cast %reduce_min3A_422 : i32 to index
      %get3A_546 = memref.load %arg1[%get3A_544, %get3A_545] : memref<12x8192xf32, #tpu.memory_space<smem>>
      %get3A_547 = arith.constant 4 : index
      %get3A_548 = arith.index_cast %reduce_min3A_422 : i32 to index
      %get3A_549 = memref.load %arg1[%get3A_547, %get3A_548] : memref<12x8192xf32, #tpu.memory_space<smem>>
      %get3A_550 = arith.constant 5 : index
      %get3A_551 = arith.index_cast %reduce_min3A_422 : i32 to index
      %get3A_552 = memref.load %arg1[%get3A_550, %get3A_551] : memref<12x8192xf32, #tpu.memory_space<smem>>
      %get3A_553 = arith.constant 6 : index
      %get3A_554 = arith.index_cast %reduce_min3A_477 : i32 to index
      %get3A_555 = memref.load %arg1[%get3A_553, %get3A_554] : memref<12x8192xf32, #tpu.memory_space<smem>>
      %get3A_556 = arith.constant 7 : index
      %get3A_557 = arith.index_cast %reduce_min3A_477 : i32 to index
      %get3A_558 = memref.load %arg1[%get3A_556, %get3A_557] : memref<12x8192xf32, #tpu.memory_space<smem>>
      %get3A_559 = arith.constant 8 : index
      %get3A_560 = arith.index_cast %reduce_min3A_477 : i32 to index
      %get3A_561 = memref.load %arg1[%get3A_559, %get3A_560] : memref<12x8192xf32, #tpu.memory_space<smem>>
      %get3A_562 = arith.constant 9 : index
      %get3A_563 = arith.index_cast %reduce_min3A_532 : i32 to index
      %get3A_564 = memref.load %arg1[%get3A_562, %get3A_563] : memref<12x8192xf32, #tpu.memory_space<smem>>
      %get3A_565 = arith.constant 10 : index
      %get3A_566 = arith.index_cast %reduce_min3A_532 : i32 to index
      %get3A_567 = memref.load %arg1[%get3A_565, %get3A_566] : memref<12x8192xf32, #tpu.memory_space<smem>>
      %get3A_568 = arith.constant 11 : index
      %get3A_569 = arith.index_cast %reduce_min3A_532 : i32 to index
      %get3A_570 = memref.load %arg1[%get3A_568, %get3A_569] : memref<12x8192xf32, #tpu.memory_space<smem>>
      %swap3A_571 = arith.constant 0 : index
      %swap3A_572 = arith.index_cast %scan3A_534 : i32 to index
      %swap3A_573 = memref.load %arg2[%swap3A_571, %swap3A_572] : memref<12x2048xf32, #tpu.memory_space<smem>>
      memref.store %get3A_537, %arg2[%swap3A_571, %swap3A_572] : memref<12x2048xf32, #tpu.memory_space<smem>>
      %swap3A_574 = arith.constant 1 : index
      %swap3A_575 = arith.index_cast %scan3A_534 : i32 to index
      %swap3A_576 = memref.load %arg2[%swap3A_574, %swap3A_575] : memref<12x2048xf32, #tpu.memory_space<smem>>
      memref.store %get3A_540, %arg2[%swap3A_574, %swap3A_575] : memref<12x2048xf32, #tpu.memory_space<smem>>
      %swap3A_577 = arith.constant 2 : index
      %swap3A_578 = arith.index_cast %scan3A_534 : i32 to index
      %swap3A_579 = memref.load %arg2[%swap3A_577, %swap3A_578] : memref<12x2048xf32, #tpu.memory_space<smem>>
      memref.store %get3A_543, %arg2[%swap3A_577, %swap3A_578] : memref<12x2048xf32, #tpu.memory_space<smem>>
      %get3A_580 = arith.constant 0 : index
      %get3A_581 = arith.constant 0 : index
      %get3A_582 = arith.constant 0 : index
      %get3A_583 = arith.constant 0 : index
      %get3A_584 = vector.load %arg0[%get3A_580, %get3A_581, %get3A_582, %get3A_583] : memref<4x3x64x128xf32, #tpu.memory_space<vmem>>, vector<1x1x64x128xf32>
      %get3A_585 = vector.shape_cast %get3A_584 : vector<1x1x64x128xf32> to vector<64x128xf32>
      %sub3A_586 = vector.broadcast %get3A_537 : f32 to vector<64x128xf32>
      %sub3A_587 = arith.subf %get3A_585, %sub3A_586 : vector<64x128xf32>
      %get3A_588 = arith.constant 0 : index
      %get3A_589 = arith.constant 1 : index
      %get3A_590 = arith.constant 0 : index
      %get3A_591 = arith.constant 0 : index
      %get3A_592 = vector.load %arg0[%get3A_588, %get3A_589, %get3A_590, %get3A_591] : memref<4x3x64x128xf32, #tpu.memory_space<vmem>>, vector<1x1x64x128xf32>
      %get3A_593 = vector.shape_cast %get3A_592 : vector<1x1x64x128xf32> to vector<64x128xf32>
      %sub3A_594 = vector.broadcast %get3A_540 : f32 to vector<64x128xf32>
      %sub3A_595 = arith.subf %get3A_593, %sub3A_594 : vector<64x128xf32>
      %get3A_596 = arith.constant 0 : index
      %get3A_597 = arith.constant 2 : index
      %get3A_598 = arith.constant 0 : index
      %get3A_599 = arith.constant 0 : index
      %get3A_600 = vector.load %arg0[%get3A_596, %get3A_597, %get3A_598, %get3A_599] : memref<4x3x64x128xf32, #tpu.memory_space<vmem>>, vector<1x1x64x128xf32>
      %get3A_601 = vector.shape_cast %get3A_600 : vector<1x1x64x128xf32> to vector<64x128xf32>
      %sub3A_602 = vector.broadcast %get3A_543 : f32 to vector<64x128xf32>
      %sub3A_603 = arith.subf %get3A_601, %sub3A_602 : vector<64x128xf32>
      %mul3A_604 = arith.mulf %sub3A_587, %sub3A_587 : vector<64x128xf32>
      %mul3A_605 = arith.mulf %sub3A_595, %sub3A_595 : vector<64x128xf32>
      %add3A_606 = arith.addf %mul3A_604, %mul3A_605 : vector<64x128xf32>
      %mul3A_607 = arith.mulf %sub3A_603, %sub3A_603 : vector<64x128xf32>
      %add3A_608 = arith.addf %add3A_606, %mul3A_607 : vector<64x128xf32>
      %min3A_609 = arith.minimumf %min3A_351, %add3A_608 : vector<64x128xf32>
      %reduce_max3A_610 = vector.shape_cast %min3A_609 : vector<64x128xf32> to vector<1x64x128xf32>
      %reduce_max3A_611 = arith.constant dense<0xFF800000> : vector<1xf32>
      %reduce_max3A_612 = vector.multi_reduction <maximumf>, %reduce_max3A_610, %reduce_max3A_611 [1, 2] : vector<1x64x128xf32> to vector<1xf32>
      %reduce_max3A_613 = vector.shape_cast %reduce_max3A_612 : vector<1xf32> to vector<1x1x1xf32>
      %reduce_max3A_614 = vector.extract %reduce_max3A_613[0, 0, 0] : f32 from vector<1x1x1xf32>
      %broadcast_in_dim3A_615 = vector.broadcast %reduce_max3A_614 : f32 to vector<1x1xf32>
      %eq3A_616 = vector.broadcast %broadcast_in_dim3A_615 : vector<1x1xf32> to vector<64x128xf32>
      %eq3A_617 = arith.cmpf oeq, %min3A_609, %eq3A_616 : vector<64x128xf32>
      %jit3A_618 = arith.constant 1073741824 : i32
      %broadcast_in_dim3A_619 = vector.broadcast %jit3A_618 : i32 to vector<64x128xi32>
      %select_n3A_620 = arith.select %eq3A_617, %add3A, %broadcast_in_dim3A_619 : vector<64x128xi1>, vector<64x128xi32>
      %reduce_min3A_621 = vector.shape_cast %select_n3A_620 : vector<64x128xi32> to vector<1x64x128xi32>
      %reduce_min3A_622 = arith.constant dense<2147483647> : vector<1xi32>
      %reduce_min3A_623 = vector.multi_reduction <minsi>, %reduce_min3A_621, %reduce_min3A_622 [1, 2] : vector<1x64x128xi32> to vector<1xi32>
      %reduce_min3A_624 = vector.shape_cast %reduce_min3A_623 : vector<1xi32> to vector<1x1x1xi32>
      %reduce_min3A_625 = vector.extract %reduce_min3A_624[0, 0, 0] : i32 from vector<1x1x1xi32>
      %swap3A_626 = arith.constant 3 : index
      %swap3A_627 = arith.index_cast %scan3A_534 : i32 to index
      %swap3A_628 = memref.load %arg2[%swap3A_626, %swap3A_627] : memref<12x2048xf32, #tpu.memory_space<smem>>
      memref.store %get3A_546, %arg2[%swap3A_626, %swap3A_627] : memref<12x2048xf32, #tpu.memory_space<smem>>
      %swap3A_629 = arith.constant 4 : index
      %swap3A_630 = arith.index_cast %scan3A_534 : i32 to index
      %swap3A_631 = memref.load %arg2[%swap3A_629, %swap3A_630] : memref<12x2048xf32, #tpu.memory_space<smem>>
      memref.store %get3A_549, %arg2[%swap3A_629, %swap3A_630] : memref<12x2048xf32, #tpu.memory_space<smem>>
      %swap3A_632 = arith.constant 5 : index
      %swap3A_633 = arith.index_cast %scan3A_534 : i32 to index
      %swap3A_634 = memref.load %arg2[%swap3A_632, %swap3A_633] : memref<12x2048xf32, #tpu.memory_space<smem>>
      memref.store %get3A_552, %arg2[%swap3A_632, %swap3A_633] : memref<12x2048xf32, #tpu.memory_space<smem>>
      %get3A_635 = arith.constant 1 : index
      %get3A_636 = arith.constant 0 : index
      %get3A_637 = arith.constant 0 : index
      %get3A_638 = arith.constant 0 : index
      %get3A_639 = vector.load %arg0[%get3A_635, %get3A_636, %get3A_637, %get3A_638] : memref<4x3x64x128xf32, #tpu.memory_space<vmem>>, vector<1x1x64x128xf32>
      %get3A_640 = vector.shape_cast %get3A_639 : vector<1x1x64x128xf32> to vector<64x128xf32>
      %sub3A_641 = vector.broadcast %get3A_546 : f32 to vector<64x128xf32>
      %sub3A_642 = arith.subf %get3A_640, %sub3A_641 : vector<64x128xf32>
      %get3A_643 = arith.constant 1 : index
      %get3A_644 = arith.constant 1 : index
      %get3A_645 = arith.constant 0 : index
      %get3A_646 = arith.constant 0 : index
      %get3A_647 = vector.load %arg0[%get3A_643, %get3A_644, %get3A_645, %get3A_646] : memref<4x3x64x128xf32, #tpu.memory_space<vmem>>, vector<1x1x64x128xf32>
      %get3A_648 = vector.shape_cast %get3A_647 : vector<1x1x64x128xf32> to vector<64x128xf32>
      %sub3A_649 = vector.broadcast %get3A_549 : f32 to vector<64x128xf32>
      %sub3A_650 = arith.subf %get3A_648, %sub3A_649 : vector<64x128xf32>
      %get3A_651 = arith.constant 1 : index
      %get3A_652 = arith.constant 2 : index
      %get3A_653 = arith.constant 0 : index
      %get3A_654 = arith.constant 0 : index
      %get3A_655 = vector.load %arg0[%get3A_651, %get3A_652, %get3A_653, %get3A_654] : memref<4x3x64x128xf32, #tpu.memory_space<vmem>>, vector<1x1x64x128xf32>
      %get3A_656 = vector.shape_cast %get3A_655 : vector<1x1x64x128xf32> to vector<64x128xf32>
      %sub3A_657 = vector.broadcast %get3A_552 : f32 to vector<64x128xf32>
      %sub3A_658 = arith.subf %get3A_656, %sub3A_657 : vector<64x128xf32>
      %mul3A_659 = arith.mulf %sub3A_642, %sub3A_642 : vector<64x128xf32>
      %mul3A_660 = arith.mulf %sub3A_650, %sub3A_650 : vector<64x128xf32>
      %add3A_661 = arith.addf %mul3A_659, %mul3A_660 : vector<64x128xf32>
      %mul3A_662 = arith.mulf %sub3A_658, %sub3A_658 : vector<64x128xf32>
      %add3A_663 = arith.addf %add3A_661, %mul3A_662 : vector<64x128xf32>
      %min3A_664 = arith.minimumf %min3A_406, %add3A_663 : vector<64x128xf32>
      %reduce_max3A_665 = vector.shape_cast %min3A_664 : vector<64x128xf32> to vector<1x64x128xf32>
      %reduce_max3A_666 = arith.constant dense<0xFF800000> : vector<1xf32>
      %reduce_max3A_667 = vector.multi_reduction <maximumf>, %reduce_max3A_665, %reduce_max3A_666 [1, 2] : vector<1x64x128xf32> to vector<1xf32>
      %reduce_max3A_668 = vector.shape_cast %reduce_max3A_667 : vector<1xf32> to vector<1x1x1xf32>
      %reduce_max3A_669 = vector.extract %reduce_max3A_668[0, 0, 0] : f32 from vector<1x1x1xf32>
      %broadcast_in_dim3A_670 = vector.broadcast %reduce_max3A_669 : f32 to vector<1x1xf32>
      %eq3A_671 = vector.broadcast %broadcast_in_dim3A_670 : vector<1x1xf32> to vector<64x128xf32>
      %eq3A_672 = arith.cmpf oeq, %min3A_664, %eq3A_671 : vector<64x128xf32>
      %jit3A_673 = arith.constant 1073741824 : i32
      %broadcast_in_dim3A_674 = vector.broadcast %jit3A_673 : i32 to vector<64x128xi32>
      %select_n3A_675 = arith.select %eq3A_672, %add3A, %broadcast_in_dim3A_674 : vector<64x128xi1>, vector<64x128xi32>
      %reduce_min3A_676 = vector.shape_cast %select_n3A_675 : vector<64x128xi32> to vector<1x64x128xi32>
      %reduce_min3A_677 = arith.constant dense<2147483647> : vector<1xi32>
      %reduce_min3A_678 = vector.multi_reduction <minsi>, %reduce_min3A_676, %reduce_min3A_677 [1, 2] : vector<1x64x128xi32> to vector<1xi32>
      %reduce_min3A_679 = vector.shape_cast %reduce_min3A_678 : vector<1xi32> to vector<1x1x1xi32>
      %reduce_min3A_680 = vector.extract %reduce_min3A_679[0, 0, 0] : i32 from vector<1x1x1xi32>
      %swap3A_681 = arith.constant 6 : index
      %swap3A_682 = arith.index_cast %scan3A_534 : i32 to index
      %swap3A_683 = memref.load %arg2[%swap3A_681, %swap3A_682] : memref<12x2048xf32, #tpu.memory_space<smem>>
      memref.store %get3A_555, %arg2[%swap3A_681, %swap3A_682] : memref<12x2048xf32, #tpu.memory_space<smem>>
      %swap3A_684 = arith.constant 7 : index
      %swap3A_685 = arith.index_cast %scan3A_534 : i32 to index
      %swap3A_686 = memref.load %arg2[%swap3A_684, %swap3A_685] : memref<12x2048xf32, #tpu.memory_space<smem>>
      memref.store %get3A_558, %arg2[%swap3A_684, %swap3A_685] : memref<12x2048xf32, #tpu.memory_space<smem>>
      %swap3A_687 = arith.constant 8 : index
      %swap3A_688 = arith.index_cast %scan3A_534 : i32 to index
      %swap3A_689 = memref.load %arg2[%swap3A_687, %swap3A_688] : memref<12x2048xf32, #tpu.memory_space<smem>>
      memref.store %get3A_561, %arg2[%swap3A_687, %swap3A_688] : memref<12x2048xf32, #tpu.memory_space<smem>>
      %get3A_690 = arith.constant 2 : index
      %get3A_691 = arith.constant 0 : index
      %get3A_692 = arith.constant 0 : index
      %get3A_693 = arith.constant 0 : index
      %get3A_694 = vector.load %arg0[%get3A_690, %get3A_691, %get3A_692, %get3A_693] : memref<4x3x64x128xf32, #tpu.memory_space<vmem>>, vector<1x1x64x128xf32>
      %get3A_695 = vector.shape_cast %get3A_694 : vector<1x1x64x128xf32> to vector<64x128xf32>
      %sub3A_696 = vector.broadcast %get3A_555 : f32 to vector<64x128xf32>
      %sub3A_697 = arith.subf %get3A_695, %sub3A_696 : vector<64x128xf32>
      %get3A_698 = arith.constant 2 : index
      %get3A_699 = arith.constant 1 : index
      %get3A_700 = arith.constant 0 : index
      %get3A_701 = arith.constant 0 : index
      %get3A_702 = vector.load %arg0[%get3A_698, %get3A_699, %get3A_700, %get3A_701] : memref<4x3x64x128xf32, #tpu.memory_space<vmem>>, vector<1x1x64x128xf32>
      %get3A_703 = vector.shape_cast %get3A_702 : vector<1x1x64x128xf32> to vector<64x128xf32>
      %sub3A_704 = vector.broadcast %get3A_558 : f32 to vector<64x128xf32>
      %sub3A_705 = arith.subf %get3A_703, %sub3A_704 : vector<64x128xf32>
      %get3A_706 = arith.constant 2 : index
      %get3A_707 = arith.constant 2 : index
      %get3A_708 = arith.constant 0 : index
      %get3A_709 = arith.constant 0 : index
      %get3A_710 = vector.load %arg0[%get3A_706, %get3A_707, %get3A_708, %get3A_709] : memref<4x3x64x128xf32, #tpu.memory_space<vmem>>, vector<1x1x64x128xf32>
      %get3A_711 = vector.shape_cast %get3A_710 : vector<1x1x64x128xf32> to vector<64x128xf32>
      %sub3A_712 = vector.broadcast %get3A_561 : f32 to vector<64x128xf32>
      %sub3A_713 = arith.subf %get3A_711, %sub3A_712 : vector<64x128xf32>
      %mul3A_714 = arith.mulf %sub3A_697, %sub3A_697 : vector<64x128xf32>
      %mul3A_715 = arith.mulf %sub3A_705, %sub3A_705 : vector<64x128xf32>
      %add3A_716 = arith.addf %mul3A_714, %mul3A_715 : vector<64x128xf32>
      %mul3A_717 = arith.mulf %sub3A_713, %sub3A_713 : vector<64x128xf32>
      %add3A_718 = arith.addf %add3A_716, %mul3A_717 : vector<64x128xf32>
      %min3A_719 = arith.minimumf %min3A_461, %add3A_718 : vector<64x128xf32>
      %reduce_max3A_720 = vector.shape_cast %min3A_719 : vector<64x128xf32> to vector<1x64x128xf32>
      %reduce_max3A_721 = arith.constant dense<0xFF800000> : vector<1xf32>
      %reduce_max3A_722 = vector.multi_reduction <maximumf>, %reduce_max3A_720, %reduce_max3A_721 [1, 2] : vector<1x64x128xf32> to vector<1xf32>
      %reduce_max3A_723 = vector.shape_cast %reduce_max3A_722 : vector<1xf32> to vector<1x1x1xf32>
      %reduce_max3A_724 = vector.extract %reduce_max3A_723[0, 0, 0] : f32 from vector<1x1x1xf32>
      %broadcast_in_dim3A_725 = vector.broadcast %reduce_max3A_724 : f32 to vector<1x1xf32>
      %eq3A_726 = vector.broadcast %broadcast_in_dim3A_725 : vector<1x1xf32> to vector<64x128xf32>
      %eq3A_727 = arith.cmpf oeq, %min3A_719, %eq3A_726 : vector<64x128xf32>
      %jit3A_728 = arith.constant 1073741824 : i32
      %broadcast_in_dim3A_729 = vector.broadcast %jit3A_728 : i32 to vector<64x128xi32>
      %select_n3A_730 = arith.select %eq3A_727, %add3A, %broadcast_in_dim3A_729 : vector<64x128xi1>, vector<64x128xi32>
      %reduce_min3A_731 = vector.shape_cast %select_n3A_730 : vector<64x128xi32> to vector<1x64x128xi32>
      %reduce_min3A_732 = arith.constant dense<2147483647> : vector<1xi32>
      %reduce_min3A_733 = vector.multi_reduction <minsi>, %reduce_min3A_731, %reduce_min3A_732 [1, 2] : vector<1x64x128xi32> to vector<1xi32>
      %reduce_min3A_734 = vector.shape_cast %reduce_min3A_733 : vector<1xi32> to vector<1x1x1xi32>
      %reduce_min3A_735 = vector.extract %reduce_min3A_734[0, 0, 0] : i32 from vector<1x1x1xi32>
      %swap3A_736 = arith.constant 9 : index
      %swap3A_737 = arith.index_cast %scan3A_534 : i32 to index
      %swap3A_738 = memref.load %arg2[%swap3A_736, %swap3A_737] : memref<12x2048xf32, #tpu.memory_space<smem>>
      memref.store %get3A_564, %arg2[%swap3A_736, %swap3A_737] : memref<12x2048xf32, #tpu.memory_space<smem>>
      %swap3A_739 = arith.constant 10 : index
      %swap3A_740 = arith.index_cast %scan3A_534 : i32 to index
      %swap3A_741 = memref.load %arg2[%swap3A_739, %swap3A_740] : memref<12x2048xf32, #tpu.memory_space<smem>>
      memref.store %get3A_567, %arg2[%swap3A_739, %swap3A_740] : memref<12x2048xf32, #tpu.memory_space<smem>>
      %swap3A_742 = arith.constant 11 : index
      %swap3A_743 = arith.index_cast %scan3A_534 : i32 to index
      %swap3A_744 = memref.load %arg2[%swap3A_742, %swap3A_743] : memref<12x2048xf32, #tpu.memory_space<smem>>
      memref.store %get3A_570, %arg2[%swap3A_742, %swap3A_743] : memref<12x2048xf32, #tpu.memory_space<smem>>
      %get3A_745 = arith.constant 3 : index
      %get3A_746 = arith.constant 0 : index
      %get3A_747 = arith.constant 0 : index
      %get3A_748 = arith.constant 0 : index
      %get3A_749 = vector.load %arg0[%get3A_745, %get3A_746, %get3A_747, %get3A_748] : memref<4x3x64x128xf32, #tpu.memory_space<vmem>>, vector<1x1x64x128xf32>
      %get3A_750 = vector.shape_cast %get3A_749 : vector<1x1x64x128xf32> to vector<64x128xf32>
      %sub3A_751 = vector.broadcast %get3A_564 : f32 to vector<64x128xf32>
      %sub3A_752 = arith.subf %get3A_750, %sub3A_751 : vector<64x128xf32>
      %get3A_753 = arith.constant 3 : index
      %get3A_754 = arith.constant 1 : index
      %get3A_755 = arith.constant 0 : index
      %get3A_756 = arith.constant 0 : index
      %get3A_757 = vector.load %arg0[%get3A_753, %get3A_754, %get3A_755, %get3A_756] : memref<4x3x64x128xf32, #tpu.memory_space<vmem>>, vector<1x1x64x128xf32>
      %get3A_758 = vector.shape_cast %get3A_757 : vector<1x1x64x128xf32> to vector<64x128xf32>
      %sub3A_759 = vector.broadcast %get3A_567 : f32 to vector<64x128xf32>
      %sub3A_760 = arith.subf %get3A_758, %sub3A_759 : vector<64x128xf32>
      %get3A_761 = arith.constant 3 : index
      %get3A_762 = arith.constant 2 : index
      %get3A_763 = arith.constant 0 : index
      %get3A_764 = arith.constant 0 : index
      %get3A_765 = vector.load %arg0[%get3A_761, %get3A_762, %get3A_763, %get3A_764] : memref<4x3x64x128xf32, #tpu.memory_space<vmem>>, vector<1x1x64x128xf32>
      %get3A_766 = vector.shape_cast %get3A_765 : vector<1x1x64x128xf32> to vector<64x128xf32>
      %sub3A_767 = vector.broadcast %get3A_570 : f32 to vector<64x128xf32>
      %sub3A_768 = arith.subf %get3A_766, %sub3A_767 : vector<64x128xf32>
      %mul3A_769 = arith.mulf %sub3A_752, %sub3A_752 : vector<64x128xf32>
      %mul3A_770 = arith.mulf %sub3A_760, %sub3A_760 : vector<64x128xf32>
      %add3A_771 = arith.addf %mul3A_769, %mul3A_770 : vector<64x128xf32>
      %mul3A_772 = arith.mulf %sub3A_768, %sub3A_768 : vector<64x128xf32>
      %add3A_773 = arith.addf %add3A_771, %mul3A_772 : vector<64x128xf32>
      %min3A_774 = arith.minimumf %min3A_516, %add3A_773 : vector<64x128xf32>
      %reduce_max3A_775 = vector.shape_cast %min3A_774 : vector<64x128xf32> to vector<1x64x128xf32>
      %reduce_max3A_776 = arith.constant dense<0xFF800000> : vector<1xf32>
      %reduce_max3A_777 = vector.multi_reduction <maximumf>, %reduce_max3A_775, %reduce_max3A_776 [1, 2] : vector<1x64x128xf32> to vector<1xf32>
      %reduce_max3A_778 = vector.shape_cast %reduce_max3A_777 : vector<1xf32> to vector<1x1x1xf32>
      %reduce_max3A_779 = vector.extract %reduce_max3A_778[0, 0, 0] : f32 from vector<1x1x1xf32>
      %broadcast_in_dim3A_780 = vector.broadcast %reduce_max3A_779 : f32 to vector<1x1xf32>
      %eq3A_781 = vector.broadcast %broadcast_in_dim3A_780 : vector<1x1xf32> to vector<64x128xf32>
      %eq3A_782 = arith.cmpf oeq, %min3A_774, %eq3A_781 : vector<64x128xf32>
      %jit3A_783 = arith.constant 1073741824 : i32
      %broadcast_in_dim3A_784 = vector.broadcast %jit3A_783 : i32 to vector<64x128xi32>
      %select_n3A_785 = arith.select %eq3A_782, %add3A, %broadcast_in_dim3A_784 : vector<64x128xi1>, vector<64x128xi32>
      %reduce_min3A_786 = vector.shape_cast %select_n3A_785 : vector<64x128xi32> to vector<1x64x128xi32>
      %reduce_min3A_787 = arith.constant dense<2147483647> : vector<1xi32>
      %reduce_min3A_788 = vector.multi_reduction <minsi>, %reduce_min3A_786, %reduce_min3A_787 [1, 2] : vector<1x64x128xi32> to vector<1xi32>
      %reduce_min3A_789 = vector.shape_cast %reduce_min3A_788 : vector<1xi32> to vector<1x1x1xi32>
      %reduce_min3A_790 = vector.extract %reduce_min3A_789[0, 0, 0] : i32 from vector<1x1x1xi32>
      %scan3A_791 = arith.constant 3 : i32
      %scan3A_792 = arith.addi %scan3A_19, %scan3A_791 : i32
      %get3A_793 = arith.constant 0 : index
      %get3A_794 = arith.index_cast %reduce_min3A_625 : i32 to index
      %get3A_795 = memref.load %arg1[%get3A_793, %get3A_794] : memref<12x8192xf32, #tpu.memory_space<smem>>
      %get3A_796 = arith.constant 1 : index
      %get3A_797 = arith.index_cast %reduce_min3A_625 : i32 to index
      %get3A_798 = memref.load %arg1[%get3A_796, %get3A_797] : memref<12x8192xf32, #tpu.memory_space<smem>>
      %get3A_799 = arith.constant 2 : index
      %get3A_800 = arith.index_cast %reduce_min3A_625 : i32 to index
      %get3A_801 = memref.load %arg1[%get3A_799, %get3A_800] : memref<12x8192xf32, #tpu.memory_space<smem>>
      %get3A_802 = arith.constant 3 : index
      %get3A_803 = arith.index_cast %reduce_min3A_680 : i32 to index
      %get3A_804 = memref.load %arg1[%get3A_802, %get3A_803] : memref<12x8192xf32, #tpu.memory_space<smem>>
      %get3A_805 = arith.constant 4 : index
      %get3A_806 = arith.index_cast %reduce_min3A_680 : i32 to index
      %get3A_807 = memref.load %arg1[%get3A_805, %get3A_806] : memref<12x8192xf32, #tpu.memory_space<smem>>
      %get3A_808 = arith.constant 5 : index
      %get3A_809 = arith.index_cast %reduce_min3A_680 : i32 to index
      %get3A_810 = memref.load %arg1[%get3A_808, %get3A_809] : memref<12x8192xf32, #tpu.memory_space<smem>>
      %get3A_811 = arith.constant 6 : index
      %get3A_812 = arith.index_cast %reduce_min3A_735 : i32 to index
      %get3A_813 = memref.load %arg1[%get3A_811, %get3A_812] : memref<12x8192xf32, #tpu.memory_space<smem>>
      %get3A_814 = arith.constant 7 : index
      %get3A_815 = arith.index_cast %reduce_min3A_735 : i32 to index
      %get3A_816 = memref.load %arg1[%get3A_814, %get3A_815] : memref<12x8192xf32, #tpu.memory_space<smem>>
      %get3A_817 = arith.constant 8 : index
      %get3A_818 = arith.index_cast %reduce_min3A_735 : i32 to index
      %get3A_819 = memref.load %arg1[%get3A_817, %get3A_818] : memref<12x8192xf32, #tpu.memory_space<smem>>
      %get3A_820 = arith.constant 9 : index
      %get3A_821 = arith.index_cast %reduce_min3A_790 : i32 to index
      %get3A_822 = memref.load %arg1[%get3A_820, %get3A_821] : memref<12x8192xf32, #tpu.memory_space<smem>>
      %get3A_823 = arith.constant 10 : index
      %get3A_824 = arith.index_cast %reduce_min3A_790 : i32 to index
      %get3A_825 = memref.load %arg1[%get3A_823, %get3A_824] : memref<12x8192xf32, #tpu.memory_space<smem>>
      %get3A_826 = arith.constant 11 : index
      %get3A_827 = arith.index_cast %reduce_min3A_790 : i32 to index
      %get3A_828 = memref.load %arg1[%get3A_826, %get3A_827] : memref<12x8192xf32, #tpu.memory_space<smem>>
      %swap3A_829 = arith.constant 0 : index
      %swap3A_830 = arith.index_cast %scan3A_792 : i32 to index
      %swap3A_831 = memref.load %arg2[%swap3A_829, %swap3A_830] : memref<12x2048xf32, #tpu.memory_space<smem>>
      memref.store %get3A_795, %arg2[%swap3A_829, %swap3A_830] : memref<12x2048xf32, #tpu.memory_space<smem>>
      %swap3A_832 = arith.constant 1 : index
      %swap3A_833 = arith.index_cast %scan3A_792 : i32 to index
      %swap3A_834 = memref.load %arg2[%swap3A_832, %swap3A_833] : memref<12x2048xf32, #tpu.memory_space<smem>>
      memref.store %get3A_798, %arg2[%swap3A_832, %swap3A_833] : memref<12x2048xf32, #tpu.memory_space<smem>>
      %swap3A_835 = arith.constant 2 : index
      %swap3A_836 = arith.index_cast %scan3A_792 : i32 to index
      %swap3A_837 = memref.load %arg2[%swap3A_835, %swap3A_836] : memref<12x2048xf32, #tpu.memory_space<smem>>
      memref.store %get3A_801, %arg2[%swap3A_835, %swap3A_836] : memref<12x2048xf32, #tpu.memory_space<smem>>
      %get3A_838 = arith.constant 0 : index
      %get3A_839 = arith.constant 0 : index
      %get3A_840 = arith.constant 0 : index
      %get3A_841 = arith.constant 0 : index
      %get3A_842 = vector.load %arg0[%get3A_838, %get3A_839, %get3A_840, %get3A_841] : memref<4x3x64x128xf32, #tpu.memory_space<vmem>>, vector<1x1x64x128xf32>
      %get3A_843 = vector.shape_cast %get3A_842 : vector<1x1x64x128xf32> to vector<64x128xf32>
      %sub3A_844 = vector.broadcast %get3A_795 : f32 to vector<64x128xf32>
      %sub3A_845 = arith.subf %get3A_843, %sub3A_844 : vector<64x128xf32>
      %get3A_846 = arith.constant 0 : index
      %get3A_847 = arith.constant 1 : index
      %get3A_848 = arith.constant 0 : index
      %get3A_849 = arith.constant 0 : index
      %get3A_850 = vector.load %arg0[%get3A_846, %get3A_847, %get3A_848, %get3A_849] : memref<4x3x64x128xf32, #tpu.memory_space<vmem>>, vector<1x1x64x128xf32>
      %get3A_851 = vector.shape_cast %get3A_850 : vector<1x1x64x128xf32> to vector<64x128xf32>
      %sub3A_852 = vector.broadcast %get3A_798 : f32 to vector<64x128xf32>
      %sub3A_853 = arith.subf %get3A_851, %sub3A_852 : vector<64x128xf32>
      %get3A_854 = arith.constant 0 : index
      %get3A_855 = arith.constant 2 : index
      %get3A_856 = arith.constant 0 : index
      %get3A_857 = arith.constant 0 : index
      %get3A_858 = vector.load %arg0[%get3A_854, %get3A_855, %get3A_856, %get3A_857] : memref<4x3x64x128xf32, #tpu.memory_space<vmem>>, vector<1x1x64x128xf32>
      %get3A_859 = vector.shape_cast %get3A_858 : vector<1x1x64x128xf32> to vector<64x128xf32>
      %sub3A_860 = vector.broadcast %get3A_801 : f32 to vector<64x128xf32>
      %sub3A_861 = arith.subf %get3A_859, %sub3A_860 : vector<64x128xf32>
      %mul3A_862 = arith.mulf %sub3A_845, %sub3A_845 : vector<64x128xf32>
      %mul3A_863 = arith.mulf %sub3A_853, %sub3A_853 : vector<64x128xf32>
      %add3A_864 = arith.addf %mul3A_862, %mul3A_863 : vector<64x128xf32>
      %mul3A_865 = arith.mulf %sub3A_861, %sub3A_861 : vector<64x128xf32>
      %add3A_866 = arith.addf %add3A_864, %mul3A_865 : vector<64x128xf32>
      %min3A_867 = arith.minimumf %min3A_609, %add3A_866 : vector<64x128xf32>
      %reduce_max3A_868 = vector.shape_cast %min3A_867 : vector<64x128xf32> to vector<1x64x128xf32>
      %reduce_max3A_869 = arith.constant dense<0xFF800000> : vector<1xf32>
      %reduce_max3A_870 = vector.multi_reduction <maximumf>, %reduce_max3A_868, %reduce_max3A_869 [1, 2] : vector<1x64x128xf32> to vector<1xf32>
      %reduce_max3A_871 = vector.shape_cast %reduce_max3A_870 : vector<1xf32> to vector<1x1x1xf32>
      %reduce_max3A_872 = vector.extract %reduce_max3A_871[0, 0, 0] : f32 from vector<1x1x1xf32>
      %broadcast_in_dim3A_873 = vector.broadcast %reduce_max3A_872 : f32 to vector<1x1xf32>
      %eq3A_874 = vector.broadcast %broadcast_in_dim3A_873 : vector<1x1xf32> to vector<64x128xf32>
      %eq3A_875 = arith.cmpf oeq, %min3A_867, %eq3A_874 : vector<64x128xf32>
      %jit3A_876 = arith.constant 1073741824 : i32
      %broadcast_in_dim3A_877 = vector.broadcast %jit3A_876 : i32 to vector<64x128xi32>
      %select_n3A_878 = arith.select %eq3A_875, %add3A, %broadcast_in_dim3A_877 : vector<64x128xi1>, vector<64x128xi32>
      %reduce_min3A_879 = vector.shape_cast %select_n3A_878 : vector<64x128xi32> to vector<1x64x128xi32>
      %reduce_min3A_880 = arith.constant dense<2147483647> : vector<1xi32>
      %reduce_min3A_881 = vector.multi_reduction <minsi>, %reduce_min3A_879, %reduce_min3A_880 [1, 2] : vector<1x64x128xi32> to vector<1xi32>
      %reduce_min3A_882 = vector.shape_cast %reduce_min3A_881 : vector<1xi32> to vector<1x1x1xi32>
      %reduce_min3A_883 = vector.extract %reduce_min3A_882[0, 0, 0] : i32 from vector<1x1x1xi32>
      %swap3A_884 = arith.constant 3 : index
      %swap3A_885 = arith.index_cast %scan3A_792 : i32 to index
      %swap3A_886 = memref.load %arg2[%swap3A_884, %swap3A_885] : memref<12x2048xf32, #tpu.memory_space<smem>>
      memref.store %get3A_804, %arg2[%swap3A_884, %swap3A_885] : memref<12x2048xf32, #tpu.memory_space<smem>>
      %swap3A_887 = arith.constant 4 : index
      %swap3A_888 = arith.index_cast %scan3A_792 : i32 to index
      %swap3A_889 = memref.load %arg2[%swap3A_887, %swap3A_888] : memref<12x2048xf32, #tpu.memory_space<smem>>
      memref.store %get3A_807, %arg2[%swap3A_887, %swap3A_888] : memref<12x2048xf32, #tpu.memory_space<smem>>
      %swap3A_890 = arith.constant 5 : index
      %swap3A_891 = arith.index_cast %scan3A_792 : i32 to index
      %swap3A_892 = memref.load %arg2[%swap3A_890, %swap3A_891] : memref<12x2048xf32, #tpu.memory_space<smem>>
      memref.store %get3A_810, %arg2[%swap3A_890, %swap3A_891] : memref<12x2048xf32, #tpu.memory_space<smem>>
      %get3A_893 = arith.constant 1 : index
      %get3A_894 = arith.constant 0 : index
      %get3A_895 = arith.constant 0 : index
      %get3A_896 = arith.constant 0 : index
      %get3A_897 = vector.load %arg0[%get3A_893, %get3A_894, %get3A_895, %get3A_896] : memref<4x3x64x128xf32, #tpu.memory_space<vmem>>, vector<1x1x64x128xf32>
      %get3A_898 = vector.shape_cast %get3A_897 : vector<1x1x64x128xf32> to vector<64x128xf32>
      %sub3A_899 = vector.broadcast %get3A_804 : f32 to vector<64x128xf32>
      %sub3A_900 = arith.subf %get3A_898, %sub3A_899 : vector<64x128xf32>
      %get3A_901 = arith.constant 1 : index
      %get3A_902 = arith.constant 1 : index
      %get3A_903 = arith.constant 0 : index
      %get3A_904 = arith.constant 0 : index
      %get3A_905 = vector.load %arg0[%get3A_901, %get3A_902, %get3A_903, %get3A_904] : memref<4x3x64x128xf32, #tpu.memory_space<vmem>>, vector<1x1x64x128xf32>
      %get3A_906 = vector.shape_cast %get3A_905 : vector<1x1x64x128xf32> to vector<64x128xf32>
      %sub3A_907 = vector.broadcast %get3A_807 : f32 to vector<64x128xf32>
      %sub3A_908 = arith.subf %get3A_906, %sub3A_907 : vector<64x128xf32>
      %get3A_909 = arith.constant 1 : index
      %get3A_910 = arith.constant 2 : index
      %get3A_911 = arith.constant 0 : index
      %get3A_912 = arith.constant 0 : index
      %get3A_913 = vector.load %arg0[%get3A_909, %get3A_910, %get3A_911, %get3A_912] : memref<4x3x64x128xf32, #tpu.memory_space<vmem>>, vector<1x1x64x128xf32>
      %get3A_914 = vector.shape_cast %get3A_913 : vector<1x1x64x128xf32> to vector<64x128xf32>
      %sub3A_915 = vector.broadcast %get3A_810 : f32 to vector<64x128xf32>
      %sub3A_916 = arith.subf %get3A_914, %sub3A_915 : vector<64x128xf32>
      %mul3A_917 = arith.mulf %sub3A_900, %sub3A_900 : vector<64x128xf32>
      %mul3A_918 = arith.mulf %sub3A_908, %sub3A_908 : vector<64x128xf32>
      %add3A_919 = arith.addf %mul3A_917, %mul3A_918 : vector<64x128xf32>
      %mul3A_920 = arith.mulf %sub3A_916, %sub3A_916 : vector<64x128xf32>
      %add3A_921 = arith.addf %add3A_919, %mul3A_920 : vector<64x128xf32>
      %min3A_922 = arith.minimumf %min3A_664, %add3A_921 : vector<64x128xf32>
      %reduce_max3A_923 = vector.shape_cast %min3A_922 : vector<64x128xf32> to vector<1x64x128xf32>
      %reduce_max3A_924 = arith.constant dense<0xFF800000> : vector<1xf32>
      %reduce_max3A_925 = vector.multi_reduction <maximumf>, %reduce_max3A_923, %reduce_max3A_924 [1, 2] : vector<1x64x128xf32> to vector<1xf32>
      %reduce_max3A_926 = vector.shape_cast %reduce_max3A_925 : vector<1xf32> to vector<1x1x1xf32>
      %reduce_max3A_927 = vector.extract %reduce_max3A_926[0, 0, 0] : f32 from vector<1x1x1xf32>
      %broadcast_in_dim3A_928 = vector.broadcast %reduce_max3A_927 : f32 to vector<1x1xf32>
      %eq3A_929 = vector.broadcast %broadcast_in_dim3A_928 : vector<1x1xf32> to vector<64x128xf32>
      %eq3A_930 = arith.cmpf oeq, %min3A_922, %eq3A_929 : vector<64x128xf32>
      %jit3A_931 = arith.constant 1073741824 : i32
      %broadcast_in_dim3A_932 = vector.broadcast %jit3A_931 : i32 to vector<64x128xi32>
      %select_n3A_933 = arith.select %eq3A_930, %add3A, %broadcast_in_dim3A_932 : vector<64x128xi1>, vector<64x128xi32>
      %reduce_min3A_934 = vector.shape_cast %select_n3A_933 : vector<64x128xi32> to vector<1x64x128xi32>
      %reduce_min3A_935 = arith.constant dense<2147483647> : vector<1xi32>
      %reduce_min3A_936 = vector.multi_reduction <minsi>, %reduce_min3A_934, %reduce_min3A_935 [1, 2] : vector<1x64x128xi32> to vector<1xi32>
      %reduce_min3A_937 = vector.shape_cast %reduce_min3A_936 : vector<1xi32> to vector<1x1x1xi32>
      %reduce_min3A_938 = vector.extract %reduce_min3A_937[0, 0, 0] : i32 from vector<1x1x1xi32>
      %swap3A_939 = arith.constant 6 : index
      %swap3A_940 = arith.index_cast %scan3A_792 : i32 to index
      %swap3A_941 = memref.load %arg2[%swap3A_939, %swap3A_940] : memref<12x2048xf32, #tpu.memory_space<smem>>
      memref.store %get3A_813, %arg2[%swap3A_939, %swap3A_940] : memref<12x2048xf32, #tpu.memory_space<smem>>
      %swap3A_942 = arith.constant 7 : index
      %swap3A_943 = arith.index_cast %scan3A_792 : i32 to index
      %swap3A_944 = memref.load %arg2[%swap3A_942, %swap3A_943] : memref<12x2048xf32, #tpu.memory_space<smem>>
      memref.store %get3A_816, %arg2[%swap3A_942, %swap3A_943] : memref<12x2048xf32, #tpu.memory_space<smem>>
      %swap3A_945 = arith.constant 8 : index
      %swap3A_946 = arith.index_cast %scan3A_792 : i32 to index
      %swap3A_947 = memref.load %arg2[%swap3A_945, %swap3A_946] : memref<12x2048xf32, #tpu.memory_space<smem>>
      memref.store %get3A_819, %arg2[%swap3A_945, %swap3A_946] : memref<12x2048xf32, #tpu.memory_space<smem>>
      %get3A_948 = arith.constant 2 : index
      %get3A_949 = arith.constant 0 : index
      %get3A_950 = arith.constant 0 : index
      %get3A_951 = arith.constant 0 : index
      %get3A_952 = vector.load %arg0[%get3A_948, %get3A_949, %get3A_950, %get3A_951] : memref<4x3x64x128xf32, #tpu.memory_space<vmem>>, vector<1x1x64x128xf32>
      %get3A_953 = vector.shape_cast %get3A_952 : vector<1x1x64x128xf32> to vector<64x128xf32>
      %sub3A_954 = vector.broadcast %get3A_813 : f32 to vector<64x128xf32>
      %sub3A_955 = arith.subf %get3A_953, %sub3A_954 : vector<64x128xf32>
      %get3A_956 = arith.constant 2 : index
      %get3A_957 = arith.constant 1 : index
      %get3A_958 = arith.constant 0 : index
      %get3A_959 = arith.constant 0 : index
      %get3A_960 = vector.load %arg0[%get3A_956, %get3A_957, %get3A_958, %get3A_959] : memref<4x3x64x128xf32, #tpu.memory_space<vmem>>, vector<1x1x64x128xf32>
      %get3A_961 = vector.shape_cast %get3A_960 : vector<1x1x64x128xf32> to vector<64x128xf32>
      %sub3A_962 = vector.broadcast %get3A_816 : f32 to vector<64x128xf32>
      %sub3A_963 = arith.subf %get3A_961, %sub3A_962 : vector<64x128xf32>
      %get3A_964 = arith.constant 2 : index
      %get3A_965 = arith.constant 2 : index
      %get3A_966 = arith.constant 0 : index
      %get3A_967 = arith.constant 0 : index
      %get3A_968 = vector.load %arg0[%get3A_964, %get3A_965, %get3A_966, %get3A_967] : memref<4x3x64x128xf32, #tpu.memory_space<vmem>>, vector<1x1x64x128xf32>
      %get3A_969 = vector.shape_cast %get3A_968 : vector<1x1x64x128xf32> to vector<64x128xf32>
      %sub3A_970 = vector.broadcast %get3A_819 : f32 to vector<64x128xf32>
      %sub3A_971 = arith.subf %get3A_969, %sub3A_970 : vector<64x128xf32>
      %mul3A_972 = arith.mulf %sub3A_955, %sub3A_955 : vector<64x128xf32>
      %mul3A_973 = arith.mulf %sub3A_963, %sub3A_963 : vector<64x128xf32>
      %add3A_974 = arith.addf %mul3A_972, %mul3A_973 : vector<64x128xf32>
      %mul3A_975 = arith.mulf %sub3A_971, %sub3A_971 : vector<64x128xf32>
      %add3A_976 = arith.addf %add3A_974, %mul3A_975 : vector<64x128xf32>
      %min3A_977 = arith.minimumf %min3A_719, %add3A_976 : vector<64x128xf32>
      %reduce_max3A_978 = vector.shape_cast %min3A_977 : vector<64x128xf32> to vector<1x64x128xf32>
      %reduce_max3A_979 = arith.constant dense<0xFF800000> : vector<1xf32>
      %reduce_max3A_980 = vector.multi_reduction <maximumf>, %reduce_max3A_978, %reduce_max3A_979 [1, 2] : vector<1x64x128xf32> to vector<1xf32>
      %reduce_max3A_981 = vector.shape_cast %reduce_max3A_980 : vector<1xf32> to vector<1x1x1xf32>
      %reduce_max3A_982 = vector.extract %reduce_max3A_981[0, 0, 0] : f32 from vector<1x1x1xf32>
      %broadcast_in_dim3A_983 = vector.broadcast %reduce_max3A_982 : f32 to vector<1x1xf32>
      %eq3A_984 = vector.broadcast %broadcast_in_dim3A_983 : vector<1x1xf32> to vector<64x128xf32>
      %eq3A_985 = arith.cmpf oeq, %min3A_977, %eq3A_984 : vector<64x128xf32>
      %jit3A_986 = arith.constant 1073741824 : i32
      %broadcast_in_dim3A_987 = vector.broadcast %jit3A_986 : i32 to vector<64x128xi32>
      %select_n3A_988 = arith.select %eq3A_985, %add3A, %broadcast_in_dim3A_987 : vector<64x128xi1>, vector<64x128xi32>
      %reduce_min3A_989 = vector.shape_cast %select_n3A_988 : vector<64x128xi32> to vector<1x64x128xi32>
      %reduce_min3A_990 = arith.constant dense<2147483647> : vector<1xi32>
      %reduce_min3A_991 = vector.multi_reduction <minsi>, %reduce_min3A_989, %reduce_min3A_990 [1, 2] : vector<1x64x128xi32> to vector<1xi32>
      %reduce_min3A_992 = vector.shape_cast %reduce_min3A_991 : vector<1xi32> to vector<1x1x1xi32>
      %reduce_min3A_993 = vector.extract %reduce_min3A_992[0, 0, 0] : i32 from vector<1x1x1xi32>
      %swap3A_994 = arith.constant 9 : index
      %swap3A_995 = arith.index_cast %scan3A_792 : i32 to index
      %swap3A_996 = memref.load %arg2[%swap3A_994, %swap3A_995] : memref<12x2048xf32, #tpu.memory_space<smem>>
      memref.store %get3A_822, %arg2[%swap3A_994, %swap3A_995] : memref<12x2048xf32, #tpu.memory_space<smem>>
      %swap3A_997 = arith.constant 10 : index
      %swap3A_998 = arith.index_cast %scan3A_792 : i32 to index
      %swap3A_999 = memref.load %arg2[%swap3A_997, %swap3A_998] : memref<12x2048xf32, #tpu.memory_space<smem>>
      memref.store %get3A_825, %arg2[%swap3A_997, %swap3A_998] : memref<12x2048xf32, #tpu.memory_space<smem>>
      %swap3A_1000 = arith.constant 11 : index
      %swap3A_1001 = arith.index_cast %scan3A_792 : i32 to index
      %swap3A_1002 = memref.load %arg2[%swap3A_1000, %swap3A_1001] : memref<12x2048xf32, #tpu.memory_space<smem>>
      memref.store %get3A_828, %arg2[%swap3A_1000, %swap3A_1001] : memref<12x2048xf32, #tpu.memory_space<smem>>
      %get3A_1003 = arith.constant 3 : index
      %get3A_1004 = arith.constant 0 : index
      %get3A_1005 = arith.constant 0 : index
      %get3A_1006 = arith.constant 0 : index
      %get3A_1007 = vector.load %arg0[%get3A_1003, %get3A_1004, %get3A_1005, %get3A_1006] : memref<4x3x64x128xf32, #tpu.memory_space<vmem>>, vector<1x1x64x128xf32>
      %get3A_1008 = vector.shape_cast %get3A_1007 : vector<1x1x64x128xf32> to vector<64x128xf32>
      %sub3A_1009 = vector.broadcast %get3A_822 : f32 to vector<64x128xf32>
      %sub3A_1010 = arith.subf %get3A_1008, %sub3A_1009 : vector<64x128xf32>
      %get3A_1011 = arith.constant 3 : index
      %get3A_1012 = arith.constant 1 : index
      %get3A_1013 = arith.constant 0 : index
      %get3A_1014 = arith.constant 0 : index
      %get3A_1015 = vector.load %arg0[%get3A_1011, %get3A_1012, %get3A_1013, %get3A_1014] : memref<4x3x64x128xf32, #tpu.memory_space<vmem>>, vector<1x1x64x128xf32>
      %get3A_1016 = vector.shape_cast %get3A_1015 : vector<1x1x64x128xf32> to vector<64x128xf32>
      %sub3A_1017 = vector.broadcast %get3A_825 : f32 to vector<64x128xf32>
      %sub3A_1018 = arith.subf %get3A_1016, %sub3A_1017 : vector<64x128xf32>
      %get3A_1019 = arith.constant 3 : index
      %get3A_1020 = arith.constant 2 : index
      %get3A_1021 = arith.constant 0 : index
      %get3A_1022 = arith.constant 0 : index
      %get3A_1023 = vector.load %arg0[%get3A_1019, %get3A_1020, %get3A_1021, %get3A_1022] : memref<4x3x64x128xf32, #tpu.memory_space<vmem>>, vector<1x1x64x128xf32>
      %get3A_1024 = vector.shape_cast %get3A_1023 : vector<1x1x64x128xf32> to vector<64x128xf32>
      %sub3A_1025 = vector.broadcast %get3A_828 : f32 to vector<64x128xf32>
      %sub3A_1026 = arith.subf %get3A_1024, %sub3A_1025 : vector<64x128xf32>
      %mul3A_1027 = arith.mulf %sub3A_1010, %sub3A_1010 : vector<64x128xf32>
      %mul3A_1028 = arith.mulf %sub3A_1018, %sub3A_1018 : vector<64x128xf32>
      %add3A_1029 = arith.addf %mul3A_1027, %mul3A_1028 : vector<64x128xf32>
      %mul3A_1030 = arith.mulf %sub3A_1026, %sub3A_1026 : vector<64x128xf32>
      %add3A_1031 = arith.addf %add3A_1029, %mul3A_1030 : vector<64x128xf32>
      %min3A_1032 = arith.minimumf %min3A_774, %add3A_1031 : vector<64x128xf32>
      %reduce_max3A_1033 = vector.shape_cast %min3A_1032 : vector<64x128xf32> to vector<1x64x128xf32>
      %reduce_max3A_1034 = arith.constant dense<0xFF800000> : vector<1xf32>
      %reduce_max3A_1035 = vector.multi_reduction <maximumf>, %reduce_max3A_1033, %reduce_max3A_1034 [1, 2] : vector<1x64x128xf32> to vector<1xf32>
      %reduce_max3A_1036 = vector.shape_cast %reduce_max3A_1035 : vector<1xf32> to vector<1x1x1xf32>
      %reduce_max3A_1037 = vector.extract %reduce_max3A_1036[0, 0, 0] : f32 from vector<1x1x1xf32>
      %broadcast_in_dim3A_1038 = vector.broadcast %reduce_max3A_1037 : f32 to vector<1x1xf32>
      %eq3A_1039 = vector.broadcast %broadcast_in_dim3A_1038 : vector<1x1xf32> to vector<64x128xf32>
      %eq3A_1040 = arith.cmpf oeq, %min3A_1032, %eq3A_1039 : vector<64x128xf32>
      %jit3A_1041 = arith.constant 1073741824 : i32
      %broadcast_in_dim3A_1042 = vector.broadcast %jit3A_1041 : i32 to vector<64x128xi32>
      %select_n3A_1043 = arith.select %eq3A_1040, %add3A, %broadcast_in_dim3A_1042 : vector<64x128xi1>, vector<64x128xi32>
      %reduce_min3A_1044 = vector.shape_cast %select_n3A_1043 : vector<64x128xi32> to vector<1x64x128xi32>
      %reduce_min3A_1045 = arith.constant dense<2147483647> : vector<1xi32>
      %reduce_min3A_1046 = vector.multi_reduction <minsi>, %reduce_min3A_1044, %reduce_min3A_1045 [1, 2] : vector<1x64x128xi32> to vector<1xi32>
      %reduce_min3A_1047 = vector.shape_cast %reduce_min3A_1046 : vector<1xi32> to vector<1x1x1xi32>
      %reduce_min3A_1048 = vector.extract %reduce_min3A_1047[0, 0, 0] : i32 from vector<1x1x1xi32>
      scf.yield %reduce_min3A_883, %reduce_min3A_938, %reduce_min3A_993, %reduce_min3A_1048, %min3A_867, %min3A_922, %min3A_977, %min3A_1032 : i32, i32, i32, i32, vector<64x128xf32>, vector<64x128xf32>, vector<64x128xf32>, vector<64x128xf32>
    }
    %scan3A_18 = arith.constant 2048 : i32
    return
  }
}

module attributes {stable_mosaic.version = 14 : i64} {
  func.func @_knn_body(%arg0: i32, %arg1: i32, %arg2: memref<1x3x8192xf32, #tpu.memory_space<vmem>>, %arg3: memref<1x256x3xf32, #tpu.memory_space<vmem>>, %arg4: memref<3x64xf32, #tpu.memory_space<vmem>>, %arg5: memref<1x256x16xi32, #tpu.memory_space<vmem>>, %arg6: memref<1x256x64xf32, #tpu.memory_space<vmem>>, %arg7: memref<256x8192xf32, #tpu.memory_space<vmem>>) attributes {dimension_semantics = [#tpu.dimension_semantics<arbitrary>, #tpu.dimension_semantics<arbitrary>], iteration_bounds = array<i64: 4, 8>, scalar_prefetch = 0 : i64, scratch_operands = 1 : i64, tpu.core_type = #tpu.core_type<tc>, window_params = [{transform_indices = @transform_0, window_bounds = array<i64: 1, 3, 8192>}, {transform_indices = @transform_1, window_bounds = array<i64: 1, 256, 3>}, {pipeline_mode = #tpu.pipeline_mode<synchronous>, transform_indices = @transform_2, window_bounds = array<i64: 3, 64>}, {transform_indices = @transform_3, window_bounds = array<i64: 1, 256, 16>}, {transform_indices = @transform_4, window_bounds = array<i64: 1, 256, 64>}]} {
    %get3A = arith.constant 0 : index
    %get3A_0 = arith.constant 0 : index
    %get3A_1 = arith.constant 0 : index
    %get3A_2 = vector.load %arg2[%get3A, %get3A_0, %get3A_1] : memref<1x3x8192xf32, #tpu.memory_space<vmem>>, vector<1x1x8192xf32>
    %get3A_3 = vector.shape_cast %get3A_2 : vector<1x1x8192xf32> to vector<1x8192xf32>
    %get3A_4 = arith.constant 0 : index
    %get3A_5 = arith.constant 1 : index
    %get3A_6 = arith.constant 0 : index
    %get3A_7 = vector.load %arg2[%get3A_4, %get3A_5, %get3A_6] : memref<1x3x8192xf32, #tpu.memory_space<vmem>>, vector<1x1x8192xf32>
    %get3A_8 = vector.shape_cast %get3A_7 : vector<1x1x8192xf32> to vector<1x8192xf32>
    %get3A_9 = arith.constant 0 : index
    %get3A_10 = arith.constant 2 : index
    %get3A_11 = arith.constant 0 : index
    %get3A_12 = vector.load %arg2[%get3A_9, %get3A_10, %get3A_11] : memref<1x3x8192xf32, #tpu.memory_space<vmem>>, vector<1x1x8192xf32>
    %get3A_13 = vector.shape_cast %get3A_12 : vector<1x1x8192xf32> to vector<1x8192xf32>
    %get3A_14 = arith.constant 0 : index
    %get3A_15 = arith.constant 0 : index
    %get3A_16 = arith.constant 0 : index
    %get3A_17 = vector.load %arg3[%get3A_14, %get3A_15, %get3A_16] : memref<1x256x3xf32, #tpu.memory_space<vmem>>, vector<1x256x1xf32>
    %get3A_18 = vector.shape_cast %get3A_17 : vector<1x256x1xf32> to vector<256x1xf32>
    %get3A_19 = arith.constant 0 : index
    %get3A_20 = arith.constant 0 : index
    %get3A_21 = arith.constant 1 : index
    %get3A_22 = vector.load %arg3[%get3A_19, %get3A_20, %get3A_21] : memref<1x256x3xf32, #tpu.memory_space<vmem>>, vector<1x256x1xf32>
    %get3A_23 = vector.shape_cast %get3A_22 : vector<1x256x1xf32> to vector<256x1xf32>
    %get3A_24 = arith.constant 0 : index
    %get3A_25 = arith.constant 0 : index
    %get3A_26 = arith.constant 2 : index
    %get3A_27 = vector.load %arg3[%get3A_24, %get3A_25, %get3A_26] : memref<1x256x3xf32, #tpu.memory_space<vmem>>, vector<1x256x1xf32>
    %get3A_28 = vector.shape_cast %get3A_27 : vector<1x256x1xf32> to vector<256x1xf32>
    %mul3A = arith.mulf %get3A_3, %get3A_3 : vector<1x8192xf32>
    %mul3A_29 = arith.mulf %get3A_8, %get3A_8 : vector<1x8192xf32>
    %add3A = arith.addf %mul3A, %mul3A_29 : vector<1x8192xf32>
    %mul3A_30 = arith.mulf %get3A_13, %get3A_13 : vector<1x8192xf32>
    %add3A_31 = arith.addf %add3A, %mul3A_30 : vector<1x8192xf32>
    %mul3A_32 = arith.mulf %get3A_18, %get3A_18 : vector<256x1xf32>
    %mul3A_33 = arith.mulf %get3A_23, %get3A_23 : vector<256x1xf32>
    %add3A_34 = arith.addf %mul3A_32, %mul3A_33 : vector<256x1xf32>
    %mul3A_35 = arith.mulf %get3A_28, %get3A_28 : vector<256x1xf32>
    %add3A_36 = arith.addf %add3A_34, %mul3A_35 : vector<256x1xf32>
    %get3A_37 = arith.constant 0 : index
    %get3A_38 = arith.constant 0 : index
    %get3A_39 = arith.constant 0 : index
    %get3A_40 = vector.load %arg3[%get3A_37, %get3A_38, %get3A_39] : memref<1x256x3xf32, #tpu.memory_space<vmem>>, vector<1x256x3xf32>
    %get3A_41 = vector.shape_cast %get3A_40 : vector<1x256x3xf32> to vector<256x3xf32>
    %get3A_42 = arith.constant 0 : index
    %get3A_43 = arith.constant 0 : index
    %get3A_44 = arith.constant 0 : index
    %get3A_45 = vector.load %arg2[%get3A_42, %get3A_43, %get3A_44] : memref<1x3x8192xf32, #tpu.memory_space<vmem>>, vector<1x3x8192xf32>
    %get3A_46 = vector.shape_cast %get3A_45 : vector<1x3x8192xf32> to vector<3x8192xf32>
    %dot_general3A = arith.constant dense<0.000000e+00> : vector<256x8192xf32>
    %dot_general3A_47 = tpu.matmul %get3A_41, %get3A_46, %dot_general3A {dimension_numbers = #tpu.dot_dimension_numbers<[1], [0], [0], [1], [0, 0, 1, 1], [], []>, transpose_lhs_hint = false} : vector<256x3xf32>, vector<3x8192xf32>, vector<256x8192xf32> -> vector<256x8192xf32>
    %mul3A_48 = arith.constant 2.000000e+00 : f32
    %mul3A_49 = vector.broadcast %mul3A_48 : f32 to vector<256x8192xf32>
    %mul3A_50 = arith.mulf %mul3A_49, %dot_general3A_47 : vector<256x8192xf32>
    %sub3A = vector.broadcast %add3A_36 : vector<256x1xf32> to vector<256x8192xf32>
    %sub3A_51 = arith.subf %sub3A, %mul3A_50 : vector<256x8192xf32>
    %add3A_52 = vector.broadcast %add3A_31 : vector<1x8192xf32> to vector<256x8192xf32>
    %add3A_53 = arith.addf %sub3A_51, %add3A_52 : vector<256x8192xf32>
    %swap3A = arith.constant 0 : index
    %swap3A_54 = arith.constant 0 : index
    %swap3A_55 = vector.load %arg7[%swap3A, %swap3A_54] : memref<256x8192xf32, #tpu.memory_space<vmem>>, vector<256x8192xf32>
    tpu.vector_store %arg7[%swap3A, %swap3A_54], %add3A_53 {strides = array<i32>} : memref<256x8192xf32, #tpu.memory_space<vmem>>, vector<256x8192xf32>,
    %iota3A = tpu.iota {dimensions = array<i32: 1>} : vector<256x8192xi32>
    %broadcast_in_dim3A = arith.constant -1 : i32
    %broadcast_in_dim3A_56 = vector.broadcast %broadcast_in_dim3A : i32 to vector<256x1xi32>
    %eq3A = vector.broadcast %broadcast_in_dim3A_56 : vector<256x1xi32> to vector<256x8192xi32>
    %eq3A_57 = arith.cmpi eq, %iota3A, %eq3A : vector<256x8192xi32>
    %get3A_58 = arith.constant 0 : index
    %get3A_59 = arith.constant 0 : index
    %get3A_60 = vector.load %arg7[%get3A_58, %get3A_59] : memref<256x8192xf32, #tpu.memory_space<vmem>>, vector<256x8192xf32>
    %jit3A = arith.constant 1.000000e+30 : f32
    %broadcast_in_dim3A_61 = vector.broadcast %jit3A : f32 to vector<256x8192xf32>
    %select_n3A = arith.select %eq3A_57, %broadcast_in_dim3A_61, %get3A_60 : vector<256x8192xi1>, vector<256x8192xf32>
    %swap3A_62 = arith.constant 0 : index
    %swap3A_63 = arith.constant 0 : index
    %swap3A_64 = vector.load %arg7[%swap3A_62, %swap3A_63] : memref<256x8192xf32, #tpu.memory_space<vmem>>, vector<256x8192xf32>
    tpu.vector_store %arg7[%swap3A_62, %swap3A_63], %select_n3A {strides = array<i32>} : memref<256x8192xf32, #tpu.memory_space<vmem>>, vector<256x8192xf32>,
    %reduce_min3A = arith.constant dense<0x7F800000> : vector<256xf32>
    %reduce_min3A_65 = vector.multi_reduction <minimumf>, %select_n3A, %reduce_min3A [1] : vector<256x8192xf32> to vector<256xf32>
    %broadcast_in_dim3A_66 = vector.shape_cast %reduce_min3A_65 : vector<256xf32> to vector<256x1xf32>
    %eq3A_67 = vector.broadcast %broadcast_in_dim3A_66 : vector<256x1xf32> to vector<256x8192xf32>
    %eq3A_68 = arith.cmpf oeq, %select_n3A, %eq3A_67 : vector<256x8192xf32>
    %jit3A_69 = arith.constant 1073741824 : i32
    %broadcast_in_dim3A_70 = vector.broadcast %jit3A_69 : i32 to vector<256x8192xi32>
    %select_n3A_71 = arith.select %eq3A_68, %iota3A, %broadcast_in_dim3A_70 : vector<256x8192xi1>, vector<256x8192xi32>
    %reduce_min3A_72 = arith.constant dense<2147483647> : vector<256xi32>
    %reduce_min3A_73 = vector.multi_reduction <minsi>, %select_n3A_71, %reduce_min3A_72 [1] : vector<256x8192xi32> to vector<256xi32>
    %broadcast_in_dim3A_74 = vector.shape_cast %reduce_min3A_73 : vector<256xi32> to vector<256x1xi32>
    %swap3A_75 = arith.constant 0 : index
    %swap3A_76 = arith.constant 0 : index
    %swap3A_77 = arith.constant 0 : index
    %swap3A_78 = vector.load %arg5[%swap3A_75, %swap3A_76, %swap3A_77] : memref<1x256x16xi32, #tpu.memory_space<vmem>>, vector<1x256x1xi32>
    %swap3A_79 = vector.shape_cast %swap3A_78 : vector<1x256x1xi32> to vector<256x1xi32>
    %swap3A_80 = vector.shape_cast %broadcast_in_dim3A_74 : vector<256x1xi32> to vector<1x256x1xi32>
    tpu.vector_store %arg5[%swap3A_75, %swap3A_76, %swap3A_77], %swap3A_80 {strides = array<i32>} : memref<1x256x16xi32, #tpu.memory_space<vmem>>, vector<1x256x1xi32>,
    %eq3A_81 = vector.broadcast %broadcast_in_dim3A_74 : vector<256x1xi32> to vector<256x8192xi32>
    %eq3A_82 = arith.cmpi eq, %iota3A, %eq3A_81 : vector<256x8192xi32>
    %get3A_83 = arith.constant 0 : index
    %get3A_84 = arith.constant 0 : index
    %get3A_85 = vector.load %arg7[%get3A_83, %get3A_84] : memref<256x8192xf32, #tpu.memory_space<vmem>>, vector<256x8192xf32>
    %jit3A_86 = arith.constant 1.000000e+30 : f32
    %broadcast_in_dim3A_87 = vector.broadcast %jit3A_86 : f32 to vector<256x8192xf32>
    %select_n3A_88 = arith.select %eq3A_82, %broadcast_in_dim3A_87, %get3A_85 : vector<256x8192xi1>, vector<256x8192xf32>
    %swap3A_89 = arith.constant 0 : index
    %swap3A_90 = arith.constant 0 : index
    %swap3A_91 = vector.load %arg7[%swap3A_89, %swap3A_90] : memref<256x8192xf32, #tpu.memory_space<vmem>>, vector<256x8192xf32>
    tpu.vector_store %arg7[%swap3A_89, %swap3A_90], %select_n3A_88 {strides = array<i32>} : memref<256x8192xf32, #tpu.memory_space<vmem>>, vector<256x8192xf32>,
    %reduce_min3A_92 = arith.constant dense<0x7F800000> : vector<256xf32>
    %reduce_min3A_93 = vector.multi_reduction <minimumf>, %select_n3A_88, %reduce_min3A_92 [1] : vector<256x8192xf32> to vector<256xf32>
    %broadcast_in_dim3A_94 = vector.shape_cast %reduce_min3A_93 : vector<256xf32> to vector<256x1xf32>
    %eq3A_95 = vector.broadcast %broadcast_in_dim3A_94 : vector<256x1xf32> to vector<256x8192xf32>
    %eq3A_96 = arith.cmpf oeq, %select_n3A_88, %eq3A_95 : vector<256x8192xf32>
    %jit3A_97 = arith.constant 1073741824 : i32
    %broadcast_in_dim3A_98 = vector.broadcast %jit3A_97 : i32 to vector<256x8192xi32>
    %select_n3A_99 = arith.select %eq3A_96, %iota3A, %broadcast_in_dim3A_98 : vector<256x8192xi1>, vector<256x8192xi32>
    %reduce_min3A_100 = arith.constant dense<2147483647> : vector<256xi32>
    %reduce_min3A_101 = vector.multi_reduction <minsi>, %select_n3A_99, %reduce_min3A_100 [1] : vector<256x8192xi32> to vector<256xi32>
    %broadcast_in_dim3A_102 = vector.shape_cast %reduce_min3A_101 : vector<256xi32> to vector<256x1xi32>
    %swap3A_103 = arith.constant 0 : index
    %swap3A_104 = arith.constant 0 : index
    %swap3A_105 = arith.constant 1 : index
    %swap3A_106 = vector.load %arg5[%swap3A_103, %swap3A_104, %swap3A_105] : memref<1x256x16xi32, #tpu.memory_space<vmem>>, vector<1x256x1xi32>
    %swap3A_107 = vector.shape_cast %swap3A_106 : vector<1x256x1xi32> to vector<256x1xi32>
    %swap3A_108 = vector.shape_cast %broadcast_in_dim3A_102 : vector<256x1xi32> to vector<1x256x1xi32>
    tpu.vector_store %arg5[%swap3A_103, %swap3A_104, %swap3A_105], %swap3A_108 {strides = array<i32>} : memref<1x256x16xi32, #tpu.memory_space<vmem>>, vector<1x256x1xi32>,
    %eq3A_109 = vector.broadcast %broadcast_in_dim3A_102 : vector<256x1xi32> to vector<256x8192xi32>
    %eq3A_110 = arith.cmpi eq, %iota3A, %eq3A_109 : vector<256x8192xi32>
    %get3A_111 = arith.constant 0 : index
    %get3A_112 = arith.constant 0 : index
    %get3A_113 = vector.load %arg7[%get3A_111, %get3A_112] : memref<256x8192xf32, #tpu.memory_space<vmem>>, vector<256x8192xf32>
    %jit3A_114 = arith.constant 1.000000e+30 : f32
    %broadcast_in_dim3A_115 = vector.broadcast %jit3A_114 : f32 to vector<256x8192xf32>
    %select_n3A_116 = arith.select %eq3A_110, %broadcast_in_dim3A_115, %get3A_113 : vector<256x8192xi1>, vector<256x8192xf32>
    %swap3A_117 = arith.constant 0 : index
    %swap3A_118 = arith.constant 0 : index
    %swap3A_119 = vector.load %arg7[%swap3A_117, %swap3A_118] : memref<256x8192xf32, #tpu.memory_space<vmem>>, vector<256x8192xf32>
    tpu.vector_store %arg7[%swap3A_117, %swap3A_118], %select_n3A_116 {strides = array<i32>} : memref<256x8192xf32, #tpu.memory_space<vmem>>, vector<256x8192xf32>,
    %reduce_min3A_120 = arith.constant dense<0x7F800000> : vector<256xf32>
    %reduce_min3A_121 = vector.multi_reduction <minimumf>, %select_n3A_116, %reduce_min3A_120 [1] : vector<256x8192xf32> to vector<256xf32>
    %broadcast_in_dim3A_122 = vector.shape_cast %reduce_min3A_121 : vector<256xf32> to vector<256x1xf32>
    %eq3A_123 = vector.broadcast %broadcast_in_dim3A_122 : vector<256x1xf32> to vector<256x8192xf32>
    %eq3A_124 = arith.cmpf oeq, %select_n3A_116, %eq3A_123 : vector<256x8192xf32>
    %jit3A_125 = arith.constant 1073741824 : i32
    %broadcast_in_dim3A_126 = vector.broadcast %jit3A_125 : i32 to vector<256x8192xi32>
    %select_n3A_127 = arith.select %eq3A_124, %iota3A, %broadcast_in_dim3A_126 : vector<256x8192xi1>, vector<256x8192xi32>
    %reduce_min3A_128 = arith.constant dense<2147483647> : vector<256xi32>
    %reduce_min3A_129 = vector.multi_reduction <minsi>, %select_n3A_127, %reduce_min3A_128 [1] : vector<256x8192xi32> to vector<256xi32>
    %broadcast_in_dim3A_130 = vector.shape_cast %reduce_min3A_129 : vector<256xi32> to vector<256x1xi32>
    %swap3A_131 = arith.constant 0 : index
    %swap3A_132 = arith.constant 0 : index
    %swap3A_133 = arith.constant 2 : index
    %swap3A_134 = vector.load %arg5[%swap3A_131, %swap3A_132, %swap3A_133] : memref<1x256x16xi32, #tpu.memory_space<vmem>>, vector<1x256x1xi32>
    %swap3A_135 = vector.shape_cast %swap3A_134 : vector<1x256x1xi32> to vector<256x1xi32>
    %swap3A_136 = vector.shape_cast %broadcast_in_dim3A_130 : vector<256x1xi32> to vector<1x256x1xi32>
    tpu.vector_store %arg5[%swap3A_131, %swap3A_132, %swap3A_133], %swap3A_136 {strides = array<i32>} : memref<1x256x16xi32, #tpu.memory_space<vmem>>, vector<1x256x1xi32>,
    %eq3A_137 = vector.broadcast %broadcast_in_dim3A_130 : vector<256x1xi32> to vector<256x8192xi32>
    %eq3A_138 = arith.cmpi eq, %iota3A, %eq3A_137 : vector<256x8192xi32>
    %get3A_139 = arith.constant 0 : index
    %get3A_140 = arith.constant 0 : index
    %get3A_141 = vector.load %arg7[%get3A_139, %get3A_140] : memref<256x8192xf32, #tpu.memory_space<vmem>>, vector<256x8192xf32>
    %jit3A_142 = arith.constant 1.000000e+30 : f32
    %broadcast_in_dim3A_143 = vector.broadcast %jit3A_142 : f32 to vector<256x8192xf32>
    %select_n3A_144 = arith.select %eq3A_138, %broadcast_in_dim3A_143, %get3A_141 : vector<256x8192xi1>, vector<256x8192xf32>
    %swap3A_145 = arith.constant 0 : index
    %swap3A_146 = arith.constant 0 : index
    %swap3A_147 = vector.load %arg7[%swap3A_145, %swap3A_146] : memref<256x8192xf32, #tpu.memory_space<vmem>>, vector<256x8192xf32>
    tpu.vector_store %arg7[%swap3A_145, %swap3A_146], %select_n3A_144 {strides = array<i32>} : memref<256x8192xf32, #tpu.memory_space<vmem>>, vector<256x8192xf32>,
    %reduce_min3A_148 = arith.constant dense<0x7F800000> : vector<256xf32>
    %reduce_min3A_149 = vector.multi_reduction <minimumf>, %select_n3A_144, %reduce_min3A_148 [1] : vector<256x8192xf32> to vector<256xf32>
    %broadcast_in_dim3A_150 = vector.shape_cast %reduce_min3A_149 : vector<256xf32> to vector<256x1xf32>
    %eq3A_151 = vector.broadcast %broadcast_in_dim3A_150 : vector<256x1xf32> to vector<256x8192xf32>
    %eq3A_152 = arith.cmpf oeq, %select_n3A_144, %eq3A_151 : vector<256x8192xf32>
    %jit3A_153 = arith.constant 1073741824 : i32
    %broadcast_in_dim3A_154 = vector.broadcast %jit3A_153 : i32 to vector<256x8192xi32>
    %select_n3A_155 = arith.select %eq3A_152, %iota3A, %broadcast_in_dim3A_154 : vector<256x8192xi1>, vector<256x8192xi32>
    %reduce_min3A_156 = arith.constant dense<2147483647> : vector<256xi32>
    %reduce_min3A_157 = vector.multi_reduction <minsi>, %select_n3A_155, %reduce_min3A_156 [1] : vector<256x8192xi32> to vector<256xi32>
    %broadcast_in_dim3A_158 = vector.shape_cast %reduce_min3A_157 : vector<256xi32> to vector<256x1xi32>
    %swap3A_159 = arith.constant 0 : index
    %swap3A_160 = arith.constant 0 : index
    %swap3A_161 = arith.constant 3 : index
    %swap3A_162 = vector.load %arg5[%swap3A_159, %swap3A_160, %swap3A_161] : memref<1x256x16xi32, #tpu.memory_space<vmem>>, vector<1x256x1xi32>
    %swap3A_163 = vector.shape_cast %swap3A_162 : vector<1x256x1xi32> to vector<256x1xi32>
    %swap3A_164 = vector.shape_cast %broadcast_in_dim3A_158 : vector<256x1xi32> to vector<1x256x1xi32>
    tpu.vector_store %arg5[%swap3A_159, %swap3A_160, %swap3A_161], %swap3A_164 {strides = array<i32>} : memref<1x256x16xi32, #tpu.memory_space<vmem>>, vector<1x256x1xi32>,
    %eq3A_165 = vector.broadcast %broadcast_in_dim3A_158 : vector<256x1xi32> to vector<256x8192xi32>
    %eq3A_166 = arith.cmpi eq, %iota3A, %eq3A_165 : vector<256x8192xi32>
    %get3A_167 = arith.constant 0 : index
    %get3A_168 = arith.constant 0 : index
    %get3A_169 = vector.load %arg7[%get3A_167, %get3A_168] : memref<256x8192xf32, #tpu.memory_space<vmem>>, vector<256x8192xf32>
    %jit3A_170 = arith.constant 1.000000e+30 : f32
    %broadcast_in_dim3A_171 = vector.broadcast %jit3A_170 : f32 to vector<256x8192xf32>
    %select_n3A_172 = arith.select %eq3A_166, %broadcast_in_dim3A_171, %get3A_169 : vector<256x8192xi1>, vector<256x8192xf32>
    %swap3A_173 = arith.constant 0 : index
    %swap3A_174 = arith.constant 0 : index
    %swap3A_175 = vector.load %arg7[%swap3A_173, %swap3A_174] : memref<256x8192xf32, #tpu.memory_space<vmem>>, vector<256x8192xf32>
    tpu.vector_store %arg7[%swap3A_173, %swap3A_174], %select_n3A_172 {strides = array<i32>} : memref<256x8192xf32, #tpu.memory_space<vmem>>, vector<256x8192xf32>,
    %reduce_min3A_176 = arith.constant dense<0x7F800000> : vector<256xf32>
    %reduce_min3A_177 = vector.multi_reduction <minimumf>, %select_n3A_172, %reduce_min3A_176 [1] : vector<256x8192xf32> to vector<256xf32>
    %broadcast_in_dim3A_178 = vector.shape_cast %reduce_min3A_177 : vector<256xf32> to vector<256x1xf32>
    %eq3A_179 = vector.broadcast %broadcast_in_dim3A_178 : vector<256x1xf32> to vector<256x8192xf32>
    %eq3A_180 = arith.cmpf oeq, %select_n3A_172, %eq3A_179 : vector<256x8192xf32>
    %jit3A_181 = arith.constant 1073741824 : i32
    %broadcast_in_dim3A_182 = vector.broadcast %jit3A_181 : i32 to vector<256x8192xi32>
    %select_n3A_183 = arith.select %eq3A_180, %iota3A, %broadcast_in_dim3A_182 : vector<256x8192xi1>, vector<256x8192xi32>
    %reduce_min3A_184 = arith.constant dense<2147483647> : vector<256xi32>
    %reduce_min3A_185 = vector.multi_reduction <minsi>, %select_n3A_183, %reduce_min3A_184 [1] : vector<256x8192xi32> to vector<256xi32>
    %broadcast_in_dim3A_186 = vector.shape_cast %reduce_min3A_185 : vector<256xi32> to vector<256x1xi32>
    %swap3A_187 = arith.constant 0 : index
    %swap3A_188 = arith.constant 0 : index
    %swap3A_189 = arith.constant 4 : index
    %swap3A_190 = vector.load %arg5[%swap3A_187, %swap3A_188, %swap3A_189] : memref<1x256x16xi32, #tpu.memory_space<vmem>>, vector<1x256x1xi32>
    %swap3A_191 = vector.shape_cast %swap3A_190 : vector<1x256x1xi32> to vector<256x1xi32>
    %swap3A_192 = vector.shape_cast %broadcast_in_dim3A_186 : vector<256x1xi32> to vector<1x256x1xi32>
    tpu.vector_store %arg5[%swap3A_187, %swap3A_188, %swap3A_189], %swap3A_192 {strides = array<i32>} : memref<1x256x16xi32, #tpu.memory_space<vmem>>, vector<1x256x1xi32>,
    %eq3A_193 = vector.broadcast %broadcast_in_dim3A_186 : vector<256x1xi32> to vector<256x8192xi32>
    %eq3A_194 = arith.cmpi eq, %iota3A, %eq3A_193 : vector<256x8192xi32>
    %get3A_195 = arith.constant 0 : index
    %get3A_196 = arith.constant 0 : index
    %get3A_197 = vector.load %arg7[%get3A_195, %get3A_196] : memref<256x8192xf32, #tpu.memory_space<vmem>>, vector<256x8192xf32>
    %jit3A_198 = arith.constant 1.000000e+30 : f32
    %broadcast_in_dim3A_199 = vector.broadcast %jit3A_198 : f32 to vector<256x8192xf32>
    %select_n3A_200 = arith.select %eq3A_194, %broadcast_in_dim3A_199, %get3A_197 : vector<256x8192xi1>, vector<256x8192xf32>
    %swap3A_201 = arith.constant 0 : index
    %swap3A_202 = arith.constant 0 : index
    %swap3A_203 = vector.load %arg7[%swap3A_201, %swap3A_202] : memref<256x8192xf32, #tpu.memory_space<vmem>>, vector<256x8192xf32>
    tpu.vector_store %arg7[%swap3A_201, %swap3A_202], %select_n3A_200 {strides = array<i32>} : memref<256x8192xf32, #tpu.memory_space<vmem>>, vector<256x8192xf32>,
    %reduce_min3A_204 = arith.constant dense<0x7F800000> : vector<256xf32>
    %reduce_min3A_205 = vector.multi_reduction <minimumf>, %select_n3A_200, %reduce_min3A_204 [1] : vector<256x8192xf32> to vector<256xf32>
    %broadcast_in_dim3A_206 = vector.shape_cast %reduce_min3A_205 : vector<256xf32> to vector<256x1xf32>
    %eq3A_207 = vector.broadcast %broadcast_in_dim3A_206 : vector<256x1xf32> to vector<256x8192xf32>
    %eq3A_208 = arith.cmpf oeq, %select_n3A_200, %eq3A_207 : vector<256x8192xf32>
    %jit3A_209 = arith.constant 1073741824 : i32
    %broadcast_in_dim3A_210 = vector.broadcast %jit3A_209 : i32 to vector<256x8192xi32>
    %select_n3A_211 = arith.select %eq3A_208, %iota3A, %broadcast_in_dim3A_210 : vector<256x8192xi1>, vector<256x8192xi32>
    %reduce_min3A_212 = arith.constant dense<2147483647> : vector<256xi32>
    %reduce_min3A_213 = vector.multi_reduction <minsi>, %select_n3A_211, %reduce_min3A_212 [1] : vector<256x8192xi32> to vector<256xi32>
    %broadcast_in_dim3A_214 = vector.shape_cast %reduce_min3A_213 : vector<256xi32> to vector<256x1xi32>
    %swap3A_215 = arith.constant 0 : index
    %swap3A_216 = arith.constant 0 : index
    %swap3A_217 = arith.constant 5 : index
    %swap3A_218 = vector.load %arg5[%swap3A_215, %swap3A_216, %swap3A_217] : memref<1x256x16xi32, #tpu.memory_space<vmem>>, vector<1x256x1xi32>
    %swap3A_219 = vector.shape_cast %swap3A_218 : vector<1x256x1xi32> to vector<256x1xi32>
    %swap3A_220 = vector.shape_cast %broadcast_in_dim3A_214 : vector<256x1xi32> to vector<1x256x1xi32>
    tpu.vector_store %arg5[%swap3A_215, %swap3A_216, %swap3A_217], %swap3A_220 {strides = array<i32>} : memref<1x256x16xi32, #tpu.memory_space<vmem>>, vector<1x256x1xi32>,
    %eq3A_221 = vector.broadcast %broadcast_in_dim3A_214 : vector<256x1xi32> to vector<256x8192xi32>
    %eq3A_222 = arith.cmpi eq, %iota3A, %eq3A_221 : vector<256x8192xi32>
    %get3A_223 = arith.constant 0 : index
    %get3A_224 = arith.constant 0 : index
    %get3A_225 = vector.load %arg7[%get3A_223, %get3A_224] : memref<256x8192xf32, #tpu.memory_space<vmem>>, vector<256x8192xf32>
    %jit3A_226 = arith.constant 1.000000e+30 : f32
    %broadcast_in_dim3A_227 = vector.broadcast %jit3A_226 : f32 to vector<256x8192xf32>
    %select_n3A_228 = arith.select %eq3A_222, %broadcast_in_dim3A_227, %get3A_225 : vector<256x8192xi1>, vector<256x8192xf32>
    %swap3A_229 = arith.constant 0 : index
    %swap3A_230 = arith.constant 0 : index
    %swap3A_231 = vector.load %arg7[%swap3A_229, %swap3A_230] : memref<256x8192xf32, #tpu.memory_space<vmem>>, vector<256x8192xf32>
    tpu.vector_store %arg7[%swap3A_229, %swap3A_230], %select_n3A_228 {strides = array<i32>} : memref<256x8192xf32, #tpu.memory_space<vmem>>, vector<256x8192xf32>,
    %reduce_min3A_232 = arith.constant dense<0x7F800000> : vector<256xf32>
    %reduce_min3A_233 = vector.multi_reduction <minimumf>, %select_n3A_228, %reduce_min3A_232 [1] : vector<256x8192xf32> to vector<256xf32>
    %broadcast_in_dim3A_234 = vector.shape_cast %reduce_min3A_233 : vector<256xf32> to vector<256x1xf32>
    %eq3A_235 = vector.broadcast %broadcast_in_dim3A_234 : vector<256x1xf32> to vector<256x8192xf32>
    %eq3A_236 = arith.cmpf oeq, %select_n3A_228, %eq3A_235 : vector<256x8192xf32>
    %jit3A_237 = arith.constant 1073741824 : i32
    %broadcast_in_dim3A_238 = vector.broadcast %jit3A_237 : i32 to vector<256x8192xi32>
    %select_n3A_239 = arith.select %eq3A_236, %iota3A, %broadcast_in_dim3A_238 : vector<256x8192xi1>, vector<256x8192xi32>
    %reduce_min3A_240 = arith.constant dense<2147483647> : vector<256xi32>
    %reduce_min3A_241 = vector.multi_reduction <minsi>, %select_n3A_239, %reduce_min3A_240 [1] : vector<256x8192xi32> to vector<256xi32>
    %broadcast_in_dim3A_242 = vector.shape_cast %reduce_min3A_241 : vector<256xi32> to vector<256x1xi32>
    %swap3A_243 = arith.constant 0 : index
    %swap3A_244 = arith.constant 0 : index
    %swap3A_245 = arith.constant 6 : index
    %swap3A_246 = vector.load %arg5[%swap3A_243, %swap3A_244, %swap3A_245] : memref<1x256x16xi32, #tpu.memory_space<vmem>>, vector<1x256x1xi32>
    %swap3A_247 = vector.shape_cast %swap3A_246 : vector<1x256x1xi32> to vector<256x1xi32>
    %swap3A_248 = vector.shape_cast %broadcast_in_dim3A_242 : vector<256x1xi32> to vector<1x256x1xi32>
    tpu.vector_store %arg5[%swap3A_243, %swap3A_244, %swap3A_245], %swap3A_248 {strides = array<i32>} : memref<1x256x16xi32, #tpu.memory_space<vmem>>, vector<1x256x1xi32>,
    %eq3A_249 = vector.broadcast %broadcast_in_dim3A_242 : vector<256x1xi32> to vector<256x8192xi32>
    %eq3A_250 = arith.cmpi eq, %iota3A, %eq3A_249 : vector<256x8192xi32>
    %get3A_251 = arith.constant 0 : index
    %get3A_252 = arith.constant 0 : index
    %get3A_253 = vector.load %arg7[%get3A_251, %get3A_252] : memref<256x8192xf32, #tpu.memory_space<vmem>>, vector<256x8192xf32>
    %jit3A_254 = arith.constant 1.000000e+30 : f32
    %broadcast_in_dim3A_255 = vector.broadcast %jit3A_254 : f32 to vector<256x8192xf32>
    %select_n3A_256 = arith.select %eq3A_250, %broadcast_in_dim3A_255, %get3A_253 : vector<256x8192xi1>, vector<256x8192xf32>
    %swap3A_257 = arith.constant 0 : index
    %swap3A_258 = arith.constant 0 : index
    %swap3A_259 = vector.load %arg7[%swap3A_257, %swap3A_258] : memref<256x8192xf32, #tpu.memory_space<vmem>>, vector<256x8192xf32>
    tpu.vector_store %arg7[%swap3A_257, %swap3A_258], %select_n3A_256 {strides = array<i32>} : memref<256x8192xf32, #tpu.memory_space<vmem>>, vector<256x8192xf32>,
    %reduce_min3A_260 = arith.constant dense<0x7F800000> : vector<256xf32>
    %reduce_min3A_261 = vector.multi_reduction <minimumf>, %select_n3A_256, %reduce_min3A_260 [1] : vector<256x8192xf32> to vector<256xf32>
    %broadcast_in_dim3A_262 = vector.shape_cast %reduce_min3A_261 : vector<256xf32> to vector<256x1xf32>
    %eq3A_263 = vector.broadcast %broadcast_in_dim3A_262 : vector<256x1xf32> to vector<256x8192xf32>
    %eq3A_264 = arith.cmpf oeq, %select_n3A_256, %eq3A_263 : vector<256x8192xf32>
    %jit3A_265 = arith.constant 1073741824 : i32
    %broadcast_in_dim3A_266 = vector.broadcast %jit3A_265 : i32 to vector<256x8192xi32>
    %select_n3A_267 = arith.select %eq3A_264, %iota3A, %broadcast_in_dim3A_266 : vector<256x8192xi1>, vector<256x8192xi32>
    %reduce_min3A_268 = arith.constant dense<2147483647> : vector<256xi32>
    %reduce_min3A_269 = vector.multi_reduction <minsi>, %select_n3A_267, %reduce_min3A_268 [1] : vector<256x8192xi32> to vector<256xi32>
    %broadcast_in_dim3A_270 = vector.shape_cast %reduce_min3A_269 : vector<256xi32> to vector<256x1xi32>
    %swap3A_271 = arith.constant 0 : index
    %swap3A_272 = arith.constant 0 : index
    %swap3A_273 = arith.constant 7 : index
    %swap3A_274 = vector.load %arg5[%swap3A_271, %swap3A_272, %swap3A_273] : memref<1x256x16xi32, #tpu.memory_space<vmem>>, vector<1x256x1xi32>
    %swap3A_275 = vector.shape_cast %swap3A_274 : vector<1x256x1xi32> to vector<256x1xi32>
    %swap3A_276 = vector.shape_cast %broadcast_in_dim3A_270 : vector<256x1xi32> to vector<1x256x1xi32>
    tpu.vector_store %arg5[%swap3A_271, %swap3A_272, %swap3A_273], %swap3A_276 {strides = array<i32>} : memref<1x256x16xi32, #tpu.memory_space<vmem>>, vector<1x256x1xi32>,
    %eq3A_277 = vector.broadcast %broadcast_in_dim3A_270 : vector<256x1xi32> to vector<256x8192xi32>
    %eq3A_278 = arith.cmpi eq, %iota3A, %eq3A_277 : vector<256x8192xi32>
    %get3A_279 = arith.constant 0 : index
    %get3A_280 = arith.constant 0 : index
    %get3A_281 = vector.load %arg7[%get3A_279, %get3A_280] : memref<256x8192xf32, #tpu.memory_space<vmem>>, vector<256x8192xf32>
    %jit3A_282 = arith.constant 1.000000e+30 : f32
    %broadcast_in_dim3A_283 = vector.broadcast %jit3A_282 : f32 to vector<256x8192xf32>
    %select_n3A_284 = arith.select %eq3A_278, %broadcast_in_dim3A_283, %get3A_281 : vector<256x8192xi1>, vector<256x8192xf32>
    %swap3A_285 = arith.constant 0 : index
    %swap3A_286 = arith.constant 0 : index
    %swap3A_287 = vector.load %arg7[%swap3A_285, %swap3A_286] : memref<256x8192xf32, #tpu.memory_space<vmem>>, vector<256x8192xf32>
    tpu.vector_store %arg7[%swap3A_285, %swap3A_286], %select_n3A_284 {strides = array<i32>} : memref<256x8192xf32, #tpu.memory_space<vmem>>, vector<256x8192xf32>,
    %reduce_min3A_288 = arith.constant dense<0x7F800000> : vector<256xf32>
    %reduce_min3A_289 = vector.multi_reduction <minimumf>, %select_n3A_284, %reduce_min3A_288 [1] : vector<256x8192xf32> to vector<256xf32>
    %broadcast_in_dim3A_290 = vector.shape_cast %reduce_min3A_289 : vector<256xf32> to vector<256x1xf32>
    %eq3A_291 = vector.broadcast %broadcast_in_dim3A_290 : vector<256x1xf32> to vector<256x8192xf32>
    %eq3A_292 = arith.cmpf oeq, %select_n3A_284, %eq3A_291 : vector<256x8192xf32>
    %jit3A_293 = arith.constant 1073741824 : i32
    %broadcast_in_dim3A_294 = vector.broadcast %jit3A_293 : i32 to vector<256x8192xi32>
    %select_n3A_295 = arith.select %eq3A_292, %iota3A, %broadcast_in_dim3A_294 : vector<256x8192xi1>, vector<256x8192xi32>
    %reduce_min3A_296 = arith.constant dense<2147483647> : vector<256xi32>
    %reduce_min3A_297 = vector.multi_reduction <minsi>, %select_n3A_295, %reduce_min3A_296 [1] : vector<256x8192xi32> to vector<256xi32>
    %broadcast_in_dim3A_298 = vector.shape_cast %reduce_min3A_297 : vector<256xi32> to vector<256x1xi32>
    %swap3A_299 = arith.constant 0 : index
    %swap3A_300 = arith.constant 0 : index
    %swap3A_301 = arith.constant 8 : index
    %swap3A_302 = vector.load %arg5[%swap3A_299, %swap3A_300, %swap3A_301] : memref<1x256x16xi32, #tpu.memory_space<vmem>>, vector<1x256x1xi32>
    %swap3A_303 = vector.shape_cast %swap3A_302 : vector<1x256x1xi32> to vector<256x1xi32>
    %swap3A_304 = vector.shape_cast %broadcast_in_dim3A_298 : vector<256x1xi32> to vector<1x256x1xi32>
    tpu.vector_store %arg5[%swap3A_299, %swap3A_300, %swap3A_301], %swap3A_304 {strides = array<i32>} : memref<1x256x16xi32, #tpu.memory_space<vmem>>, vector<1x256x1xi32>,
    %eq3A_305 = vector.broadcast %broadcast_in_dim3A_298 : vector<256x1xi32> to vector<256x8192xi32>
    %eq3A_306 = arith.cmpi eq, %iota3A, %eq3A_305 : vector<256x8192xi32>
    %get3A_307 = arith.constant 0 : index
    %get3A_308 = arith.constant 0 : index
    %get3A_309 = vector.load %arg7[%get3A_307, %get3A_308] : memref<256x8192xf32, #tpu.memory_space<vmem>>, vector<256x8192xf32>
    %jit3A_310 = arith.constant 1.000000e+30 : f32
    %broadcast_in_dim3A_311 = vector.broadcast %jit3A_310 : f32 to vector<256x8192xf32>
    %select_n3A_312 = arith.select %eq3A_306, %broadcast_in_dim3A_311, %get3A_309 : vector<256x8192xi1>, vector<256x8192xf32>
    %swap3A_313 = arith.constant 0 : index
    %swap3A_314 = arith.constant 0 : index
    %swap3A_315 = vector.load %arg7[%swap3A_313, %swap3A_314] : memref<256x8192xf32, #tpu.memory_space<vmem>>, vector<256x8192xf32>
    tpu.vector_store %arg7[%swap3A_313, %swap3A_314], %select_n3A_312 {strides = array<i32>} : memref<256x8192xf32, #tpu.memory_space<vmem>>, vector<256x8192xf32>,
    %reduce_min3A_316 = arith.constant dense<0x7F800000> : vector<256xf32>
    %reduce_min3A_317 = vector.multi_reduction <minimumf>, %select_n3A_312, %reduce_min3A_316 [1] : vector<256x8192xf32> to vector<256xf32>
    %broadcast_in_dim3A_318 = vector.shape_cast %reduce_min3A_317 : vector<256xf32> to vector<256x1xf32>
    %eq3A_319 = vector.broadcast %broadcast_in_dim3A_318 : vector<256x1xf32> to vector<256x8192xf32>
    %eq3A_320 = arith.cmpf oeq, %select_n3A_312, %eq3A_319 : vector<256x8192xf32>
    %jit3A_321 = arith.constant 1073741824 : i32
    %broadcast_in_dim3A_322 = vector.broadcast %jit3A_321 : i32 to vector<256x8192xi32>
    %select_n3A_323 = arith.select %eq3A_320, %iota3A, %broadcast_in_dim3A_322 : vector<256x8192xi1>, vector<256x8192xi32>
    %reduce_min3A_324 = arith.constant dense<2147483647> : vector<256xi32>
    %reduce_min3A_325 = vector.multi_reduction <minsi>, %select_n3A_323, %reduce_min3A_324 [1] : vector<256x8192xi32> to vector<256xi32>
    %broadcast_in_dim3A_326 = vector.shape_cast %reduce_min3A_325 : vector<256xi32> to vector<256x1xi32>
    %swap3A_327 = arith.constant 0 : index
    %swap3A_328 = arith.constant 0 : index
    %swap3A_329 = arith.constant 9 : index
    %swap3A_330 = vector.load %arg5[%swap3A_327, %swap3A_328, %swap3A_329] : memref<1x256x16xi32, #tpu.memory_space<vmem>>, vector<1x256x1xi32>
    %swap3A_331 = vector.shape_cast %swap3A_330 : vector<1x256x1xi32> to vector<256x1xi32>
    %swap3A_332 = vector.shape_cast %broadcast_in_dim3A_326 : vector<256x1xi32> to vector<1x256x1xi32>
    tpu.vector_store %arg5[%swap3A_327, %swap3A_328, %swap3A_329], %swap3A_332 {strides = array<i32>} : memref<1x256x16xi32, #tpu.memory_space<vmem>>, vector<1x256x1xi32>,
    %eq3A_333 = vector.broadcast %broadcast_in_dim3A_326 : vector<256x1xi32> to vector<256x8192xi32>
    %eq3A_334 = arith.cmpi eq, %iota3A, %eq3A_333 : vector<256x8192xi32>
    %get3A_335 = arith.constant 0 : index
    %get3A_336 = arith.constant 0 : index
    %get3A_337 = vector.load %arg7[%get3A_335, %get3A_336] : memref<256x8192xf32, #tpu.memory_space<vmem>>, vector<256x8192xf32>
    %jit3A_338 = arith.constant 1.000000e+30 : f32
    %broadcast_in_dim3A_339 = vector.broadcast %jit3A_338 : f32 to vector<256x8192xf32>
    %select_n3A_340 = arith.select %eq3A_334, %broadcast_in_dim3A_339, %get3A_337 : vector<256x8192xi1>, vector<256x8192xf32>
    %swap3A_341 = arith.constant 0 : index
    %swap3A_342 = arith.constant 0 : index
    %swap3A_343 = vector.load %arg7[%swap3A_341, %swap3A_342] : memref<256x8192xf32, #tpu.memory_space<vmem>>, vector<256x8192xf32>
    tpu.vector_store %arg7[%swap3A_341, %swap3A_342], %select_n3A_340 {strides = array<i32>} : memref<256x8192xf32, #tpu.memory_space<vmem>>, vector<256x8192xf32>,
    %reduce_min3A_344 = arith.constant dense<0x7F800000> : vector<256xf32>
    %reduce_min3A_345 = vector.multi_reduction <minimumf>, %select_n3A_340, %reduce_min3A_344 [1] : vector<256x8192xf32> to vector<256xf32>
    %broadcast_in_dim3A_346 = vector.shape_cast %reduce_min3A_345 : vector<256xf32> to vector<256x1xf32>
    %eq3A_347 = vector.broadcast %broadcast_in_dim3A_346 : vector<256x1xf32> to vector<256x8192xf32>
    %eq3A_348 = arith.cmpf oeq, %select_n3A_340, %eq3A_347 : vector<256x8192xf32>
    %jit3A_349 = arith.constant 1073741824 : i32
    %broadcast_in_dim3A_350 = vector.broadcast %jit3A_349 : i32 to vector<256x8192xi32>
    %select_n3A_351 = arith.select %eq3A_348, %iota3A, %broadcast_in_dim3A_350 : vector<256x8192xi1>, vector<256x8192xi32>
    %reduce_min3A_352 = arith.constant dense<2147483647> : vector<256xi32>
    %reduce_min3A_353 = vector.multi_reduction <minsi>, %select_n3A_351, %reduce_min3A_352 [1] : vector<256x8192xi32> to vector<256xi32>
    %broadcast_in_dim3A_354 = vector.shape_cast %reduce_min3A_353 : vector<256xi32> to vector<256x1xi32>
    %swap3A_355 = arith.constant 0 : index
    %swap3A_356 = arith.constant 0 : index
    %swap3A_357 = arith.constant 10 : index
    %swap3A_358 = vector.load %arg5[%swap3A_355, %swap3A_356, %swap3A_357] : memref<1x256x16xi32, #tpu.memory_space<vmem>>, vector<1x256x1xi32>
    %swap3A_359 = vector.shape_cast %swap3A_358 : vector<1x256x1xi32> to vector<256x1xi32>
    %swap3A_360 = vector.shape_cast %broadcast_in_dim3A_354 : vector<256x1xi32> to vector<1x256x1xi32>
    tpu.vector_store %arg5[%swap3A_355, %swap3A_356, %swap3A_357], %swap3A_360 {strides = array<i32>} : memref<1x256x16xi32, #tpu.memory_space<vmem>>, vector<1x256x1xi32>,
    %eq3A_361 = vector.broadcast %broadcast_in_dim3A_354 : vector<256x1xi32> to vector<256x8192xi32>
    %eq3A_362 = arith.cmpi eq, %iota3A, %eq3A_361 : vector<256x8192xi32>
    %get3A_363 = arith.constant 0 : index
    %get3A_364 = arith.constant 0 : index
    %get3A_365 = vector.load %arg7[%get3A_363, %get3A_364] : memref<256x8192xf32, #tpu.memory_space<vmem>>, vector<256x8192xf32>
    %jit3A_366 = arith.constant 1.000000e+30 : f32
    %broadcast_in_dim3A_367 = vector.broadcast %jit3A_366 : f32 to vector<256x8192xf32>
    %select_n3A_368 = arith.select %eq3A_362, %broadcast_in_dim3A_367, %get3A_365 : vector<256x8192xi1>, vector<256x8192xf32>
    %swap3A_369 = arith.constant 0 : index
    %swap3A_370 = arith.constant 0 : index
    %swap3A_371 = vector.load %arg7[%swap3A_369, %swap3A_370] : memref<256x8192xf32, #tpu.memory_space<vmem>>, vector<256x8192xf32>
    tpu.vector_store %arg7[%swap3A_369, %swap3A_370], %select_n3A_368 {strides = array<i32>} : memref<256x8192xf32, #tpu.memory_space<vmem>>, vector<256x8192xf32>,
    %reduce_min3A_372 = arith.constant dense<0x7F800000> : vector<256xf32>
    %reduce_min3A_373 = vector.multi_reduction <minimumf>, %select_n3A_368, %reduce_min3A_372 [1] : vector<256x8192xf32> to vector<256xf32>
    %broadcast_in_dim3A_374 = vector.shape_cast %reduce_min3A_373 : vector<256xf32> to vector<256x1xf32>
    %eq3A_375 = vector.broadcast %broadcast_in_dim3A_374 : vector<256x1xf32> to vector<256x8192xf32>
    %eq3A_376 = arith.cmpf oeq, %select_n3A_368, %eq3A_375 : vector<256x8192xf32>
    %jit3A_377 = arith.constant 1073741824 : i32
    %broadcast_in_dim3A_378 = vector.broadcast %jit3A_377 : i32 to vector<256x8192xi32>
    %select_n3A_379 = arith.select %eq3A_376, %iota3A, %broadcast_in_dim3A_378 : vector<256x8192xi1>, vector<256x8192xi32>
    %reduce_min3A_380 = arith.constant dense<2147483647> : vector<256xi32>
    %reduce_min3A_381 = vector.multi_reduction <minsi>, %select_n3A_379, %reduce_min3A_380 [1] : vector<256x8192xi32> to vector<256xi32>
    %broadcast_in_dim3A_382 = vector.shape_cast %reduce_min3A_381 : vector<256xi32> to vector<256x1xi32>
    %swap3A_383 = arith.constant 0 : index
    %swap3A_384 = arith.constant 0 : index
    %swap3A_385 = arith.constant 11 : index
    %swap3A_386 = vector.load %arg5[%swap3A_383, %swap3A_384, %swap3A_385] : memref<1x256x16xi32, #tpu.memory_space<vmem>>, vector<1x256x1xi32>
    %swap3A_387 = vector.shape_cast %swap3A_386 : vector<1x256x1xi32> to vector<256x1xi32>
    %swap3A_388 = vector.shape_cast %broadcast_in_dim3A_382 : vector<256x1xi32> to vector<1x256x1xi32>
    tpu.vector_store %arg5[%swap3A_383, %swap3A_384, %swap3A_385], %swap3A_388 {strides = array<i32>} : memref<1x256x16xi32, #tpu.memory_space<vmem>>, vector<1x256x1xi32>,
    %eq3A_389 = vector.broadcast %broadcast_in_dim3A_382 : vector<256x1xi32> to vector<256x8192xi32>
    %eq3A_390 = arith.cmpi eq, %iota3A, %eq3A_389 : vector<256x8192xi32>
    %get3A_391 = arith.constant 0 : index
    %get3A_392 = arith.constant 0 : index
    %get3A_393 = vector.load %arg7[%get3A_391, %get3A_392] : memref<256x8192xf32, #tpu.memory_space<vmem>>, vector<256x8192xf32>
    %jit3A_394 = arith.constant 1.000000e+30 : f32
    %broadcast_in_dim3A_395 = vector.broadcast %jit3A_394 : f32 to vector<256x8192xf32>
    %select_n3A_396 = arith.select %eq3A_390, %broadcast_in_dim3A_395, %get3A_393 : vector<256x8192xi1>, vector<256x8192xf32>
    %swap3A_397 = arith.constant 0 : index
    %swap3A_398 = arith.constant 0 : index
    %swap3A_399 = vector.load %arg7[%swap3A_397, %swap3A_398] : memref<256x8192xf32, #tpu.memory_space<vmem>>, vector<256x8192xf32>
    tpu.vector_store %arg7[%swap3A_397, %swap3A_398], %select_n3A_396 {strides = array<i32>} : memref<256x8192xf32, #tpu.memory_space<vmem>>, vector<256x8192xf32>,
    %reduce_min3A_400 = arith.constant dense<0x7F800000> : vector<256xf32>
    %reduce_min3A_401 = vector.multi_reduction <minimumf>, %select_n3A_396, %reduce_min3A_400 [1] : vector<256x8192xf32> to vector<256xf32>
    %broadcast_in_dim3A_402 = vector.shape_cast %reduce_min3A_401 : vector<256xf32> to vector<256x1xf32>
    %eq3A_403 = vector.broadcast %broadcast_in_dim3A_402 : vector<256x1xf32> to vector<256x8192xf32>
    %eq3A_404 = arith.cmpf oeq, %select_n3A_396, %eq3A_403 : vector<256x8192xf32>
    %jit3A_405 = arith.constant 1073741824 : i32
    %broadcast_in_dim3A_406 = vector.broadcast %jit3A_405 : i32 to vector<256x8192xi32>
    %select_n3A_407 = arith.select %eq3A_404, %iota3A, %broadcast_in_dim3A_406 : vector<256x8192xi1>, vector<256x8192xi32>
    %reduce_min3A_408 = arith.constant dense<2147483647> : vector<256xi32>
    %reduce_min3A_409 = vector.multi_reduction <minsi>, %select_n3A_407, %reduce_min3A_408 [1] : vector<256x8192xi32> to vector<256xi32>
    %broadcast_in_dim3A_410 = vector.shape_cast %reduce_min3A_409 : vector<256xi32> to vector<256x1xi32>
    %swap3A_411 = arith.constant 0 : index
    %swap3A_412 = arith.constant 0 : index
    %swap3A_413 = arith.constant 12 : index
    %swap3A_414 = vector.load %arg5[%swap3A_411, %swap3A_412, %swap3A_413] : memref<1x256x16xi32, #tpu.memory_space<vmem>>, vector<1x256x1xi32>
    %swap3A_415 = vector.shape_cast %swap3A_414 : vector<1x256x1xi32> to vector<256x1xi32>
    %swap3A_416 = vector.shape_cast %broadcast_in_dim3A_410 : vector<256x1xi32> to vector<1x256x1xi32>
    tpu.vector_store %arg5[%swap3A_411, %swap3A_412, %swap3A_413], %swap3A_416 {strides = array<i32>} : memref<1x256x16xi32, #tpu.memory_space<vmem>>, vector<1x256x1xi32>,
    %eq3A_417 = vector.broadcast %broadcast_in_dim3A_410 : vector<256x1xi32> to vector<256x8192xi32>
    %eq3A_418 = arith.cmpi eq, %iota3A, %eq3A_417 : vector<256x8192xi32>
    %get3A_419 = arith.constant 0 : index
    %get3A_420 = arith.constant 0 : index
    %get3A_421 = vector.load %arg7[%get3A_419, %get3A_420] : memref<256x8192xf32, #tpu.memory_space<vmem>>, vector<256x8192xf32>
    %jit3A_422 = arith.constant 1.000000e+30 : f32
    %broadcast_in_dim3A_423 = vector.broadcast %jit3A_422 : f32 to vector<256x8192xf32>
    %select_n3A_424 = arith.select %eq3A_418, %broadcast_in_dim3A_423, %get3A_421 : vector<256x8192xi1>, vector<256x8192xf32>
    %swap3A_425 = arith.constant 0 : index
    %swap3A_426 = arith.constant 0 : index
    %swap3A_427 = vector.load %arg7[%swap3A_425, %swap3A_426] : memref<256x8192xf32, #tpu.memory_space<vmem>>, vector<256x8192xf32>
    tpu.vector_store %arg7[%swap3A_425, %swap3A_426], %select_n3A_424 {strides = array<i32>} : memref<256x8192xf32, #tpu.memory_space<vmem>>, vector<256x8192xf32>,
    %reduce_min3A_428 = arith.constant dense<0x7F800000> : vector<256xf32>
    %reduce_min3A_429 = vector.multi_reduction <minimumf>, %select_n3A_424, %reduce_min3A_428 [1] : vector<256x8192xf32> to vector<256xf32>
    %broadcast_in_dim3A_430 = vector.shape_cast %reduce_min3A_429 : vector<256xf32> to vector<256x1xf32>
    %eq3A_431 = vector.broadcast %broadcast_in_dim3A_430 : vector<256x1xf32> to vector<256x8192xf32>
    %eq3A_432 = arith.cmpf oeq, %select_n3A_424, %eq3A_431 : vector<256x8192xf32>
    %jit3A_433 = arith.constant 1073741824 : i32
    %broadcast_in_dim3A_434 = vector.broadcast %jit3A_433 : i32 to vector<256x8192xi32>
    %select_n3A_435 = arith.select %eq3A_432, %iota3A, %broadcast_in_dim3A_434 : vector<256x8192xi1>, vector<256x8192xi32>
    %reduce_min3A_436 = arith.constant dense<2147483647> : vector<256xi32>
    %reduce_min3A_437 = vector.multi_reduction <minsi>, %select_n3A_435, %reduce_min3A_436 [1] : vector<256x8192xi32> to vector<256xi32>
    %broadcast_in_dim3A_438 = vector.shape_cast %reduce_min3A_437 : vector<256xi32> to vector<256x1xi32>
    %swap3A_439 = arith.constant 0 : index
    %swap3A_440 = arith.constant 0 : index
    %swap3A_441 = arith.constant 13 : index
    %swap3A_442 = vector.load %arg5[%swap3A_439, %swap3A_440, %swap3A_441] : memref<1x256x16xi32, #tpu.memory_space<vmem>>, vector<1x256x1xi32>
    %swap3A_443 = vector.shape_cast %swap3A_442 : vector<1x256x1xi32> to vector<256x1xi32>
    %swap3A_444 = vector.shape_cast %broadcast_in_dim3A_438 : vector<256x1xi32> to vector<1x256x1xi32>
    tpu.vector_store %arg5[%swap3A_439, %swap3A_440, %swap3A_441], %swap3A_444 {strides = array<i32>} : memref<1x256x16xi32, #tpu.memory_space<vmem>>, vector<1x256x1xi32>,
    %eq3A_445 = vector.broadcast %broadcast_in_dim3A_438 : vector<256x1xi32> to vector<256x8192xi32>
    %eq3A_446 = arith.cmpi eq, %iota3A, %eq3A_445 : vector<256x8192xi32>
    %get3A_447 = arith.constant 0 : index
    %get3A_448 = arith.constant 0 : index
    %get3A_449 = vector.load %arg7[%get3A_447, %get3A_448] : memref<256x8192xf32, #tpu.memory_space<vmem>>, vector<256x8192xf32>
    %jit3A_450 = arith.constant 1.000000e+30 : f32
    %broadcast_in_dim3A_451 = vector.broadcast %jit3A_450 : f32 to vector<256x8192xf32>
    %select_n3A_452 = arith.select %eq3A_446, %broadcast_in_dim3A_451, %get3A_449 : vector<256x8192xi1>, vector<256x8192xf32>
    %swap3A_453 = arith.constant 0 : index
    %swap3A_454 = arith.constant 0 : index
    %swap3A_455 = vector.load %arg7[%swap3A_453, %swap3A_454] : memref<256x8192xf32, #tpu.memory_space<vmem>>, vector<256x8192xf32>
    tpu.vector_store %arg7[%swap3A_453, %swap3A_454], %select_n3A_452 {strides = array<i32>} : memref<256x8192xf32, #tpu.memory_space<vmem>>, vector<256x8192xf32>,
    %reduce_min3A_456 = arith.constant dense<0x7F800000> : vector<256xf32>
    %reduce_min3A_457 = vector.multi_reduction <minimumf>, %select_n3A_452, %reduce_min3A_456 [1] : vector<256x8192xf32> to vector<256xf32>
    %broadcast_in_dim3A_458 = vector.shape_cast %reduce_min3A_457 : vector<256xf32> to vector<256x1xf32>
    %eq3A_459 = vector.broadcast %broadcast_in_dim3A_458 : vector<256x1xf32> to vector<256x8192xf32>
    %eq3A_460 = arith.cmpf oeq, %select_n3A_452, %eq3A_459 : vector<256x8192xf32>
    %jit3A_461 = arith.constant 1073741824 : i32
    %broadcast_in_dim3A_462 = vector.broadcast %jit3A_461 : i32 to vector<256x8192xi32>
    %select_n3A_463 = arith.select %eq3A_460, %iota3A, %broadcast_in_dim3A_462 : vector<256x8192xi1>, vector<256x8192xi32>
    %reduce_min3A_464 = arith.constant dense<2147483647> : vector<256xi32>
    %reduce_min3A_465 = vector.multi_reduction <minsi>, %select_n3A_463, %reduce_min3A_464 [1] : vector<256x8192xi32> to vector<256xi32>
    %broadcast_in_dim3A_466 = vector.shape_cast %reduce_min3A_465 : vector<256xi32> to vector<256x1xi32>
    %swap3A_467 = arith.constant 0 : index
    %swap3A_468 = arith.constant 0 : index
    %swap3A_469 = arith.constant 14 : index
    %swap3A_470 = vector.load %arg5[%swap3A_467, %swap3A_468, %swap3A_469] : memref<1x256x16xi32, #tpu.memory_space<vmem>>, vector<1x256x1xi32>
    %swap3A_471 = vector.shape_cast %swap3A_470 : vector<1x256x1xi32> to vector<256x1xi32>
    %swap3A_472 = vector.shape_cast %broadcast_in_dim3A_466 : vector<256x1xi32> to vector<1x256x1xi32>
    tpu.vector_store %arg5[%swap3A_467, %swap3A_468, %swap3A_469], %swap3A_472 {strides = array<i32>} : memref<1x256x16xi32, #tpu.memory_space<vmem>>, vector<1x256x1xi32>,
    %eq3A_473 = vector.broadcast %broadcast_in_dim3A_466 : vector<256x1xi32> to vector<256x8192xi32>
    %eq3A_474 = arith.cmpi eq, %iota3A, %eq3A_473 : vector<256x8192xi32>
    %get3A_475 = arith.constant 0 : index
    %get3A_476 = arith.constant 0 : index
    %get3A_477 = vector.load %arg7[%get3A_475, %get3A_476] : memref<256x8192xf32, #tpu.memory_space<vmem>>, vector<256x8192xf32>
    %jit3A_478 = arith.constant 1.000000e+30 : f32
    %broadcast_in_dim3A_479 = vector.broadcast %jit3A_478 : f32 to vector<256x8192xf32>
    %select_n3A_480 = arith.select %eq3A_474, %broadcast_in_dim3A_479, %get3A_477 : vector<256x8192xi1>, vector<256x8192xf32>
    %swap3A_481 = arith.constant 0 : index
    %swap3A_482 = arith.constant 0 : index
    %swap3A_483 = vector.load %arg7[%swap3A_481, %swap3A_482] : memref<256x8192xf32, #tpu.memory_space<vmem>>, vector<256x8192xf32>
    tpu.vector_store %arg7[%swap3A_481, %swap3A_482], %select_n3A_480 {strides = array<i32>} : memref<256x8192xf32, #tpu.memory_space<vmem>>, vector<256x8192xf32>,
    %reduce_min3A_484 = arith.constant dense<0x7F800000> : vector<256xf32>
    %reduce_min3A_485 = vector.multi_reduction <minimumf>, %select_n3A_480, %reduce_min3A_484 [1] : vector<256x8192xf32> to vector<256xf32>
    %broadcast_in_dim3A_486 = vector.shape_cast %reduce_min3A_485 : vector<256xf32> to vector<256x1xf32>
    %eq3A_487 = vector.broadcast %broadcast_in_dim3A_486 : vector<256x1xf32> to vector<256x8192xf32>
    %eq3A_488 = arith.cmpf oeq, %select_n3A_480, %eq3A_487 : vector<256x8192xf32>
    %jit3A_489 = arith.constant 1073741824 : i32
    %broadcast_in_dim3A_490 = vector.broadcast %jit3A_489 : i32 to vector<256x8192xi32>
    %select_n3A_491 = arith.select %eq3A_488, %iota3A, %broadcast_in_dim3A_490 : vector<256x8192xi1>, vector<256x8192xi32>
    %reduce_min3A_492 = arith.constant dense<2147483647> : vector<256xi32>
    %reduce_min3A_493 = vector.multi_reduction <minsi>, %select_n3A_491, %reduce_min3A_492 [1] : vector<256x8192xi32> to vector<256xi32>
    %broadcast_in_dim3A_494 = vector.shape_cast %reduce_min3A_493 : vector<256xi32> to vector<256x1xi32>
    %swap3A_495 = arith.constant 0 : index
    %swap3A_496 = arith.constant 0 : index
    %swap3A_497 = arith.constant 15 : index
    %swap3A_498 = vector.load %arg5[%swap3A_495, %swap3A_496, %swap3A_497] : memref<1x256x16xi32, #tpu.memory_space<vmem>>, vector<1x256x1xi32>
    %swap3A_499 = vector.shape_cast %swap3A_498 : vector<1x256x1xi32> to vector<256x1xi32>
    %swap3A_500 = vector.shape_cast %broadcast_in_dim3A_494 : vector<256x1xi32> to vector<1x256x1xi32>
    tpu.vector_store %arg5[%swap3A_495, %swap3A_496, %swap3A_497], %swap3A_500 {strides = array<i32>} : memref<1x256x16xi32, #tpu.memory_space<vmem>>, vector<1x256x1xi32>,
    %get3A_501 = arith.constant 0 : index
    %get3A_502 = arith.constant 0 : index
    %get3A_503 = vector.load %arg4[%get3A_501, %get3A_502] : memref<3x64xf32, #tpu.memory_space<vmem>>, vector<1x64xf32>
    %mul3A_504 = vector.broadcast %get3A_18 : vector<256x1xf32> to vector<256x64xf32>
    %mul3A_505 = vector.broadcast %get3A_503 : vector<1x64xf32> to vector<256x64xf32>
    %mul3A_506 = arith.mulf %mul3A_504, %mul3A_505 : vector<256x64xf32>
    %get3A_507 = arith.constant 1 : index
    %get3A_508 = arith.constant 0 : index
    %get3A_509 = vector.load %arg4[%get3A_507, %get3A_508] : memref<3x64xf32, #tpu.memory_space<vmem>>, vector<1x64xf32>
    %mul3A_510 = vector.broadcast %get3A_23 : vector<256x1xf32> to vector<256x64xf32>
    %mul3A_511 = vector.broadcast %get3A_509 : vector<1x64xf32> to vector<256x64xf32>
    %mul3A_512 = arith.mulf %mul3A_510, %mul3A_511 : vector<256x64xf32>
    %add3A_513 = arith.addf %mul3A_506, %mul3A_512 : vector<256x64xf32>
    %get3A_514 = arith.constant 2 : index
    %get3A_515 = arith.constant 0 : index
    %get3A_516 = vector.load %arg4[%get3A_514, %get3A_515] : memref<3x64xf32, #tpu.memory_space<vmem>>, vector<1x64xf32>
    %mul3A_517 = vector.broadcast %get3A_28 : vector<256x1xf32> to vector<256x64xf32>
    %mul3A_518 = vector.broadcast %get3A_516 : vector<1x64xf32> to vector<256x64xf32>
    %mul3A_519 = arith.mulf %mul3A_517, %mul3A_518 : vector<256x64xf32>
    %add3A_520 = arith.addf %add3A_513, %mul3A_519 : vector<256x64xf32>
    %swap3A_521 = arith.constant 0 : index
    %swap3A_522 = arith.constant 0 : index
    %swap3A_523 = arith.constant 0 : index
    %swap3A_524 = vector.load %arg6[%swap3A_521, %swap3A_522, %swap3A_523] : memref<1x256x64xf32, #tpu.memory_space<vmem>>, vector<1x256x64xf32>
    %swap3A_525 = vector.shape_cast %swap3A_524 : vector<1x256x64xf32> to vector<256x64xf32>
    %swap3A_526 = vector.shape_cast %add3A_520 : vector<256x64xf32> to vector<1x256x64xf32>
    tpu.vector_store %arg6[%swap3A_521, %swap3A_522, %swap3A_523], %swap3A_526 {strides = array<i32>} : memref<1x256x64xf32, #tpu.memory_space<vmem>>, vector<1x256x64xf32>,
    return
  }
  func.func @transform_0(%arg0: i32, %arg1: i32) -> (i32, i32, i32) {
    %c0_i32 = arith.constant 0 : i32
    %c0_i32_0 = arith.constant 0 : i32
    %c0_i32_1 = arith.constant 0 : i32
    return %arg0, %c0_i32, %c0_i32_0 : i32, i32, i32
  }
  func.func @transform_1(%arg0: i32, %arg1: i32) -> (i32, i32, i32) {
    %c0_i32 = arith.constant 0 : i32
    %c0_i32_0 = arith.constant 0 : i32
    return %arg0, %arg1, %c0_i32 : i32, i32, i32
  }
  func.func @transform_2(%arg0: i32, %arg1: i32) -> (i32, i32) {
    %c0_i32 = arith.constant 0 : i32
    %c0_i32_0 = arith.constant 0 : i32
    %c0_i32_1 = arith.constant 0 : i32
    return %c0_i32, %c0_i32_0 : i32, i32
  }
  func.func @transform_3(%arg0: i32, %arg1: i32) -> (i32, i32, i32) {
    %c0_i32 = arith.constant 0 : i32
    %c0_i32_0 = arith.constant 0 : i32
    return %arg0, %arg1, %c0_i32 : i32, i32, i32
  }
  func.func @transform_4(%arg0: i32, %arg1: i32) -> (i32, i32, i32) {
    %c0_i32 = arith.constant 0 : i32
    %c0_i32_0 = arith.constant 0 : i32
    return %arg0, %arg1, %c0_i32 : i32, i32, i32
  }
}

module attributes {stable_mosaic.version = 14 : i64} {
  func.func @_gmat_body(%arg0: i32, %arg1: i32, %arg2: memref<1x2048x64xf32, #tpu.memory_space<vmem>>, %arg3: memref<1x2048x3xf32, #tpu.memory_space<vmem>>, %arg4: memref<64x64xf32, #tpu.memory_space<vmem>>, %arg5: memref<3x64xf32, #tpu.memory_space<vmem>>, %arg6: memref<1x2048x128xf32, #tpu.memory_space<vmem>>) attributes {dimension_semantics = [#tpu.dimension_semantics<arbitrary>, #tpu.dimension_semantics<arbitrary>], iteration_bounds = array<i64: 4, 4>, scalar_prefetch = 0 : i64, scratch_operands = 0 : i64, tpu.core_type = #tpu.core_type<tc>, window_params = [{transform_indices = @transform_0, window_bounds = array<i64: 1, 2048, 64>}, {transform_indices = @transform_1, window_bounds = array<i64: 1, 2048, 3>}, {pipeline_mode = #tpu.pipeline_mode<synchronous>, transform_indices = @transform_2, window_bounds = array<i64: 64, 64>}, {pipeline_mode = #tpu.pipeline_mode<synchronous>, transform_indices = @transform_3, window_bounds = array<i64: 3, 64>}, {transform_indices = @transform_4, window_bounds = array<i64: 1, 2048, 128>}]} {
    %get3A = arith.constant 0 : index
    %get3A_0 = arith.constant 0 : index
    %get3A_1 = arith.constant 0 : index
    %get3A_2 = vector.load %arg2[%get3A, %get3A_0, %get3A_1] : memref<1x2048x64xf32, #tpu.memory_space<vmem>>, vector<1x2048x64xf32>
    %get3A_3 = vector.shape_cast %get3A_2 : vector<1x2048x64xf32> to vector<2048x64xf32>
    %get3A_4 = arith.constant 0 : index
    %get3A_5 = arith.constant 0 : index
    %get3A_6 = vector.load %arg4[%get3A_4, %get3A_5] : memref<64x64xf32, #tpu.memory_space<vmem>>, vector<64x64xf32>
    %dot_general3A = arith.constant dense<0.000000e+00> : vector<2048x64xf32>
    %dot_general3A_7 = tpu.matmul %get3A_3, %get3A_6, %dot_general3A {dimension_numbers = #tpu.dot_dimension_numbers<[1], [0], [0], [1], [0, 0, 1, 1], [], []>, precision = #tpu.contract_precision<fp32>, transpose_lhs_hint = false} : vector<2048x64xf32>, vector<64x64xf32>, vector<2048x64xf32> -> vector<2048x64xf32>
    %get3A_8 = arith.constant 0 : index
    %get3A_9 = arith.constant 0 : index
    %get3A_10 = arith.constant 0 : index
    %get3A_11 = vector.load %arg3[%get3A_8, %get3A_9, %get3A_10] : memref<1x2048x3xf32, #tpu.memory_space<vmem>>, vector<1x2048x3xf32>
    %get3A_12 = vector.shape_cast %get3A_11 : vector<1x2048x3xf32> to vector<2048x3xf32>
    %slice3A = vector.extract_strided_slice %get3A_12 {offsets = [0, 0], sizes = [2048, 1], strides = [1, 1]} : vector<2048x3xf32> to vector<2048x1xf32>
    %get3A_13 = arith.constant 0 : index
    %get3A_14 = arith.constant 0 : index
    %get3A_15 = arith.constant 0 : index
    %get3A_16 = vector.load %arg3[%get3A_13, %get3A_14, %get3A_15] : memref<1x2048x3xf32, #tpu.memory_space<vmem>>, vector<1x2048x3xf32>
    %get3A_17 = vector.shape_cast %get3A_16 : vector<1x2048x3xf32> to vector<2048x3xf32>
    %slice3A_18 = vector.extract_strided_slice %get3A_17 {offsets = [0, 1], sizes = [2048, 1], strides = [1, 1]} : vector<2048x3xf32> to vector<2048x1xf32>
    %get3A_19 = arith.constant 0 : index
    %get3A_20 = arith.constant 0 : index
    %get3A_21 = arith.constant 0 : index
    %get3A_22 = vector.load %arg3[%get3A_19, %get3A_20, %get3A_21] : memref<1x2048x3xf32, #tpu.memory_space<vmem>>, vector<1x2048x3xf32>
    %get3A_23 = vector.shape_cast %get3A_22 : vector<1x2048x3xf32> to vector<2048x3xf32>
    %slice3A_24 = vector.extract_strided_slice %get3A_23 {offsets = [0, 2], sizes = [2048, 1], strides = [1, 1]} : vector<2048x3xf32> to vector<2048x1xf32>
    %get3A_25 = arith.constant 0 : index
    %get3A_26 = arith.constant 0 : index
    %get3A_27 = vector.load %arg5[%get3A_25, %get3A_26] : memref<3x64xf32, #tpu.memory_space<vmem>>, vector<1x64xf32>
    %mul3A = vector.broadcast %slice3A : vector<2048x1xf32> to vector<2048x64xf32>
    %mul3A_28 = vector.broadcast %get3A_27 : vector<1x64xf32> to vector<2048x64xf32>
    %mul3A_29 = arith.mulf %mul3A, %mul3A_28 : vector<2048x64xf32>
    %get3A_30 = arith.constant 1 : index
    %get3A_31 = arith.constant 0 : index
    %get3A_32 = vector.load %arg5[%get3A_30, %get3A_31] : memref<3x64xf32, #tpu.memory_space<vmem>>, vector<1x64xf32>
    %mul3A_33 = vector.broadcast %slice3A_18 : vector<2048x1xf32> to vector<2048x64xf32>
    %mul3A_34 = vector.broadcast %get3A_32 : vector<1x64xf32> to vector<2048x64xf32>
    %mul3A_35 = arith.mulf %mul3A_33, %mul3A_34 : vector<2048x64xf32>
    %add3A = arith.addf %mul3A_29, %mul3A_35 : vector<2048x64xf32>
    %get3A_36 = arith.constant 2 : index
    %get3A_37 = arith.constant 0 : index
    %get3A_38 = vector.load %arg5[%get3A_36, %get3A_37] : memref<3x64xf32, #tpu.memory_space<vmem>>, vector<1x64xf32>
    %mul3A_39 = vector.broadcast %slice3A_24 : vector<2048x1xf32> to vector<2048x64xf32>
    %mul3A_40 = vector.broadcast %get3A_38 : vector<1x64xf32> to vector<2048x64xf32>
    %mul3A_41 = arith.mulf %mul3A_39, %mul3A_40 : vector<2048x64xf32>
    %add3A_42 = arith.addf %add3A, %mul3A_41 : vector<2048x64xf32>
    %add3A_43 = arith.addf %dot_general3A_7, %add3A_42 : vector<2048x64xf32>
    %get3A_44 = arith.constant 0 : index
    %get3A_45 = arith.constant 0 : index
    %get3A_46 = arith.constant 0 : index
    %get3A_47 = vector.load %arg3[%get3A_44, %get3A_45, %get3A_46] : memref<1x2048x3xf32, #tpu.memory_space<vmem>>, vector<1x2048x3xf32>
    %get3A_48 = vector.shape_cast %get3A_47 : vector<1x2048x3xf32> to vector<2048x3xf32>
    %broadcast_in_dim3A = arith.constant 0.000000e+00 : f32
    %broadcast_in_dim3A_49 = vector.broadcast %broadcast_in_dim3A : f32 to vector<2048x61xf32>
    %concatenate3A = tpu.concatenate %add3A_43, %get3A_48, %broadcast_in_dim3A_49 in 1 : vector<2048x64xf32>, vector<2048x3xf32>, vector<2048x61xf32> -> vector<2048x128xf32>
    %swap3A = arith.constant 0 : index
    %swap3A_50 = arith.constant 0 : index
    %swap3A_51 = arith.constant 0 : index
    %swap3A_52 = vector.load %arg6[%swap3A, %swap3A_50, %swap3A_51] : memref<1x2048x128xf32, #tpu.memory_space<vmem>>, vector<1x2048x128xf32>
    %swap3A_53 = vector.shape_cast %swap3A_52 : vector<1x2048x128xf32> to vector<2048x128xf32>
    %swap3A_54 = vector.shape_cast %concatenate3A : vector<2048x128xf32> to vector<1x2048x128xf32>
    tpu.vector_store %arg6[%swap3A, %swap3A_50, %swap3A_51], %swap3A_54 {strides = array<i32>} : memref<1x2048x128xf32, #tpu.memory_space<vmem>>, vector<1x2048x128xf32>,
    return
  }
  func.func @transform_0(%arg0: i32, %arg1: i32) -> (i32, i32, i32) {
    %c0_i32 = arith.constant 0 : i32
    %c0_i32_0 = arith.constant 0 : i32
    return %arg0, %arg1, %c0_i32 : i32, i32, i32
  }
  func.func @transform_1(%arg0: i32, %arg1: i32) -> (i32, i32, i32) {
    %c0_i32 = arith.constant 0 : i32
    %c0_i32_0 = arith.constant 0 : i32
    return %arg0, %arg1, %c0_i32 : i32, i32, i32
  }
  func.func @transform_2(%arg0: i32, %arg1: i32) -> (i32, i32) {
    %c0_i32 = arith.constant 0 : i32
    %c0_i32_0 = arith.constant 0 : i32
    %c0_i32_1 = arith.constant 0 : i32
    return %c0_i32, %c0_i32_0 : i32, i32
  }
  func.func @transform_3(%arg0: i32, %arg1: i32) -> (i32, i32) {
    %c0_i32 = arith.constant 0 : i32
    %c0_i32_0 = arith.constant 0 : i32
    %c0_i32_1 = arith.constant 0 : i32
    return %c0_i32, %c0_i32_0 : i32, i32
  }
  func.func @transform_4(%arg0: i32, %arg1: i32) -> (i32, i32, i32) {
    %c0_i32 = arith.constant 0 : i32
    %c0_i32_0 = arith.constant 0 : i32
    return %arg0, %arg1, %c0_i32 : i32, i32, i32
  }
}

module attributes {stable_mosaic.version = 14 : i64} {
  func.func @_pool_body(%arg0: i32, %arg1: i32, %arg2: memref<1x4096x128xf32, #tpu.memory_space<vmem>>, %arg3: memref<1x256x64xf32, #tpu.memory_space<vmem>>, %arg4: memref<1x256x64xf32, #tpu.memory_space<vmem>>, %arg5: memref<1x256x64xf32, #tpu.memory_space<vmem>>, %arg6: memref<2x64xf32, #tpu.memory_space<vmem>>) attributes {dimension_semantics = [#tpu.dimension_semantics<arbitrary>, #tpu.dimension_semantics<arbitrary>], iteration_bounds = array<i64: 4, 8>, scalar_prefetch = 0 : i64, scratch_operands = 0 : i64, tpu.core_type = #tpu.core_type<tc>, window_params = [{transform_indices = @transform_0, window_bounds = array<i64: 1, 4096, 128>}, {transform_indices = @transform_1, window_bounds = array<i64: 1, 256, 64>}, {transform_indices = @transform_2, window_bounds = array<i64: 1, 256, 64>}, {transform_indices = @transform_3, window_bounds = array<i64: 1, 256, 64>}, {pipeline_mode = #tpu.pipeline_mode<synchronous>, transform_indices = @transform_4, window_bounds = array<i64: 2, 64>}]} {
    %eq3A = arith.constant 0 : i32
    %eq3A_0 = arith.cmpi eq, %arg0, %eq3A : i32
    %eq3A_1 = arith.constant 0 : i32
    %eq3A_2 = arith.cmpi eq, %arg1, %eq3A_1 : i32
    %and3A = arith.andi %eq3A_0, %eq3A_2 : i1
    %get3A = arith.constant 0 : index
    %get3A_3 = arith.constant 0 : index
    %get3A_4 = arith.constant 0 : index
    %get3A_5 = vector.load %arg2[%get3A, %get3A_3, %get3A_4] : memref<1x4096x128xf32, #tpu.memory_space<vmem>>, vector<1x4096x128xf32>
    %get3A_6 = vector.shape_cast %get3A_5 : vector<1x4096x128xf32> to vector<4096x128xf32>
    %reshape3A = vector.shape_cast %get3A_6 : vector<4096x128xf32> to vector<256x16x128xf32>
    %slice3A = vector.extract_strided_slice %reshape3A {offsets = [0, 0, 0], sizes = [256, 16, 64], strides = [1, 1, 1]} : vector<256x16x128xf32> to vector<256x16x64xf32>
    %get3A_7 = arith.constant 0 : index
    %get3A_8 = arith.constant 0 : index
    %get3A_9 = arith.constant 0 : index
    %get3A_10 = vector.load %arg3[%get3A_7, %get3A_8, %get3A_9] : memref<1x256x64xf32, #tpu.memory_space<vmem>>, vector<1x256x64xf32>
    %get3A_11 = vector.shape_cast %get3A_10 : vector<1x256x64xf32> to vector<256x64xf32>
    %broadcast_in_dim3A = vector.shape_cast %get3A_11 : vector<256x64xf32> to vector<256x1x64xf32>
    %sub3A = vector.broadcast %broadcast_in_dim3A : vector<256x1x64xf32> to vector<256x16x64xf32>
    %sub3A_12 = arith.subf %slice3A, %sub3A : vector<256x16x64xf32>
    %reduce_max3A = arith.constant dense<0xFF800000> : vector<256x64xf32>
    %reduce_max3A_13 = vector.multi_reduction <maximumf>, %sub3A_12, %reduce_max3A [1] : vector<256x16x64xf32> to vector<256x64xf32>
    %swap3A = arith.constant 0 : index
    %swap3A_14 = arith.constant 0 : index
    %swap3A_15 = arith.constant 0 : index
    %swap3A_16 = vector.load %arg4[%swap3A, %swap3A_14, %swap3A_15] : memref<1x256x64xf32, #tpu.memory_space<vmem>>, vector<1x256x64xf32>
    %swap3A_17 = vector.shape_cast %swap3A_16 : vector<1x256x64xf32> to vector<256x64xf32>
    %swap3A_18 = vector.shape_cast %reduce_max3A_13 : vector<256x64xf32> to vector<1x256x64xf32>
    tpu.vector_store %arg4[%swap3A, %swap3A_14, %swap3A_15], %swap3A_18 {strides = array<i32>} : memref<1x256x64xf32, #tpu.memory_space<vmem>>, vector<1x256x64xf32>,
    %reduce_min3A = arith.constant dense<0x7F800000> : vector<256x64xf32>
    %reduce_min3A_19 = vector.multi_reduction <minimumf>, %sub3A_12, %reduce_min3A [1] : vector<256x16x64xf32> to vector<256x64xf32>
    %swap3A_20 = arith.constant 0 : index
    %swap3A_21 = arith.constant 0 : index
    %swap3A_22 = arith.constant 0 : index
    %swap3A_23 = vector.load %arg5[%swap3A_20, %swap3A_21, %swap3A_22] : memref<1x256x64xf32, #tpu.memory_space<vmem>>, vector<1x256x64xf32>
    %swap3A_24 = vector.shape_cast %swap3A_23 : vector<1x256x64xf32> to vector<256x64xf32>
    %swap3A_25 = vector.shape_cast %reduce_min3A_19 : vector<256x64xf32> to vector<1x256x64xf32>
    tpu.vector_store %arg5[%swap3A_20, %swap3A_21, %swap3A_22], %swap3A_25 {strides = array<i32>} : memref<1x256x64xf32, #tpu.memory_space<vmem>>, vector<1x256x64xf32>,
    %reduce_sum3A = arith.constant dense<0.000000e+00> : vector<64xf32>
    %reduce_sum3A_26 = vector.multi_reduction <add>, %sub3A_12, %reduce_sum3A [0, 1] : vector<256x16x64xf32> to vector<64xf32>
    %mul3A = arith.mulf %sub3A_12, %sub3A_12 : vector<256x16x64xf32>
    %reduce_sum3A_27 = arith.constant dense<0.000000e+00> : vector<64xf32>
    %reduce_sum3A_28 = vector.multi_reduction <add>, %mul3A, %reduce_sum3A_27 [0, 1] : vector<256x16x64xf32> to vector<64xf32>
    %broadcast_in_dim3A_29 = vector.shape_cast %reduce_sum3A_26 : vector<64xf32> to vector<1x64xf32>
    %broadcast_in_dim3A_30 = vector.shape_cast %reduce_sum3A_28 : vector<64xf32> to vector<1x64xf32>
    %concatenate3A = tpu.concatenate %broadcast_in_dim3A_29, %broadcast_in_dim3A_30 in 0 : vector<1x64xf32>, vector<1x64xf32> -> vector<2x64xf32>
    %get3A_31 = arith.constant 0 : index
    %get3A_32 = arith.constant 0 : index
    %get3A_33 = vector.load %arg6[%get3A_31, %get3A_32] : memref<2x64xf32, #tpu.memory_space<vmem>>, vector<2x64xf32>
    %add3A = arith.addf %get3A_33, %concatenate3A : vector<2x64xf32>
    %select_n3A = arith.select %and3A, %concatenate3A, %add3A : vector<2x64xf32>
    %swap3A_34 = arith.constant 0 : index
    %swap3A_35 = arith.constant 0 : index
    %swap3A_36 = vector.load %arg6[%swap3A_34, %swap3A_35] : memref<2x64xf32, #tpu.memory_space<vmem>>, vector<2x64xf32>
    tpu.vector_store %arg6[%swap3A_34, %swap3A_35], %select_n3A {strides = array<i32>} : memref<2x64xf32, #tpu.memory_space<vmem>>, vector<2x64xf32>,
    return
  }
  func.func @transform_0(%arg0: i32, %arg1: i32) -> (i32, i32, i32) {
    %c0_i32 = arith.constant 0 : i32
    %c0_i32_0 = arith.constant 0 : i32
    return %arg0, %arg1, %c0_i32 : i32, i32, i32
  }
  func.func @transform_1(%arg0: i32, %arg1: i32) -> (i32, i32, i32) {
    %c0_i32 = arith.constant 0 : i32
    %c0_i32_0 = arith.constant 0 : i32
    return %arg0, %arg1, %c0_i32 : i32, i32, i32
  }
  func.func @transform_2(%arg0: i32, %arg1: i32) -> (i32, i32, i32) {
    %c0_i32 = arith.constant 0 : i32
    %c0_i32_0 = arith.constant 0 : i32
    return %arg0, %arg1, %c0_i32 : i32, i32, i32
  }
  func.func @transform_3(%arg0: i32, %arg1: i32) -> (i32, i32, i32) {
    %c0_i32 = arith.constant 0 : i32
    %c0_i32_0 = arith.constant 0 : i32
    return %arg0, %arg1, %c0_i32 : i32, i32, i32
  }
  func.func @transform_4(%arg0: i32, %arg1: i32) -> (i32, i32) {
    %c0_i32 = arith.constant 0 : i32
    %c0_i32_0 = arith.constant 0 : i32
    %c0_i32_1 = arith.constant 0 : i32
    return %c0_i32, %c0_i32_0 : i32, i32
  }
}

module attributes {stable_mosaic.version = 14 : i64} {
  func.func @_bn_body(%arg0: i32, %arg1: i32, %arg2: memref<2x64xf32, #tpu.memory_space<vmem>>, %arg3: memref<1x64xf32, #tpu.memory_space<vmem>>, %arg4: memref<1x64xf32, #tpu.memory_space<vmem>>, %arg5: memref<1x256x64xf32, #tpu.memory_space<vmem>>, %arg6: memref<1x256x64xf32, #tpu.memory_space<vmem>>, %arg7: memref<1x256x64xf32, #tpu.memory_space<vmem>>) attributes {dimension_semantics = [#tpu.dimension_semantics<arbitrary>, #tpu.dimension_semantics<arbitrary>], iteration_bounds = array<i64: 4, 8>, scalar_prefetch = 0 : i64, scratch_operands = 0 : i64, tpu.core_type = #tpu.core_type<tc>, window_params = [{pipeline_mode = #tpu.pipeline_mode<synchronous>, transform_indices = @transform_0, window_bounds = array<i64: 2, 64>}, {pipeline_mode = #tpu.pipeline_mode<synchronous>, transform_indices = @transform_1, window_bounds = array<i64: 1, 64>}, {pipeline_mode = #tpu.pipeline_mode<synchronous>, transform_indices = @transform_2, window_bounds = array<i64: 1, 64>}, {transform_indices = @transform_3, window_bounds = array<i64: 1, 256, 64>}, {transform_indices = @transform_4, window_bounds = array<i64: 1, 256, 64>}, {transform_indices = @transform_5, window_bounds = array<i64: 1, 256, 64>}]} {
    %get3A = arith.constant 0 : index
    %get3A_0 = arith.constant 0 : index
    %get3A_1 = vector.load %arg2[%get3A, %get3A_0] : memref<2x64xf32, #tpu.memory_space<vmem>>, vector<1x64xf32>
    %div3A = arith.constant 1.310720e+05 : f32
    %div3A_2 = vector.broadcast %div3A : f32 to vector<1x64xf32>
    %div3A_3 = arith.divf %get3A_1, %div3A_2 : vector<1x64xf32>
    %get3A_4 = arith.constant 1 : index
    %get3A_5 = arith.constant 0 : index
    %get3A_6 = vector.load %arg2[%get3A_4, %get3A_5] : memref<2x64xf32, #tpu.memory_space<vmem>>, vector<1x64xf32>
    %div3A_7 = arith.constant 1.310720e+05 : f32
    %div3A_8 = vector.broadcast %div3A_7 : f32 to vector<1x64xf32>
    %div3A_9 = arith.divf %get3A_6, %div3A_8 : vector<1x64xf32>
    %mul3A = arith.mulf %div3A_3, %div3A_3 : vector<1x64xf32>
    %sub3A = arith.subf %div3A_9, %mul3A : vector<1x64xf32>
    %add3A = arith.constant 9.99999974E-6 : f32
    %add3A_10 = vector.broadcast %add3A : f32 to vector<1x64xf32>
    %add3A_11 = arith.addf %sub3A, %add3A_10 : vector<1x64xf32>
    %sqrt3A = math.sqrt %add3A_11 : vector<1x64xf32>
    %get3A_12 = arith.constant 0 : index
    %get3A_13 = arith.constant 0 : index
    %get3A_14 = vector.load %arg3[%get3A_12, %get3A_13] : memref<1x64xf32, #tpu.memory_space<vmem>>, vector<1x64xf32>
    %ge3A = arith.constant 0.000000e+00 : f32
    %ge3A_15 = vector.broadcast %ge3A : f32 to vector<1x64xf32>
    %ge3A_16 = arith.cmpf oge, %get3A_14, %ge3A_15 : vector<1x64xf32>
    %get3A_17 = arith.constant 0 : index
    %get3A_18 = arith.constant 0 : index
    %get3A_19 = arith.constant 0 : index
    %get3A_20 = vector.load %arg5[%get3A_17, %get3A_18, %get3A_19] : memref<1x256x64xf32, #tpu.memory_space<vmem>>, vector<1x256x64xf32>
    %get3A_21 = vector.shape_cast %get3A_20 : vector<1x256x64xf32> to vector<256x64xf32>
    %get3A_22 = arith.constant 0 : index
    %get3A_23 = arith.constant 0 : index
    %get3A_24 = arith.constant 0 : index
    %get3A_25 = vector.load %arg6[%get3A_22, %get3A_23, %get3A_24] : memref<1x256x64xf32, #tpu.memory_space<vmem>>, vector<1x256x64xf32>
    %get3A_26 = vector.shape_cast %get3A_25 : vector<1x256x64xf32> to vector<256x64xf32>
    %broadcast_in_dim3A = vector.shape_cast %ge3A_16 : vector<1x64xi1> to vector<1x64xi1>
    %broadcast_in_dim3A_27 = vector.broadcast %broadcast_in_dim3A : vector<1x64xi1> to vector<256x64xi1>
    %select_n3A = arith.select %broadcast_in_dim3A_27, %get3A_21, %get3A_26 : vector<256x64xi1>, vector<256x64xf32>
    %sub3A_28 = vector.broadcast %div3A_3 : vector<1x64xf32> to vector<256x64xf32>
    %sub3A_29 = arith.subf %select_n3A, %sub3A_28 : vector<256x64xf32>
    %div3A_30 = vector.broadcast %sqrt3A : vector<1x64xf32> to vector<256x64xf32>
    %div3A_31 = arith.divf %sub3A_29, %div3A_30 : vector<256x64xf32>
    %mul3A_32 = vector.broadcast %get3A_14 : vector<1x64xf32> to vector<256x64xf32>
    %mul3A_33 = arith.mulf %div3A_31, %mul3A_32 : vector<256x64xf32>
    %get3A_34 = arith.constant 0 : index
    %get3A_35 = arith.constant 0 : index
    %get3A_36 = vector.load %arg4[%get3A_34, %get3A_35] : memref<1x64xf32, #tpu.memory_space<vmem>>, vector<1x64xf32>
    %add3A_37 = vector.broadcast %get3A_36 : vector<1x64xf32> to vector<256x64xf32>
    %add3A_38 = arith.addf %mul3A_33, %add3A_37 : vector<256x64xf32>
    %max3A = arith.constant 0.000000e+00 : f32
    %max3A_39 = vector.broadcast %max3A : f32 to vector<256x64xf32>
    %max3A_40 = arith.maximumf %add3A_38, %max3A_39 : vector<256x64xf32>
    %swap3A = arith.constant 0 : index
    %swap3A_41 = arith.constant 0 : index
    %swap3A_42 = arith.constant 0 : index
    %swap3A_43 = vector.load %arg7[%swap3A, %swap3A_41, %swap3A_42] : memref<1x256x64xf32, #tpu.memory_space<vmem>>, vector<1x256x64xf32>
    %swap3A_44 = vector.shape_cast %swap3A_43 : vector<1x256x64xf32> to vector<256x64xf32>
    %swap3A_45 = vector.shape_cast %max3A_40 : vector<256x64xf32> to vector<1x256x64xf32>
    tpu.vector_store %arg7[%swap3A, %swap3A_41, %swap3A_42], %swap3A_45 {strides = array<i32>} : memref<1x256x64xf32, #tpu.memory_space<vmem>>, vector<1x256x64xf32>,
    return
  }
  func.func @transform_0(%arg0: i32, %arg1: i32) -> (i32, i32) {
    %c0_i32 = arith.constant 0 : i32
    %c0_i32_0 = arith.constant 0 : i32
    %c0_i32_1 = arith.constant 0 : i32
    return %c0_i32, %c0_i32_0 : i32, i32
  }
  func.func @transform_1(%arg0: i32, %arg1: i32) -> (i32, i32) {
    %c0_i32 = arith.constant 0 : i32
    %c0_i32_0 = arith.constant 0 : i32
    %c0_i32_1 = arith.constant 0 : i32
    return %c0_i32, %c0_i32_0 : i32, i32
  }
  func.func @transform_2(%arg0: i32, %arg1: i32) -> (i32, i32) {
    %c0_i32 = arith.constant 0 : i32
    %c0_i32_0 = arith.constant 0 : i32
    %c0_i32_1 = arith.constant 0 : i32
    return %c0_i32, %c0_i32_0 : i32, i32
  }
  func.func @transform_3(%arg0: i32, %arg1: i32) -> (i32, i32, i32) {
    %c0_i32 = arith.constant 0 : i32
    %c0_i32_0 = arith.constant 0 : i32
    return %arg0, %arg1, %c0_i32 : i32, i32, i32
  }
  func.func @transform_4(%arg0: i32, %arg1: i32) -> (i32, i32, i32) {
    %c0_i32 = arith.constant 0 : i32
    %c0_i32_0 = arith.constant 0 : i32
    return %arg0, %arg1, %c0_i32 : i32, i32, i32
  }
  func.func @transform_5(%arg0: i32, %arg1: i32) -> (i32, i32, i32) {
    %c0_i32 = arith.constant 0 : i32
    %c0_i32_0 = arith.constant 0 : i32
    return %arg0, %arg1, %c0_i32 : i32, i32, i32
  }
}

</mosaic_0001>

<sc_bundles>
// kernel: kernel.8.cloned.1.call-start
scs
__scs_entry_jumppad:
0x0: {  	(pc) =	sbr.rel $0x88, $3  }
0x1: {  	(tag) =	ssettag $0x0;
	lr =	simm.s32 $0x1  }
0x2: {  	[smem:$0x3F9C] =	sst lr;
	_ =	strace $0xD0000000  }
0x3: {  	_ = 	snop  }
0x4: {  	_ = 	snop  }
0x5: {  	_ = 	snop  }
0x6: {  	_ = 	snop  }
0x7: {  	_ = 	snop  }
__scs_overlays_trampoline_lowered:
0x8: {  	[smem:$0x3FAB] =	sst s0  }
0x9: {  	[smem:$0x3FAC] =	sst s1  }
0xa: {  	[smem:$0x3FAD] =	sst s2  }
0xb: {  	[smem:$0x3FAE] =	sst s3  }
0xc: {  	[smem:$0x3FAF] =	sst s4  }
0xd: {  	[smem:$0x3FB0] =	sst s5  }
0xe: {  	[smem:$0x3FB1] =	sst s6  }
0xf: {  	[smem:$0x3FB2] =	sst s7  }
0x10: {  	[smem:$0x3FB3] =	sst s8  }
0x11: {  	[smem:$0x3FB4] =	sst s9;
	s0 =	simm.s32 @!p0 $0x0  }
0x12: {  	s1 =	sld [smem:$0x3F9A];
	s0 =	simm.s32 @p0 $0x1  }
0x13: {  	[smem:$0x3FB5] =	sst s0;
	s0 =	simm.s32 @!p1 $0x0  }
0x14: {  	s2 =	sld [smem:$0x3F99];
	s0 =	simm.s32 @p1 $0x1  }
0x15: {  	[smem:$0x3FB6] =	sst s0;
	s0 =	simm.s32 @!p2 $0x0  }
0x16: {  	s3 =	sld [smem:$0x3FDB];
	s0 =	simm.s32 @p2 $0x1  }
0x17: {  	s4 =	simm.s32 $0x1BF5;
	[smem:$0x3FB8] =	sst s0  }
0x18: {  	s0 =	sld [smem:$0x3F9B];
	_ =	swait.ge [sflag:s4], $0x0  }
0x19: {  	s7 =	sld [smem:$0x3F9C]  }
0x1a: {  	s8 =	sadd.s32 $0xFFFFE003, lr  }
0x1b: {  	s9 =	sadd.s32 $0xFFFFFEF7, lr;
	s5 =	simm.s32 $0xFFFFFFFF;
	p2 =	slt.u32 s8, $0xFFFFF086  }
0x1c: {  	p1 =	slt.u32 s9, $0xF7A;
	s5 =	simm.s32 @!p2 $0x0  }
0x1d: {  	s5 =	simm.s32 @p1 $0x1;
	p0 =	seq.s32 s7, s2  }
0x1e: {  	s7 =	smul.u32 @!p0 $0xF7A, s2;
	p2 =	seq.s32 @!p0 s5, $0x0  }
0x1f: {  	s9 =	smul.u32 $0xF7A, s1;
	s8 =	simm.s32 @!p0 $0x1BF5;
	p2 =	por !p2, p0  }
0x20: {  	[sflag:s8] =	ssyncset.s32 @!p0 $0xFFFFF086;
	s6 =	sadd.s32 @!p0 s3, s7;
	s7 =	simm.s32 @!p0 $0x108  }
0x21: {  	s3 =	sadd.s32 s3, s9;
	s6 =	sadd.s32 @!p0 $0x88, s6;
	s7 =	simm.s32 @p2 $0x1082  }
0x22: {  	[simem:s7], [sflag:s8] =	dma.local @!p0 [hbm:s6], $0xF7A  }
0x23: {  	s9 =	sor.u32 $0xD0000000, s2;
	s6 =	simm.s32 $0x108;
	_ =	swait.ge @!p0 [sflag:s8], $0x0  }
0x24: {  	s3 =	sadd.s32 $0x88, s3;
	s6 =	simm.s32 @!p1 $0x1082;
	[sflag:s4] =	ssyncset.s32 $0xFFFFF086  }
0x25: {  	[simem:s6], [sflag:s4] =	dma.local [hbm:s3], $0xF7A  }
0x26: {  	[smem:$0x3F9C] =	sst s1;
	(tag) =	ssettag s2;
	_ =	strace s9  }
0x27: {  	s1 =	sld [smem:$0x3FAC]  }
0x28: {  	s2 =	sld [smem:$0x3FAD]  }
0x29: {  	s4 =	sld [smem:$0x3FAF]  }
0x2a: {  	p0 =	seq.s32 s5, $0x0;
	s5 =	sld [smem:$0x3FB0]  }
0x2b: {  	s6 =	sld [smem:$0x3FB1]  }
0x2c: {  	s7 =	sld [smem:$0x3FB2]  }
0x2d: {  	s3 =	simm.s32 $0x108;
	s8 =	sld [smem:$0x3FB3]  }
0x2e: {  	s3 =	simm.s32 @!p0 $0x1082;
	s9 =	sld [smem:$0x3FB4]  }
0x2f: {  	lr =	sadd.s32 s0, s3;
	s0 =	sld [smem:$0x3FAB]  }
0x30: {  	s3 =	sld [smem:$0x3FAE]  }
0x31: {  	[smem:$0x3FB7] =	sst s10  }
0x32: {  	s10 =	sld [smem:$0x3FB5];
	_ =	sdelay $0x3  }
0x33: {  	p0 =	seq.s32 s10, $0x1;
	s10 =	sld [smem:$0x3FB7];
	_ =	sdelay $0x3  }
0x34: {  	[smem:$0x3FB7] =	sst s10  }
0x35: {  	s10 =	sld [smem:$0x3FB6];
	_ =	sdelay $0x3  }
0x36: {  	p1 =	seq.s32 s10, $0x1;
	s10 =	sld [smem:$0x3FB7];
	_ =	sdelay $0x3  }
0x37: {  	[smem:$0x3FB7] =	sst s10  }
0x38: {  	s10 =	sld [smem:$0x3FB8]  }
0x39: {  	_ = 	snop;
	(pc) =	sbr.ind lr, $3  }
0x3a: {  	_ = 	snop  }
0x3b: {  	_ = 	snop  }
0x3c: {  	p2 =	seq.s32 s10, $0x1;
	s10 =	sld [smem:$0x3FB7]  }
0x3d: {  	_ =	shalt  }
0x3e: {  	_ =	shalt  }
0x3f: {  	_ =	shalt  }
0x40: {  	_ =	shalt  }
0x41: {  	_ =	shalt  }
0x42: {  	_ =	shalt  }
0x43: {  	_ =	shalt  }
0x44: {  	_ =	shalt  }
0x45: {  	_ =	shalt  }
0x46: {  	_ =	shalt  }
0x47: {  	_ =	shalt  }
0x48: {  	_ =	shalt  }
0x49: {  	_ =	shalt  }
0x4a: {  	_ =	shalt  }
0x4b: {  	_ =	shalt  }
0x4c: {  	_ =	shalt  }
0x4d: {  	_ =	shalt  }
0x4e: {  	_ =	shalt  }
0x4f: {  	_ =	shalt  }
0x50: {  	_ =	shalt  }
0x51: {  	_ =	shalt  }
0x52: {  	_ =	shalt  }
0x53: {  	_ =	shalt  }
0x54: {  	_ =	shalt  }
0x55: {  	_ =	shalt  }
0x56: {  	_ =	shalt  }
0x57: {  	_ =	shalt  }
0x58: {  	_ =	shalt  }
0x59: {  	_ =	shalt  }
0x5a: {  	_ =	shalt  }
0x5b: {  	_ =	shalt  }
0x5c: {  	_ =	shalt  }
0x5d: {  	_ =	shalt  }
0x5e: {  	_ =	shalt  }
0x5f: {  	_ =	shalt  }
0x60: {  	_ =	shalt  }
0x61: {  	_ =	shalt  }
0x62: {  	_ =	shalt  }
0x63: {  	_ =	shalt  }
0x64: {  	_ =	shalt  }
0x65: {  	_ =	shalt  }
0x66: {  	_ =	shalt  }
0x67: {  	_ =	shalt  }
0x68: {  	_ =	shalt  }
0x69: {  	_ =	shalt  }
0x6a: {  	_ =	shalt  }
0x6b: {  	_ =	shalt  }
0x6c: {  	_ =	shalt  }
0x6d: {  	_ =	shalt  }
0x6e: {  	_ =	shalt  }
0x6f: {  	_ =	shalt  }
0x70: {  	_ =	shalt  }
0x71: {  	_ =	shalt  }
0x72: {  	_ =	shalt  }
0x73: {  	_ =	shalt  }
0x74: {  	_ =	shalt  }
0x75: {  	_ =	shalt  }
0x76: {  	_ =	shalt  }
0x77: {  	_ =	shalt  }
0x78: {  	_ =	shalt  }
0x79: {  	_ =	shalt  }
0x7a: {  	_ =	shalt  }
0x7b: {  	_ =	shalt  }
0x7c: {  	_ =	shalt  }
0x7d: {  	_ =	shalt  }
0x7e: {  	_ =	shalt  }
0x7f: {  	_ =	shalt  }
0x80: {  	_ =	shalt  }
0x81: {  	_ =	shalt  }
0x82: {  	_ =	shalt  }
0x83: {  	_ =	shalt  }
0x84: {  	_ =	shalt  }
0x85: {  	_ =	shalt  }
0x86: {  	_ =	shalt  }
0x87: {  	_ =	shalt  }
.Lfunc_end0:
.L_simem_size_0:
called_computation_lowered:
.L_overlay_start_0:
0x88: {  	s2 =	sld [smem:$0x3FD9]  }
0x89: {  	s3 =	sld [smem:$0x3FFE];
	_ =	sdelay $0x1  }
0x8a: {  	s1 =	srdreg.scid  }
0x8b: {  	s0 =	sand.u32 $0x1, s1  }
0x8c: {  	s14 =	sshll.u32 s0, $0xA;
	s2 =	sadd.s32 s3, s2  }
0x8d: {  	s2 =	sadd.s32 s2, s14  }
0x8e: {  	[smem:$0x3FC3] =	sst s2  }
0x8f: {  	_ = 	snop  }
0x90: {  	s2 =	sld [smem:$0x3FD0];
	_ =	sdelay $0x2  }
0x91: {  	s15 =	simm.s32 $0xA;
	s4 =	simm.s32 $0x10  }
0x92: {  	[smem:s4], [sflag:s15] =	dma.local [hbm:s2], $0x1  }
0x93: {  	_ =	swait.eq [sflag:s15], $0x1  }
0x94: {  	[sflag:s15] =	ssyncset.done $0x0  }
0x95: {  	[sflag:s15] =	ssyncadd.s32 $0xFFFFFFFF  }
0x96: {  	s16 =	sld [smem:$0x11];
	(tm) =	ssettm $0x1  }
0x97: {  	s17 =	sld [smem:$0x3FFB];
	_ =	sdelay $0x3  }
0x98: {  	_ =	strace s17  }
0x99: {  	s3 =	sld [smem:$0x3FFC];
	_ =	sdelay $0x3  }
0x9a: {  	_ =	strace s3  }
0x9b: {  	s3 =	sld [smem:$0x3FFD];
	_ =	sdelay $0x3  }
0x9c: {  	_ =	strace s3  }
0x9d: {  	_ =	strace $0x8FFFFFFF  }
0x9e: {  	s18 =	sld [smem:$0x3FDB];
	_ =	sdelay $0x1  }
0x9f: {  	s19 =	simm.s32 $_scs_section_size  }
0xa0: {  	s5 =	simm.s32 $_size__tile_overlayer_lowered;
	s6 =	simm.s32 $_tile_overlayer_lowered  }
0xa1: {  	s22 =	simm.s32 $0x1BFF;
	s21 =	sshll.u32 s6, $0x1;
	s3 =	sadd.s32 s19, s18  }
0xa2: {  	s7 =	simm.s32 $0x0;
	s20 =	sshll.u32 s5, $0x1;
	s5 =	sadd.s32 s21, s3  }
0xa3: {  	[timem:s7], [sflag:s22] =	dma.local [hbm:s5], s20  }
0xa4: {  	_ =	swait.ge [sflag:s22], s20  }
0xa5: {  	s4 =	ssub.s32 $0x0, s20;
	[sflag:s22] =	ssyncset.done $0x0  }
0xa6: {  	[sflag:s22] =	ssyncadd.s32 s4;
	_ =	sdelay $0x1  }
0xa7: {  	s23 =	simm.s32 $0x1B8B  }
0xa8: {  	_ =	swait.ge [sflag:s23], $0x1  }
0xa9: {  	[sflag:s23] =	ssyncset.done $0x0  }
0xaa: {  	s25 =	simm.s32 $0x1B8E;
	s24 =	sld [smem:$0x3FFE];
	[sflag:s23] =	ssyncadd.s32 $0xFFFFFFFF  }
0xab: {  	s26 =	simm.s32 $execute0_lowered;
	[smem:$0x3FD2] =	sst s25  }
0xac: {  	s5 =	sshll.u32 s26, $0x1;
	_ =	strace $0x80000046;
	[dreg:$0x1] =	wrdreg $0xFFFFFFFF  }
0xad: {  	s28 =	simm.s32 $_size_execute0_lowered;
	s3 =	sadd.s32 s3, s5;
	[dreg:$0x0] =	wrdreg $0x0  }
0xae: {  	s5 =	sshll.u32 s28, $0x1;
	[dreg:$0x2] =	wrdreg s3  }
0xaf: {  	[dreg:$0x3] =	wrdreg s5  }
0xb0: {  	[dreg:$0x4] =	wrdreg $0xC0  }
0xb1: {  	_ =	task [dreg:s7], $0x5FFFF  }
0xb2: {  	[dreg:$0x1] =	wrdreg $0xFFFFFFFF  }
0xb3: {  	[dreg:$0x0] =	wrdreg $0x60  }
0xb4: {  	[dreg:$0x2] =	wrdreg s24  }
0xb5: {  	[dreg:$0x3] =	wrdreg s16  }
0xb6: {  	[dreg:$0x4] =	wrdreg $0x9  }
0xb7: {  	_ =	task.clear_ibuf [dreg:s7], $0x5FFFF;
	_ =	strace $0x90000046  }
0xb8: {  	s29 =	simm.s32 $0x9;
	_ =	strace $0x80000048  }
0xb9: {  	_ =	swait.ge [sflag:s29], $0x1  }
0xba: {  	[sflag:s29] =	ssyncadd.s32 $0xFFFFFFFF  }
0xbb: {  	_ =	strace $0x90000048  }
0xbc: {  	_ =	sfence  }
0xbd: {  	s30 =	sld [smem:$0x0];
	_ =	sdelay $0x2  }
0xbe: {  	s31 =	sshll.u32 s1, $0xD;
	s1 =	sshrl.u32 s1, $0x2  }
0xbf: {  	s3 =	sand.u32 $0x4000, s31;
	s1 =	sadd.s32 s1, s30  }
0xc0: {  	s0 =	sor.u32 s3, s0;
	s1 =	sshll.u32 s1, $0x11  }
0xc1: {  	s0 =	sor.u32 s1, s0  }
0xc2: {  	s0 =	sadd.s32 $0x8F2B, s0  }
0xc3: {  	[sflag:s0] =	ssyncadd.remote.s32 $0x1  }
0xc4: {  	_ =	sfence.sel $0xFFFF  }
0xc5: {  	[dreg:$0x0] =	wrdreg $0xFFFFFFFF;
	(pc) =	sbr.abs _section_cstart, $3  }
0xc6: {  	[dreg:$0x1] =	wrdreg $0xFFFFFFFF  }
0xc7: {  	_ =	task.clear_ibuf [dreg:s7], $0x2FFFF;
	_ =	strace $0x9FFFFFFF  }
0xc8: {  	(tm) =	ssettm $0x7FFFFFFF  }
0xc9: {  	_ =	shalt  }
tec
execute0_lowered:
.L_overlay_start_1:
0x0: {  	(tag) =	ssettag $0x1  }
0x1: {  	s1 =	srdreg.scid  }
0x2: {  	s8 =	rddreg [dreg:$0x0];
	s0 =	stileid.u32;
	s22 =	sand.u32 $0x1, s1  }
0x3: {  	s21 =	rddreg [dreg:$0x1];
	s3 =	sshll.u32 s0, $0xD;
	s4 =	sshll.u32 s22, $0xC  }
0x4: {  	s2 =	simm.s32 $0x0;
	s1 =	rddreg [dreg:$0x2];
	s24 =	sor.u32 s4, s3  }
0x5: {  	[smem:$0x7FF] =	sst s2;
	s3 =	sshrl.u32 s24, $0x3  }
0x6: {  	_ =	strace $0x80000047;
	s4 =	sadd.s32 s21, s3;
	s3 =	simm.s32 $0x2  }
0x7: {  	[tilespmem:s2], [sflag:$0x2] =	stream.linear.gather [hbm4b:s4+s2], $0x200, $0x38;
	[tilespmem:$0x10200] =	vst v63  }
0x8: {  	_ =	swait.ge [sflag:s3], $0x200  }
0x9: {  	s6 =	simm.s32 $0x200;
	[sflag:s3] =	ssyncset.done $0x0  }
0xa: {  	s7 =	simm.s32 $0x1;
	s5 =	sadd.s32 $0x1A00, s8;
	[sflag:s3] =	ssyncadd.s32 $0xFFFFFE00  }
0xb: {  	[tilespmem:s6], [sflag:$0x1] =	stream.indirect.gather [hbm4b:s5+s6], $0x80, s2, s6, $0xb8;
	[tilespmem:$0x10200] =	vst v63  }
0xc: {  	_ =	swait.ge [sflag:s7], $0x10000  }
0xd: {  	s23 =	sadd.s32 $0x81A00, s8;
	s28 =	sshll.u32 s24, $0x4;
	[sflag:s7] =	ssyncset.done $0x0  }
0xe: {  	s8 =	sadd.s32 s23, s28;
	[sflag:s7] =	ssyncadd.s32 $0xFFFF0000  }
0xf: {  	[hbm4b:s8+s2] =	stream.linear.scatter [tilespmem:s6], [sflag:$0x2], $0x10000, $0x38;
	[tilespmem:$0x10200] =	vst v63  }
0x10: {  	s10 =	sor.u32 $0x200, s24;
	_ =	swait.ge [sflag:s3], $0x10000  }
0x11: {  	s9 =	sshrl.u32 s10, $0x3;
	[sflag:s3] =	ssyncset.done $0x0  }
0x12: {  	s9 =	sadd.s32 s21, s9;
	[sflag:s3] =	ssyncadd.s32 $0xFFFF0000  }
0x13: {  	[tilespmem:s2], [sflag:$0x2] =	stream.linear.gather [hbm4b:s9+s2], $0x200, $0x38;
	[tilespmem:$0x10200] =	vst v63  }
0x14: {  	_ =	swait.ge [sflag:s3], $0x200  }
0x15: {  	[sflag:s3] =	ssyncset.done $0x0  }
0x16: {  	[sflag:s3] =	ssyncadd.s32 $0xFFFFFE00  }
0x17: {  	[tilespmem:s6], [sflag:$0x1] =	stream.indirect.gather [hbm4b:s5+s6], $0x80, s2, s6, $0xb8;
	[tilespmem:$0x10200] =	vst v63  }
0x18: {  	_ =	swait.ge [sflag:s7], $0x10000  }
0x19: {  	s10 =	sshll.u32 s10, $0x4;
	[sflag:s7] =	ssyncset.done $0x0  }
0x1a: {  	s10 =	sadd.s32 s23, s10;
	[sflag:s7] =	ssyncadd.s32 $0xFFFF0000  }
0x1b: {  	[hbm4b:s10+s2] =	stream.linear.scatter [tilespmem:s6], [sflag:$0x2], $0x10000, $0x38;
	[tilespmem:$0x10200] =	vst v63  }
0x1c: {  	s12 =	sor.u32 $0x400, s24;
	_ =	swait.ge [sflag:s3], $0x10000  }
0x1d: {  	s11 =	sshrl.u32 s12, $0x3;
	[sflag:s3] =	ssyncset.done $0x0  }
0x1e: {  	s11 =	sadd.s32 s21, s11;
	[sflag:s3] =	ssyncadd.s32 $0xFFFF0000  }
0x1f: {  	[tilespmem:s2], [sflag:$0x2] =	stream.linear.gather [hbm4b:s11+s2], $0x200, $0x38;
	[tilespmem:$0x10200] =	vst v63  }
0x20: {  	_ =	swait.ge [sflag:s3], $0x200  }
0x21: {  	[sflag:s3] =	ssyncset.done $0x0  }
0x22: {  	[sflag:s3] =	ssyncadd.s32 $0xFFFFFE00  }
0x23: {  	[tilespmem:s6], [sflag:$0x1] =	stream.indirect.gather [hbm4b:s5+s6], $0x80, s2, s6, $0xb8;
	[tilespmem:$0x10200] =	vst v63  }
0x24: {  	_ =	swait.ge [sflag:s7], $0x10000  }
0x25: {  	s12 =	sshll.u32 s12, $0x4;
	[sflag:s7] =	ssyncset.done $0x0  }
0x26: {  	s12 =	sadd.s32 s23, s12;
	[sflag:s7] =	ssyncadd.s32 $0xFFFF0000  }
0x27: {  	[hbm4b:s12+s2] =	stream.linear.scatter [tilespmem:s6], [sflag:$0x2], $0x10000, $0x38;
	[tilespmem:$0x10200] =	vst v63  }
0x28: {  	s14 =	sor.u32 $0x600, s24;
	_ =	swait.ge [sflag:s3], $0x10000  }
0x29: {  	s13 =	sshrl.u32 s14, $0x3;
	[sflag:s3] =	ssyncset.done $0x0  }
0x2a: {  	s13 =	sadd.s32 s21, s13;
	[sflag:s3] =	ssyncadd.s32 $0xFFFF0000  }
0x2b: {  	[tilespmem:s2], [sflag:$0x2] =	stream.linear.gather [hbm4b:s13+s2], $0x200, $0x38;
	[tilespmem:$0x10200] =	vst v63  }
0x2c: {  	_ =	swait.ge [sflag:s3], $0x200  }
0x2d: {  	[sflag:s3] =	ssyncset.done $0x0  }
0x2e: {  	[sflag:s3] =	ssyncadd.s32 $0xFFFFFE00  }
0x2f: {  	[tilespmem:s6], [sflag:$0x1] =	stream.indirect.gather [hbm4b:s5+s6], $0x80, s2, s6, $0xb8;
	[tilespmem:$0x10200] =	vst v63  }
0x30: {  	_ =	swait.ge [sflag:s7], $0x10000  }
0x31: {  	s14 =	sshll.u32 s14, $0x4;
	[sflag:s7] =	ssyncset.done $0x0  }
0x32: {  	s14 =	sadd.s32 s23, s14;
	[sflag:s7] =	ssyncadd.s32 $0xFFFF0000  }
0x33: {  	[hbm4b:s14+s2] =	stream.linear.scatter [tilespmem:s6], [sflag:$0x2], $0x10000, $0x38;
	[tilespmem:$0x10200] =	vst v63  }
0x34: {  	s16 =	sor.u32 $0x800, s24;
	_ =	swait.ge [sflag:s3], $0x10000  }
0x35: {  	s15 =	sshrl.u32 s16, $0x3;
	[sflag:s3] =	ssyncset.done $0x0  }
0x36: {  	s15 =	sadd.s32 s21, s15;
	[sflag:s3] =	ssyncadd.s32 $0xFFFF0000  }
0x37: {  	[tilespmem:s2], [sflag:$0x2] =	stream.linear.gather [hbm4b:s15+s2], $0x200, $0x38;
	[tilespmem:$0x10200] =	vst v63  }
0x38: {  	_ =	swait.ge [sflag:s3], $0x200  }
0x39: {  	[sflag:s3] =	ssyncset.done $0x0  }
0x3a: {  	[sflag:s3] =	ssyncadd.s32 $0xFFFFFE00  }
0x3b: {  	[tilespmem:s6], [sflag:$0x1] =	stream.indirect.gather [hbm4b:s5+s6], $0x80, s2, s6, $0xb8;
	[tilespmem:$0x10200] =	vst v63  }
0x3c: {  	_ =	swait.ge [sflag:s7], $0x10000  }
0x3d: {  	s16 =	sshll.u32 s16, $0x4;
	[sflag:s7] =	ssyncset.done $0x0  }
0x3e: {  	s16 =	sadd.s32 s23, s16;
	[sflag:s7] =	ssyncadd.s32 $0xFFFF0000  }
0x3f: {  	[hbm4b:s16+s2] =	stream.linear.scatter [tilespmem:s6], [sflag:$0x2], $0x10000, $0x38;
	[tilespmem:$0x10200] =	vst v63  }
0x40: {  	s18 =	sor.u32 $0xA00, s24;
	_ =	swait.ge [sflag:s3], $0x10000  }
0x41: {  	s17 =	sshrl.u32 s18, $0x3;
	[sflag:s3] =	ssyncset.done $0x0  }
0x42: {  	s17 =	sadd.s32 s21, s17;
	[sflag:s3] =	ssyncadd.s32 $0xFFFF0000  }
0x43: {  	[tilespmem:s2], [sflag:$0x2] =	stream.linear.gather [hbm4b:s17+s2], $0x200, $0x38;
	[tilespmem:$0x10200] =	vst v63  }
0x44: {  	_ =	swait.ge [sflag:s3], $0x200  }
0x45: {  	[sflag:s3] =	ssyncset.done $0x0  }
0x46: {  	[sflag:s3] =	ssyncadd.s32 $0xFFFFFE00  }
0x47: {  	[tilespmem:s6], [sflag:$0x1] =	stream.indirect.gather [hbm4b:s5+s6], $0x80, s2, s6, $0xb8;
	[tilespmem:$0x10200] =	vst v63  }
0x48: {  	_ =	swait.ge [sflag:s7], $0x10000  }
0x49: {  	s18 =	sshll.u32 s18, $0x4;
	[sflag:s7] =	ssyncset.done $0x0  }
0x4a: {  	s18 =	sadd.s32 s23, s18;
	[sflag:s7] =	ssyncadd.s32 $0xFFFF0000  }
0x4b: {  	[hbm4b:s18+s2] =	stream.linear.scatter [tilespmem:s6], [sflag:$0x2], $0x10000, $0x38;
	[tilespmem:$0x10200] =	vst v63  }
0x4c: {  	s20 =	sor.u32 $0xC00, s24;
	_ =	swait.ge [sflag:s3], $0x10000  }
0x4d: {  	s19 =	sshrl.u32 s20, $0x3;
	[sflag:s3] =	ssyncset.done $0x0  }
0x4e: {  	s19 =	sadd.s32 s21, s19;
	[sflag:s3] =	ssyncadd.s32 $0xFFFF0000  }
0x4f: {  	[tilespmem:s2], [sflag:$0x2] =	stream.linear.gather [hbm4b:s19+s2], $0x200, $0x38;
	[tilespmem:$0x10200] =	vst v63  }
0x50: {  	_ =	swait.ge [sflag:s3], $0x200  }
0x51: {  	[sflag:s3] =	ssyncset.done $0x0  }
0x52: {  	[sflag:s3] =	ssyncadd.s32 $0xFFFFFE00  }
0x53: {  	[tilespmem:s6], [sflag:$0x1] =	stream.indirect.gather [hbm4b:s5+s6], $0x80, s2, s6, $0xb8;
	[tilespmem:$0x10200] =	vst v63  }
0x54: {  	_ =	swait.ge [sflag:s7], $0x10000  }
0x55: {  	s20 =	sshll.u32 s20, $0x4;
	[sflag:s7] =	ssyncset.done $0x0  }
0x56: {  	s20 =	sadd.s32 s23, s20;
	[sflag:s7] =	ssyncadd.s32 $0xFFFF0000  }
0x57: {  	[hbm4b:s20+s2] =	stream.linear.scatter [tilespmem:s6], [sflag:$0x2], $0x10000, $0x38;
	[tilespmem:$0x10200] =	vst v63  }
0x58: {  	s24 =	sor.u32 $0xE00, s24;
	_ =	swait.ge [sflag:s3], $0x10000  }
0x59: {  	s25 =	sshrl.u32 s24, $0x3;
	[sflag:s3] =	ssyncset.done $0x0  }
0x5a: {  	s22 =	ssub.s32 $0x2, s22;
	s21 =	sadd.s32 s21, s25;
	[sflag:s3] =	ssyncadd.s32 $0xFFFF0000  }
0x5b: {  	[tilespmem:s2], [sflag:$0x2] =	stream.linear.gather [hbm4b:s21+s2], $0x200, $0x38;
	[tilespmem:$0x10200] =	vst v63  }
0x5c: {  	s29 =	sshrl.u32 s22, $0x1;
	_ =	swait.ge [sflag:s3], $0x200  }
0x5d: {  	s25 =	ssub.s32 s22, s29;
	[sflag:s3] =	ssyncset.done $0x0  }
0x5e: {  	s31 =	smax.u32 s25, $0x1;
	[sflag:s3] =	ssyncadd.s32 $0xFFFFFE00  }
0x5f: {  	[tilespmem:s6], [sflag:$0x1] =	stream.indirect.gather [hbm4b:s5+s6], $0x80, s2, s6, $0xb8;
	[tilespmem:$0x10200] =	vst v63  }
0x60: {  	p0 =	sne.s32 s31, $0x1;
	_ =	swait.ge [sflag:s7], $0x10000  }
.Ltmp0:
0x61: {  	s30 =	sshll.u32 s24, $0x4;
	[sflag:s7] =	ssyncset.done $0x0;
	(pc) =	sbr.rel @!p0 .LBB2_2-.Ltmp0, $4  }
0x62: {  	s22 =	sadd.s32 s23, s30;
	[sflag:s7] =	ssyncadd.s32 $0xFFFF0000  }
0x63: {  	[hbm4b:s22+s2] =	stream.linear.scatter [tilespmem:s6], [sflag:$0x2], $0x10000, $0x38;
	[tilespmem:$0x10200] =	vst v63  }
0x64: {  	_ =	swait.ge [sflag:s3], $0x10000  }
0x65: {  	s23 =	sadd.s32 $0xFFFFFFFF, s31;
	[sflag:s3] =	ssyncset.done $0x0  }
.LBB2_1:
0x66: {  	p0 =	sne.s32 s23, $0x1;
	s23 =	sadd.s32 $0xFFFFFFFF, s23;
	[sflag:s3] =	ssyncadd.s32 $0xFFFF0000  }
0x67: {  	[tilespmem:s2], [sflag:$0x2] =	stream.linear.gather [hbm4b:s4+s2], $0x200, $0x38;
	[tilespmem:$0x10200] =	vst v63  }
0x68: {  	_ =	swait.ge [sflag:s3], $0x200  }
0x69: {  	[sflag:s3] =	ssyncset.done $0x0  }
0x6a: {  	[sflag:s3] =	ssyncadd.s32 $0xFFFFFE00  }
0x6b: {  	[tilespmem:s6], [sflag:$0x1] =	stream.indirect.gather [hbm4b:s5+s6], $0x80, s2, s6, $0xb8;
	[tilespmem:$0x10200] =	vst v63  }
0x6c: {  	_ =	swait.ge [sflag:s7], $0x10000  }
0x6d: {  	[sflag:s7] =	ssyncset.done $0x0  }
0x6e: {  	[sflag:s7] =	ssyncadd.s32 $0xFFFF0000  }
0x6f: {  	[hbm4b:s8+s2] =	stream.linear.scatter [tilespmem:s6], [sflag:$0x2], $0x10000, $0x38;
	[tilespmem:$0x10200] =	vst v63  }
0x70: {  	_ =	swait.ge [sflag:s3], $0x10000  }
0x71: {  	[sflag:s3] =	ssyncset.done $0x0  }
0x72: {  	[sflag:s3] =	ssyncadd.s32 $0xFFFF0000  }
0x73: {  	[tilespmem:s2], [sflag:$0x2] =	stream.linear.gather [hbm4b:s9+s2], $0x200, $0x38;
	[tilespmem:$0x10200] =	vst v63  }
0x74: {  	_ =	swait.ge [sflag:s3], $0x200  }
0x75: {  	[sflag:s3] =	ssyncset.done $0x0  }
0x76: {  	[sflag:s3] =	ssyncadd.s32 $0xFFFFFE00  }
0x77: {  	[tilespmem:s6], [sflag:$0x1] =	stream.indirect.gather [hbm4b:s5+s6], $0x80, s2, s6, $0xb8;
	[tilespmem:$0x10200] =	vst v63  }
0x78: {  	_ =	swait.ge [sflag:s7], $0x10000  }
0x79: {  	[sflag:s7] =	ssyncset.done $0x0  }
0x7a: {  	[sflag:s7] =	ssyncadd.s32 $0xFFFF0000  }
0x7b: {  	[hbm4b:s10+s2] =	stream.linear.scatter [tilespmem:s6], [sflag:$0x2], $0x10000, $0x38;
	[tilespmem:$0x10200] =	vst v63  }
0x7c: {  	_ =	swait.ge [sflag:s3], $0x10000  }
0x7d: {  	[sflag:s3] =	ssyncset.done $0x0  }
0x7e: {  	[sflag:s3] =	ssyncadd.s32 $0xFFFF0000  }
0x7f: {  	[tilespmem:s2], [sflag:$0x2] =	stream.linear.gather [hbm4b:s11+s2], $0x200, $0x38;
	[tilespmem:$0x10200] =	vst v63  }
0x80: {  	_ =	swait.ge [sflag:s3], $0x200  }
0x81: {  	[sflag:s3] =	ssyncset.done $0x0  }
0x82: {  	[sflag:s3] =	ssyncadd.s32 $0xFFFFFE00  }
0x83: {  	[tilespmem:s6], [sflag:$0x1] =	stream.indirect.gather [hbm4b:s5+s6], $0x80, s2, s6, $0xb8;
	[tilespmem:$0x10200] =	vst v63  }
0x84: {  	_ =	swait.ge [sflag:s7], $0x10000  }
0x85: {  	[sflag:s7] =	ssyncset.done $0x0  }
0x86: {  	[sflag:s7] =	ssyncadd.s32 $0xFFFF0000  }
0x87: {  	[hbm4b:s12+s2] =	stream.linear.scatter [tilespmem:s6], [sflag:$0x2], $0x10000, $0x38;
	[tilespmem:$0x10200] =	vst v63  }
0x88: {  	_ =	swait.ge [sflag:s3], $0x10000  }
0x89: {  	[sflag:s3] =	ssyncset.done $0x0  }
0x8a: {  	[sflag:s3] =	ssyncadd.s32 $0xFFFF0000  }
0x8b: {  	[tilespmem:s2], [sflag:$0x2] =	stream.linear.gather [hbm4b:s13+s2], $0x200, $0x38;
	[tilespmem:$0x10200] =	vst v63  }
0x8c: {  	_ =	swait.ge [sflag:s3], $0x200  }
0x8d: {  	[sflag:s3] =	ssyncset.done $0x0  }
0x8e: {  	[sflag:s3] =	ssyncadd.s32 $0xFFFFFE00  }
0x8f: {  	[tilespmem:s6], [sflag:$0x1] =	stream.indirect.gather [hbm4b:s5+s6], $0x80, s2, s6, $0xb8;
	[tilespmem:$0x10200] =	vst v63  }
0x90: {  	_ =	swait.ge [sflag:s7], $0x10000  }
0x91: {  	[sflag:s7] =	ssyncset.done $0x0  }
0x92: {  	[sflag:s7] =	ssyncadd.s32 $0xFFFF0000  }
0x93: {  	[hbm4b:s14+s2] =	stream.linear.scatter [tilespmem:s6], [sflag:$0x2], $0x10000, $0x38;
	[tilespmem:$0x10200] =	vst v63  }
0x94: {  	_ =	swait.ge [sflag:s3], $0x10000  }
0x95: {  	[sflag:s3] =	ssyncset.done $0x0  }
0x96: {  	[sflag:s3] =	ssyncadd.s32 $0xFFFF0000  }
0x97: {  	[tilespmem:s2], [sflag:$0x2] =	stream.linear.gather [hbm4b:s15+s2], $0x200, $0x38;
	[tilespmem:$0x10200] =	vst v63  }
0x98: {  	_ =	swait.ge [sflag:s3], $0x200  }
0x99: {  	[sflag:s3] =	ssyncset.done $0x0  }
0x9a: {  	[sflag:s3] =	ssyncadd.s32 $0xFFFFFE00  }
0x9b: {  	[tilespmem:s6], [sflag:$0x1] =	stream.indirect.gather [hbm4b:s5+s6], $0x80, s2, s6, $0xb8;
	[tilespmem:$0x10200] =	vst v63  }
0x9c: {  	_ =	swait.ge [sflag:s7], $0x10000  }
0x9d: {  	[sflag:s7] =	ssyncset.done $0x0  }
0x9e: {  	[sflag:s7] =	ssyncadd.s32 $0xFFFF0000  }
0x9f: {  	[hbm4b:s16+s2] =	stream.linear.scatter [tilespmem:s6], [sflag:$0x2], $0x10000, $0x38;
	[tilespmem:$0x10200] =	vst v63  }
0xa0: {  	_ =	swait.ge [sflag:s3], $0x10000  }
0xa1: {  	[sflag:s3] =	ssyncset.done $0x0  }
0xa2: {  	[sflag:s3] =	ssyncadd.s32 $0xFFFF0000  }
0xa3: {  	[tilespmem:s2], [sflag:$0x2] =	stream.linear.gather [hbm4b:s17+s2], $0x200, $0x38;
	[tilespmem:$0x10200] =	vst v63  }
0xa4: {  	_ =	swait.ge [sflag:s3], $0x200  }
0xa5: {  	[sflag:s3] =	ssyncset.done $0x0  }
0xa6: {  	[sflag:s3] =	ssyncadd.s32 $0xFFFFFE00  }
0xa7: {  	[tilespmem:s6], [sflag:$0x1] =	stream.indirect.gather [hbm4b:s5+s6], $0x80, s2, s6, $0xb8;
	[tilespmem:$0x10200] =	vst v63  }
0xa8: {  	_ =	swait.ge [sflag:s7], $0x10000  }
0xa9: {  	[sflag:s7] =	ssyncset.done $0x0  }
0xaa: {  	[sflag:s7] =	ssyncadd.s32 $0xFFFF0000  }
0xab: {  	[hbm4b:s18+s2] =	stream.linear.scatter [tilespmem:s6], [sflag:$0x2], $0x10000, $0x38;
	[tilespmem:$0x10200] =	vst v63  }
0xac: {  	_ =	swait.ge [sflag:s3], $0x10000  }
0xad: {  	[sflag:s3] =	ssyncset.done $0x0  }
0xae: {  	[sflag:s3] =	ssyncadd.s32 $0xFFFF0000  }
0xaf: {  	[tilespmem:s2], [sflag:$0x2] =	stream.linear.gather [hbm4b:s19+s2], $0x200, $0x38;
	[tilespmem:$0x10200] =	vst v63  }
0xb0: {  	_ =	swait.ge [sflag:s3], $0x200  }
0xb1: {  	[sflag:s3] =	ssyncset.done $0x0  }
0xb2: {  	[sflag:s3] =	ssyncadd.s32 $0xFFFFFE00  }
0xb3: {  	[tilespmem:s6], [sflag:$0x1] =	stream.indirect.gather [hbm4b:s5+s6], $0x80, s2, s6, $0xb8;
	[tilespmem:$0x10200] =	vst v63  }
0xb4: {  	_ =	swait.ge [sflag:s7], $0x10000  }
0xb5: {  	[sflag:s7] =	ssyncset.done $0x0  }
0xb6: {  	[sflag:s7] =	ssyncadd.s32 $0xFFFF0000  }
0xb7: {  	[hbm4b:s20+s2] =	stream.linear.scatter [tilespmem:s6], [sflag:$0x2], $0x10000, $0x38;
	[tilespmem:$0x10200] =	vst v63  }
0xb8: {  	_ =	swait.ge [sflag:s3], $0x10000  }
0xb9: {  	[sflag:s3] =	ssyncset.done $0x0  }
0xba: {  	[sflag:s3] =	ssyncadd.s32 $0xFFFF0000  }
0xbb: {  	[tilespmem:s2], [sflag:$0x2] =	stream.linear.gather [hbm4b:s21+s2], $0x200, $0x38;
	[tilespmem:$0x10200] =	vst v63  }
0xbc: {  	_ =	swait.ge [sflag:s3], $0x200  }
0xbd: {  	[sflag:s3] =	ssyncset.done $0x0  }
0xbe: {  	[sflag:s3] =	ssyncadd.s32 $0xFFFFFE00  }
0xbf: {  	[tilespmem:s6], [sflag:$0x1] =	stream.indirect.gather [hbm4b:s5+s6], $0x80, s2, s6, $0xb8;
	[tilespmem:$0x10200] =	vst v63  }
0xc0: {  	_ =	swait.ge [sflag:s7], $0x10000  }
.Ltmp1:
0xc1: {  	[sflag:s7] =	ssyncset.done $0x0;
	(pc) =	sbr.rel @p0 .LBB2_1-.Ltmp1, $4  }
0xc2: {  	[sflag:s7] =	ssyncadd.s32 $0xFFFF0000  }
0xc3: {  	[hbm4b:s22+s2] =	stream.linear.scatter [tilespmem:s6], [sflag:$0x2], $0x10000, $0x38;
	[tilespmem:$0x10200] =	vst v63  }
0xc4: {  	_ =	swait.ge [sflag:s3], $0x10000  }
0xc5: {  	[sflag:s3] =	ssyncset.done $0x0  }
.LBB2_2:
0xc6: {  	[sflag:s3] =	ssyncadd.s32 $0xFFFF0000  }
0xc7: {  	_ =	sfence.sel $0x180000  }
0xc8: {  	[bflag:$0x0] =	sbarrier.arrive $0xFFFF  }
0xc9: {  	p0 =	sne.s32 s0, $0x0;
	_ =	strace $0x90000047  }
0xca: {  	s0 =	sadd.s32 @!p0 $0x100000, s1;
	[bflag:$0x2] =	sbarrier.arrive $0xFFFF  }
0xcb: {  	[sflag:s0] =	ssyncadd.tile.s32 @!p0 $0x1;
	_ =	shalt  }
.Lfunc_end2:
_tile_overlayer_lowered:
.L_overlay_start_2:
0xcc: {  	(tag) =	ssettag $0x2  }
0xcd: {  	s0 =	rddreg [dreg:$0x0];
	s2 =	stileid.u32  }
0xce: {  	s1 =	rddreg [dreg:$0x1];
	p0 =	sne.s32 s2, $0x0  }
0xcf: {  	s3 =	rddreg [dreg:$0x2];
	[bflag:$0x3] =	sbarrier.arrive $0xFFFF;
	s2 =	simm.s32 @!p0 $0x1C02  }
0xd0: {  	[timem:s3], [sflag:s2] =	dma.local @!p0 [hbm:s0], s1  }
0xd1: {  	s0 =	simm.s32 @!p0 $0x2  }
0xd2: {  	_ =	swait.ge @!p0 [sflag:s0], s1  }
0xd3: {  	s1 =	ssub.s32 @!p0 $0x0, s1;
	[sflag:s0] =	ssyncset.done @!p0 $0x0  }
0xd4: {  	[sflag:s0] =	ssyncadd.s32 @!p0 s1  }
0xd5: {  	[bflag:$0x3] =	sbarrier.arrive $0xFFFF  }
0xd6: {  	_ =	shalt  }

</sc_bundles>
